<compile_context>
chip_gen: v7x
topology: tpu7x:2x2x1
jax: 0.10.2.dev20260603
libtpu: 0.0.44.dev20260713+nightly
codegen_flags: <defaults>
</compile_context>

<pallas_src>
import functools
import jax
import jax.numpy as jnp
from jax import lax
from jax.experimental import pallas as pl
from jax.experimental.pallas import tpu as pltpu
from jax.experimental.pallas import tpu_sc as plsc

BATCH = 4096
N_CLUSTERS = 8192
NC = 2
NS = 16
L = 16
NW = NC * NS
B_W = BATCH // NW
PG = 8
NV = N_CLUSTERS // L

_mesh = plsc.VectorSubcoreMesh(core_axis_name="c", subcore_axis_name="s")


_DNUMS = lax.GatherDimensionNumbers(
    offset_dims=(), collapsed_slice_dims=(0,), start_index_map=(0,))


def _bcast_lane(vec, lane):
    idx = jnp.full((L, 1), lane, jnp.int32)
    return lax.gather(vec, idx, _DNUMS, (1,),
                      mode=lax.GatherScatterMode.PROMISE_IN_BOUNDS)


def _lane_perm(vec, perm):
    idx = perm.reshape(L, 1)
    return lax.gather(vec, idx, _DNUMS, (1,),
                      mode=lax.GatherScatterMode.PROMISE_IN_BOUNDS)


def _allmin(vec):
    lanes = lax.broadcasted_iota(jnp.int32, (L,), 0)
    for s in (8, 4, 2, 1):
        vec = jnp.minimum(vec, _lane_perm(vec, lanes ^ s))
    return vec


@functools.partial(
    pl.kernel,
    mesh=_mesh,
    out_type=jax.ShapeDtypeStruct((BATCH,), jnp.int32),
    scratch_types=[
        pltpu.VMEM((B_W,), jnp.float32),
        pltpu.VMEM((B_W,), jnp.float32),
        pltpu.VMEM((N_CLUSTERS,), jnp.float32),
        pltpu.VMEM((N_CLUSTERS,), jnp.float32),
        pltpu.VMEM((B_W,), jnp.int32),
    ],
)
def _sc_assign(x0_hbm, x1_hbm, c0_hbm, c1_hbm, out_hbm,
               x0_v, x1_v, c0_v, c1_v, o_v):
    wid = lax.axis_index("s") * NC + lax.axis_index("c")
    base = wid * B_W
    pltpu.sync_copy(x0_hbm.at[pl.ds(base, B_W)], x0_v)
    pltpu.sync_copy(x1_hbm.at[pl.ds(base, B_W)], x1_v)
    pltpu.sync_copy(c0_hbm, c0_v)
    pltpu.sync_copy(c1_hbm, c1_v)

    lanes = lax.broadcasted_iota(jnp.int32, (L,), 0)

    def group16(g, _):
        x0c = x0_v[pl.ds(g * L, L)]
        x1c = x1_v[pl.ds(g * L, L)]
        res = jnp.zeros((L,), jnp.int32)

        for h in range(L // PG):
            x0b = [_bcast_lane(x0c, h * PG + p) for p in range(PG)]
            x1b = [_bcast_lane(x1c, h * PG + p) for p in range(PG)]

            def body(v, carry, x0b=x0b, x1b=x1b):
                bestv = list(carry[:PG])
                bidx = list(carry[PG:])
                c0c = c0_v[pl.ds(v * L, L)]
                c1c = c1_v[pl.ds(v * L, L)]
                for p in range(PG):
                    d0 = x0b[p] - c0c
                    d1 = x1b[p] - c1c
                    dist = d0 * d0 + d1 * d1
                    mask = dist < bestv[p]
                    bestv[p] = jnp.where(mask, dist, bestv[p])
                    bidx[p] = jnp.where(mask, v, bidx[p])
                return tuple(bestv) + tuple(bidx)

            init = tuple(jnp.full((L,), jnp.inf, jnp.float32)
                         for _ in range(PG)) + \
                   tuple(jnp.zeros((L,), jnp.int32) for _ in range(PG))
            carry = lax.fori_loop(0, NV, body, init, unroll=4)
            bestv = carry[:PG]
            bidx = carry[PG:]

            for p in range(PG):
                m = _allmin(bestv[p])
                cand = jnp.where(bestv[p] == m, bidx[p] * L + lanes,
                                 N_CLUSTERS)
                idxv = _allmin(cand)
                res = jnp.where(lanes == h * PG + p, idxv, res)

        o_v[pl.ds(g * L, L)] = res
        return 0

    lax.fori_loop(0, B_W // L, group16, 0)
    pltpu.sync_copy(o_v, out_hbm.at[pl.ds(base, B_W)])


def kernel(inputs, cluster_centers):
    x0 = inputs[:, 0]
    x1 = inputs[:, 1]
    c0 = cluster_centers[:, 0]
    c1 = cluster_centers[:, 1]
    return _sc_assign(x0, x1, c0, c1)

# --- scband reference (transcript-rebuilt; emitter-appended) ---
"""Pipeline reference for scband-kmeans-model-36593121362034 (READ-ONLY COPY).

The authoritative reference and input builder live on the scoring server;
editing this copy changes nothing except your own understanding.
"""

import jax, jax.numpy as jnp
import numpy as np

N_CLUSTERS = 8192
N_FEATURES = 2
BATCH = 4096


def setup_inputs(seed: int = 0) -> dict:
    key = jax.random.key(seed)
    k1, k2 = jax.random.split(key)
    inputs = jax.random.normal(k1, (BATCH, N_FEATURES), dtype=jnp.float32)
    cluster_centers = jax.random.normal(k2, (N_CLUSTERS, N_FEATURES), dtype=jnp.float32)
    return {"inputs": inputs, "cluster_centers": cluster_centers}


def reference(inputs, cluster_centers):
    # Faithful translation of KMeansModel.call:
    #   expanded_vectors = tf.expand_dims(inputs, axis=1)        -> [B, 1, d]
    #   expanded_centers = tf.expand_dims(cluster_centers, 0)    -> [1, K, d]
    #   distances = reduce_sum(square(diff), axis=-1)            -> [B, K]
    #   return argmin(distances, axis=-1)                        -> [B]
    expanded_vectors = jnp.expand_dims(inputs, axis=1)
    expanded_centers = jnp.expand_dims(cluster_centers, axis=0)
    distances = jnp.sum(jnp.square(expanded_vectors - expanded_centers), axis=-1)
    return jnp.argmin(distances, axis=-1)

if __name__ == "__main__":
    import jax
    _d = setup_inputs()
    print(jax.jit(kernel)(*tuple(_d.values())))

</pallas_src>

<mosaic_0001>
#map = affine_map<(d0, d1) -> (0)>
module attributes {stable_mosaic.version = 14 : i64} {
  func.func @_sc_assign(%arg0: i32, %arg1: i32, %arg2: memref<4096xf32, #tpu.memory_space<hbm>>, %arg3: memref<4096xf32, #tpu.memory_space<hbm>>, %arg4: memref<8192xf32, #tpu.memory_space<hbm>>, %arg5: memref<8192xf32, #tpu.memory_space<hbm>>, %arg6: memref<4096xi32, #tpu.memory_space<hbm>>, %arg7: memref<128xf32, #tpu.memory_space<vmem>>, %arg8: memref<128xf32, #tpu.memory_space<vmem>>, %arg9: memref<8192xf32, #tpu.memory_space<vmem>>, %arg10: memref<8192xf32, #tpu.memory_space<vmem>>, %arg11: memref<128xi32, #tpu.memory_space<vmem>>) attributes {dimension_semantics = [#tpu.dimension_semantics<core_parallel>, #tpu.dimension_semantics<subcore_parallel>], iteration_bounds = array<i64: 2, 16>, scalar_prefetch = 0 : i64, scratch_operands = 5 : i64, tpu.core_type = #tpu.core_type<sc_vector_subcore>, window_params = [{transform_indices = #map}, {transform_indices = #map}, {transform_indices = #map}, {transform_indices = #map}, {transform_indices = #map}]} {
    %mul3A = arith.constant 2 : i32
    %mul3A_0 = arith.muli %arg1, %mul3A : i32
    %add3A = arith.addi %mul3A_0, %arg0 : i32
    %mul3A_1 = arith.constant 128 : i32
    %mul3A_2 = arith.muli %add3A, %mul3A_1 : i32
    "tpu.region"() ({
      %run_scoped3A = tpu.sem_alloc : memref<!tpu.dma_semaphore, #tpu.memory_space<semaphore_mem>>
      %dma_start3A = tpu.memref_slice %arg2[%mul3A_2] : memref<4096xf32, #tpu.memory_space<hbm>> -> memref<128xf32, #tpu.memory_space<hbm>>
      %dma_start3A_9 = tpu.memref_slice %arg2[%mul3A_2] : memref<4096xf32, #tpu.memory_space<hbm>> -> memref<128xf32, #tpu.memory_space<hbm>>
      tpu.enqueue_dma source(%dma_start3A_9 : memref<128xf32, #tpu.memory_space<hbm>>) target(%arg7 : memref<128xf32, #tpu.memory_space<vmem>>) target_semaphore(%run_scoped3A : memref<!tpu.dma_semaphore, #tpu.memory_space<semaphore_mem>>)
      %dma_wait3A = tpu.memref_slice %arg2[%mul3A_2] : memref<4096xf32, #tpu.memory_space<hbm>> -> memref<128xf32, #tpu.memory_space<hbm>>
      %dma_wait3A_10 = tpu.memref_slice %arg2[%mul3A_2] : memref<4096xf32, #tpu.memory_space<hbm>> -> memref<128xf32, #tpu.memory_space<hbm>>
      tpu.wait_dma2 semaphore(%run_scoped3A : memref<!tpu.dma_semaphore, #tpu.memory_space<semaphore_mem>>) src(%dma_wait3A_10 : memref<128xf32, #tpu.memory_space<hbm>>) dst(%arg7 : memref<128xf32, #tpu.memory_space<vmem>>)
      tpu.yield
    }) : () -> ()
    "tpu.region"() ({
      %run_scoped3A = tpu.sem_alloc : memref<!tpu.dma_semaphore, #tpu.memory_space<semaphore_mem>>
      %dma_start3A = tpu.memref_slice %arg3[%mul3A_2] : memref<4096xf32, #tpu.memory_space<hbm>> -> memref<128xf32, #tpu.memory_space<hbm>>
      %dma_start3A_9 = tpu.memref_slice %arg3[%mul3A_2] : memref<4096xf32, #tpu.memory_space<hbm>> -> memref<128xf32, #tpu.memory_space<hbm>>
      tpu.enqueue_dma source(%dma_start3A_9 : memref<128xf32, #tpu.memory_space<hbm>>) target(%arg8 : memref<128xf32, #tpu.memory_space<vmem>>) target_semaphore(%run_scoped3A : memref<!tpu.dma_semaphore, #tpu.memory_space<semaphore_mem>>)
      %dma_wait3A = tpu.memref_slice %arg3[%mul3A_2] : memref<4096xf32, #tpu.memory_space<hbm>> -> memref<128xf32, #tpu.memory_space<hbm>>
      %dma_wait3A_10 = tpu.memref_slice %arg3[%mul3A_2] : memref<4096xf32, #tpu.memory_space<hbm>> -> memref<128xf32, #tpu.memory_space<hbm>>
      tpu.wait_dma2 semaphore(%run_scoped3A : memref<!tpu.dma_semaphore, #tpu.memory_space<semaphore_mem>>) src(%dma_wait3A_10 : memref<128xf32, #tpu.memory_space<hbm>>) dst(%arg8 : memref<128xf32, #tpu.memory_space<vmem>>)
      tpu.yield
    }) : () -> ()
    "tpu.region"() ({
      %run_scoped3A = tpu.sem_alloc : memref<!tpu.dma_semaphore, #tpu.memory_space<semaphore_mem>>
      tpu.enqueue_dma source(%arg4 : memref<8192xf32, #tpu.memory_space<hbm>>) target(%arg9 : memref<8192xf32, #tpu.memory_space<vmem>>) target_semaphore(%run_scoped3A : memref<!tpu.dma_semaphore, #tpu.memory_space<semaphore_mem>>)
      tpu.wait_dma2 semaphore(%run_scoped3A : memref<!tpu.dma_semaphore, #tpu.memory_space<semaphore_mem>>) src(%arg4 : memref<8192xf32, #tpu.memory_space<hbm>>) dst(%arg9 : memref<8192xf32, #tpu.memory_space<vmem>>)
      tpu.yield
    }) : () -> ()
    "tpu.region"() ({
      %run_scoped3A = tpu.sem_alloc : memref<!tpu.dma_semaphore, #tpu.memory_space<semaphore_mem>>
      tpu.enqueue_dma source(%arg5 : memref<8192xf32, #tpu.memory_space<hbm>>) target(%arg10 : memref<8192xf32, #tpu.memory_space<vmem>>) target_semaphore(%run_scoped3A : memref<!tpu.dma_semaphore, #tpu.memory_space<semaphore_mem>>)
      tpu.wait_dma2 semaphore(%run_scoped3A : memref<!tpu.dma_semaphore, #tpu.memory_space<semaphore_mem>>) src(%arg5 : memref<8192xf32, #tpu.memory_space<hbm>>) dst(%arg10 : memref<8192xf32, #tpu.memory_space<vmem>>)
      tpu.yield
    }) : () -> ()
    %iota3A = tpu.iota {dimensions = array<i32: 0>} : vector<16xi32>
    %scan3A = arith.constant 0 : i32
    %scan3A_3 = arith.constant 0 : i32
    %scan3A_4 = arith.constant 8 : i32
    %scan3A_5 = arith.addi %scan3A_3, %scan3A_4 : i32
    %scan3A_6 = arith.constant 1 : i32
    %scan3A_7 = scf.for %scan3A_9 = %scan3A_3 to %scan3A_5 step %scan3A_6 iter_args(%scan3A_10 = %scan3A) -> (i32)  : i32 {
      %mul3A_11 = arith.constant 16 : i32
      %mul3A_12 = arith.muli %scan3A_9, %mul3A_11 : i32
      %get3A = arith.index_cast %mul3A_12 : i32 to index
      %get3A_13 = tpu.vector_load %arg7[%get3A] {strides = array<i32>} : memref<128xf32, #tpu.memory_space<vmem>>, vector<16xf32>,
      %get3A_14 = vector.shape_cast %get3A_13 : vector<16xf32> to vector<16xf32>
      %mul3A_15 = arith.constant 16 : i32
      %mul3A_16 = arith.muli %scan3A_9, %mul3A_15 : i32
      %get3A_17 = arith.index_cast %mul3A_16 : i32 to index
      %get3A_18 = tpu.vector_load %arg8[%get3A_17] {strides = array<i32>} : memref<128xf32, #tpu.memory_space<vmem>>, vector<16xf32>,
      %get3A_19 = vector.shape_cast %get3A_18 : vector<16xf32> to vector<16xf32>
      %broadcast_in_dim3A = arith.constant 0 : i32
      %broadcast_in_dim3A_20 = vector.broadcast %broadcast_in_dim3A : i32 to vector<16xi32>
      %broadcast_in_dim3A_21 = arith.constant 0 : i32
      %broadcast_in_dim3A_22 = vector.broadcast %broadcast_in_dim3A_21 : i32 to vector<16x1xi32>
      %gather3A = vector.shape_cast %broadcast_in_dim3A_22 : vector<16x1xi32> to vector<16xi32>
      %gather3A_23 = tpu.dynamic_gather %get3A_14[%gather3A] in [0] : vector<16xf32>, vector<16xi32> -> vector<16xf32>
      %broadcast_in_dim3A_24 = arith.constant 1 : i32
      %broadcast_in_dim3A_25 = vector.broadcast %broadcast_in_dim3A_24 : i32 to vector<16x1xi32>
      %gather3A_26 = vector.shape_cast %broadcast_in_dim3A_25 : vector<16x1xi32> to vector<16xi32>
      %gather3A_27 = tpu.dynamic_gather %get3A_14[%gather3A_26] in [0] : vector<16xf32>, vector<16xi32> -> vector<16xf32>
      %broadcast_in_dim3A_28 = arith.constant 2 : i32
      %broadcast_in_dim3A_29 = vector.broadcast %broadcast_in_dim3A_28 : i32 to vector<16x1xi32>
      %gather3A_30 = vector.shape_cast %broadcast_in_dim3A_29 : vector<16x1xi32> to vector<16xi32>
      %gather3A_31 = tpu.dynamic_gather %get3A_14[%gather3A_30] in [0] : vector<16xf32>, vector<16xi32> -> vector<16xf32>
      %broadcast_in_dim3A_32 = arith.constant 3 : i32
      %broadcast_in_dim3A_33 = vector.broadcast %broadcast_in_dim3A_32 : i32 to vector<16x1xi32>
      %gather3A_34 = vector.shape_cast %broadcast_in_dim3A_33 : vector<16x1xi32> to vector<16xi32>
      %gather3A_35 = tpu.dynamic_gather %get3A_14[%gather3A_34] in [0] : vector<16xf32>, vector<16xi32> -> vector<16xf32>
      %broadcast_in_dim3A_36 = arith.constant 4 : i32
      %broadcast_in_dim3A_37 = vector.broadcast %broadcast_in_dim3A_36 : i32 to vector<16x1xi32>
      %gather3A_38 = vector.shape_cast %broadcast_in_dim3A_37 : vector<16x1xi32> to vector<16xi32>
      %gather3A_39 = tpu.dynamic_gather %get3A_14[%gather3A_38] in [0] : vector<16xf32>, vector<16xi32> -> vector<16xf32>
      %broadcast_in_dim3A_40 = arith.constant 5 : i32
      %broadcast_in_dim3A_41 = vector.broadcast %broadcast_in_dim3A_40 : i32 to vector<16x1xi32>
      %gather3A_42 = vector.shape_cast %broadcast_in_dim3A_41 : vector<16x1xi32> to vector<16xi32>
      %gather3A_43 = tpu.dynamic_gather %get3A_14[%gather3A_42] in [0] : vector<16xf32>, vector<16xi32> -> vector<16xf32>
      %broadcast_in_dim3A_44 = arith.constant 6 : i32
      %broadcast_in_dim3A_45 = vector.broadcast %broadcast_in_dim3A_44 : i32 to vector<16x1xi32>
      %gather3A_46 = vector.shape_cast %broadcast_in_dim3A_45 : vector<16x1xi32> to vector<16xi32>
      %gather3A_47 = tpu.dynamic_gather %get3A_14[%gather3A_46] in [0] : vector<16xf32>, vector<16xi32> -> vector<16xf32>
      %broadcast_in_dim3A_48 = arith.constant 7 : i32
      %broadcast_in_dim3A_49 = vector.broadcast %broadcast_in_dim3A_48 : i32 to vector<16x1xi32>
      %gather3A_50 = vector.shape_cast %broadcast_in_dim3A_49 : vector<16x1xi32> to vector<16xi32>
      %gather3A_51 = tpu.dynamic_gather %get3A_14[%gather3A_50] in [0] : vector<16xf32>, vector<16xi32> -> vector<16xf32>
      %broadcast_in_dim3A_52 = arith.constant 0 : i32
      %broadcast_in_dim3A_53 = vector.broadcast %broadcast_in_dim3A_52 : i32 to vector<16x1xi32>
      %gather3A_54 = vector.shape_cast %broadcast_in_dim3A_53 : vector<16x1xi32> to vector<16xi32>
      %gather3A_55 = tpu.dynamic_gather %get3A_19[%gather3A_54] in [0] : vector<16xf32>, vector<16xi32> -> vector<16xf32>
      %broadcast_in_dim3A_56 = arith.constant 1 : i32
      %broadcast_in_dim3A_57 = vector.broadcast %broadcast_in_dim3A_56 : i32 to vector<16x1xi32>
      %gather3A_58 = vector.shape_cast %broadcast_in_dim3A_57 : vector<16x1xi32> to vector<16xi32>
      %gather3A_59 = tpu.dynamic_gather %get3A_19[%gather3A_58] in [0] : vector<16xf32>, vector<16xi32> -> vector<16xf32>
      %broadcast_in_dim3A_60 = arith.constant 2 : i32
      %broadcast_in_dim3A_61 = vector.broadcast %broadcast_in_dim3A_60 : i32 to vector<16x1xi32>
      %gather3A_62 = vector.shape_cast %broadcast_in_dim3A_61 : vector<16x1xi32> to vector<16xi32>
      %gather3A_63 = tpu.dynamic_gather %get3A_19[%gather3A_62] in [0] : vector<16xf32>, vector<16xi32> -> vector<16xf32>
      %broadcast_in_dim3A_64 = arith.constant 3 : i32
      %broadcast_in_dim3A_65 = vector.broadcast %broadcast_in_dim3A_64 : i32 to vector<16x1xi32>
      %gather3A_66 = vector.shape_cast %broadcast_in_dim3A_65 : vector<16x1xi32> to vector<16xi32>
      %gather3A_67 = tpu.dynamic_gather %get3A_19[%gather3A_66] in [0] : vector<16xf32>, vector<16xi32> -> vector<16xf32>
      %broadcast_in_dim3A_68 = arith.constant 4 : i32
      %broadcast_in_dim3A_69 = vector.broadcast %broadcast_in_dim3A_68 : i32 to vector<16x1xi32>
      %gather3A_70 = vector.shape_cast %broadcast_in_dim3A_69 : vector<16x1xi32> to vector<16xi32>
      %gather3A_71 = tpu.dynamic_gather %get3A_19[%gather3A_70] in [0] : vector<16xf32>, vector<16xi32> -> vector<16xf32>
      %broadcast_in_dim3A_72 = arith.constant 5 : i32
      %broadcast_in_dim3A_73 = vector.broadcast %broadcast_in_dim3A_72 : i32 to vector<16x1xi32>
      %gather3A_74 = vector.shape_cast %broadcast_in_dim3A_73 : vector<16x1xi32> to vector<16xi32>
      %gather3A_75 = tpu.dynamic_gather %get3A_19[%gather3A_74] in [0] : vector<16xf32>, vector<16xi32> -> vector<16xf32>
      %broadcast_in_dim3A_76 = arith.constant 6 : i32
      %broadcast_in_dim3A_77 = vector.broadcast %broadcast_in_dim3A_76 : i32 to vector<16x1xi32>
      %gather3A_78 = vector.shape_cast %broadcast_in_dim3A_77 : vector<16x1xi32> to vector<16xi32>
      %gather3A_79 = tpu.dynamic_gather %get3A_19[%gather3A_78] in [0] : vector<16xf32>, vector<16xi32> -> vector<16xf32>
      %broadcast_in_dim3A_80 = arith.constant 7 : i32
      %broadcast_in_dim3A_81 = vector.broadcast %broadcast_in_dim3A_80 : i32 to vector<16x1xi32>
      %gather3A_82 = vector.shape_cast %broadcast_in_dim3A_81 : vector<16x1xi32> to vector<16xi32>
      %gather3A_83 = tpu.dynamic_gather %get3A_19[%gather3A_82] in [0] : vector<16xf32>, vector<16xi32> -> vector<16xf32>
      %broadcast_in_dim3A_84 = arith.constant 0x7F800000 : f32
      %broadcast_in_dim3A_85 = vector.broadcast %broadcast_in_dim3A_84 : f32 to vector<16xf32>
      %broadcast_in_dim3A_86 = arith.constant 0x7F800000 : f32
      %broadcast_in_dim3A_87 = vector.broadcast %broadcast_in_dim3A_86 : f32 to vector<16xf32>
      %broadcast_in_dim3A_88 = arith.constant 0x7F800000 : f32
      %broadcast_in_dim3A_89 = vector.broadcast %broadcast_in_dim3A_88 : f32 to vector<16xf32>
      %broadcast_in_dim3A_90 = arith.constant 0x7F800000 : f32
      %broadcast_in_dim3A_91 = vector.broadcast %broadcast_in_dim3A_90 : f32 to vector<16xf32>
      %broadcast_in_dim3A_92 = arith.constant 0x7F800000 : f32
      %broadcast_in_dim3A_93 = vector.broadcast %broadcast_in_dim3A_92 : f32 to vector<16xf32>
      %broadcast_in_dim3A_94 = arith.constant 0x7F800000 : f32
      %broadcast_in_dim3A_95 = vector.broadcast %broadcast_in_dim3A_94 : f32 to vector<16xf32>
      %broadcast_in_dim3A_96 = arith.constant 0x7F800000 : f32
      %broadcast_in_dim3A_97 = vector.broadcast %broadcast_in_dim3A_96 : f32 to vector<16xf32>
      %broadcast_in_dim3A_98 = arith.constant 0x7F800000 : f32
      %broadcast_in_dim3A_99 = vector.broadcast %broadcast_in_dim3A_98 : f32 to vector<16xf32>
      %broadcast_in_dim3A_100 = arith.constant 0 : i32
      %broadcast_in_dim3A_101 = vector.broadcast %broadcast_in_dim3A_100 : i32 to vector<16xi32>
      %broadcast_in_dim3A_102 = arith.constant 0 : i32
      %broadcast_in_dim3A_103 = vector.broadcast %broadcast_in_dim3A_102 : i32 to vector<16xi32>
      %broadcast_in_dim3A_104 = arith.constant 0 : i32
      %broadcast_in_dim3A_105 = vector.broadcast %broadcast_in_dim3A_104 : i32 to vector<16xi32>
      %broadcast_in_dim3A_106 = arith.constant 0 : i32
      %broadcast_in_dim3A_107 = vector.broadcast %broadcast_in_dim3A_106 : i32 to vector<16xi32>
      %broadcast_in_dim3A_108 = arith.constant 0 : i32
      %broadcast_in_dim3A_109 = vector.broadcast %broadcast_in_dim3A_108 : i32 to vector<16xi32>
      %broadcast_in_dim3A_110 = arith.constant 0 : i32
      %broadcast_in_dim3A_111 = vector.broadcast %broadcast_in_dim3A_110 : i32 to vector<16xi32>
      %broadcast_in_dim3A_112 = arith.constant 0 : i32
      %broadcast_in_dim3A_113 = vector.broadcast %broadcast_in_dim3A_112 : i32 to vector<16xi32>
      %broadcast_in_dim3A_114 = arith.constant 0 : i32
      %broadcast_in_dim3A_115 = vector.broadcast %broadcast_in_dim3A_114 : i32 to vector<16xi32>
      %scan3A_116 = arith.constant 0 : i32
      %scan3A_117 = arith.constant 512 : i32
      %scan3A_118 = arith.addi %scan3A_116, %scan3A_117 : i32
      %scan3A_119 = arith.constant 4 : i32
      %scan3A_120:16 = scf.for %scan3A_1344 = %scan3A_116 to %scan3A_118 step %scan3A_119 iter_args(%scan3A_1345 = %broadcast_in_dim3A_85, %scan3A_1346 = %broadcast_in_dim3A_87, %scan3A_1347 = %broadcast_in_dim3A_89, %scan3A_1348 = %broadcast_in_dim3A_91, %scan3A_1349 = %broadcast_in_dim3A_93, %scan3A_1350 = %broadcast_in_dim3A_95, %scan3A_1351 = %broadcast_in_dim3A_97, %scan3A_1352 = %broadcast_in_dim3A_99, %scan3A_1353 = %broadcast_in_dim3A_101, %scan3A_1354 = %broadcast_in_dim3A_103, %scan3A_1355 = %broadcast_in_dim3A_105, %scan3A_1356 = %broadcast_in_dim3A_107, %scan3A_1357 = %broadcast_in_dim3A_109, %scan3A_1358 = %broadcast_in_dim3A_111, %scan3A_1359 = %broadcast_in_dim3A_113, %scan3A_1360 = %broadcast_in_dim3A_115) -> (vector<16xf32>, vector<16xf32>, vector<16xf32>, vector<16xf32>, vector<16xf32>, vector<16xf32>, vector<16xf32>, vector<16xf32>, vector<16xi32>, vector<16xi32>, vector<16xi32>, vector<16xi32>, vector<16xi32>, vector<16xi32>, vector<16xi32>, vector<16xi32>)  : i32 {
        %mul3A_1361 = arith.constant 16 : i32
        %mul3A_1362 = arith.muli %scan3A_1344, %mul3A_1361 : i32
        %get3A_1363 = arith.index_cast %mul3A_1362 : i32 to index
        %get3A_1364 = tpu.vector_load %arg9[%get3A_1363] {strides = array<i32>} : memref<8192xf32, #tpu.memory_space<vmem>>, vector<16xf32>,
        %get3A_1365 = vector.shape_cast %get3A_1364 : vector<16xf32> to vector<16xf32>
        %mul3A_1366 = arith.constant 16 : i32
        %mul3A_1367 = arith.muli %scan3A_1344, %mul3A_1366 : i32
        %get3A_1368 = arith.index_cast %mul3A_1367 : i32 to index
        %get3A_1369 = tpu.vector_load %arg10[%get3A_1368] {strides = array<i32>} : memref<8192xf32, #tpu.memory_space<vmem>>, vector<16xf32>,
        %get3A_1370 = vector.shape_cast %get3A_1369 : vector<16xf32> to vector<16xf32>
        %sub3A = arith.subf %gather3A_23, %get3A_1365 : vector<16xf32>
        %sub3A_1371 = arith.subf %gather3A_55, %get3A_1370 : vector<16xf32>
        %mul3A_1372 = arith.mulf %sub3A, %sub3A : vector<16xf32>
        %mul3A_1373 = arith.mulf %sub3A_1371, %sub3A_1371 : vector<16xf32>
        %add3A_1374 = arith.addf %mul3A_1372, %mul3A_1373 : vector<16xf32>
        %lt3A = arith.cmpf olt, %add3A_1374, %scan3A_1345 : vector<16xf32>
        %select_n3A_1375 = arith.select %lt3A, %add3A_1374, %scan3A_1345 : vector<16xi1>, vector<16xf32>
        %broadcast_in_dim3A_1376 = vector.broadcast %scan3A_1344 : i32 to vector<16xi32>
        %select_n3A_1377 = arith.select %lt3A, %broadcast_in_dim3A_1376, %scan3A_1353 : vector<16xi1>, vector<16xi32>
        %sub3A_1378 = arith.subf %gather3A_27, %get3A_1365 : vector<16xf32>
        %sub3A_1379 = arith.subf %gather3A_59, %get3A_1370 : vector<16xf32>
        %mul3A_1380 = arith.mulf %sub3A_1378, %sub3A_1378 : vector<16xf32>
        %mul3A_1381 = arith.mulf %sub3A_1379, %sub3A_1379 : vector<16xf32>
        %add3A_1382 = arith.addf %mul3A_1380, %mul3A_1381 : vector<16xf32>
        %lt3A_1383 = arith.cmpf olt, %add3A_1382, %scan3A_1346 : vector<16xf32>
        %select_n3A_1384 = arith.select %lt3A_1383, %add3A_1382, %scan3A_1346 : vector<16xi1>, vector<16xf32>
        %broadcast_in_dim3A_1385 = vector.broadcast %scan3A_1344 : i32 to vector<16xi32>
        %select_n3A_1386 = arith.select %lt3A_1383, %broadcast_in_dim3A_1385, %scan3A_1354 : vector<16xi1>, vector<16xi32>
        %sub3A_1387 = arith.subf %gather3A_31, %get3A_1365 : vector<16xf32>
        %sub3A_1388 = arith.subf %gather3A_63, %get3A_1370 : vector<16xf32>
        %mul3A_1389 = arith.mulf %sub3A_1387, %sub3A_1387 : vector<16xf32>
        %mul3A_1390 = arith.mulf %sub3A_1388, %sub3A_1388 : vector<16xf32>
        %add3A_1391 = arith.addf %mul3A_1389, %mul3A_1390 : vector<16xf32>
        %lt3A_1392 = arith.cmpf olt, %add3A_1391, %scan3A_1347 : vector<16xf32>
        %select_n3A_1393 = arith.select %lt3A_1392, %add3A_1391, %scan3A_1347 : vector<16xi1>, vector<16xf32>
        %broadcast_in_dim3A_1394 = vector.broadcast %scan3A_1344 : i32 to vector<16xi32>
        %select_n3A_1395 = arith.select %lt3A_1392, %broadcast_in_dim3A_1394, %scan3A_1355 : vector<16xi1>, vector<16xi32>
        %sub3A_1396 = arith.subf %gather3A_35, %get3A_1365 : vector<16xf32>
        %sub3A_1397 = arith.subf %gather3A_67, %get3A_1370 : vector<16xf32>
        %mul3A_1398 = arith.mulf %sub3A_1396, %sub3A_1396 : vector<16xf32>
        %mul3A_1399 = arith.mulf %sub3A_1397, %sub3A_1397 : vector<16xf32>
        %add3A_1400 = arith.addf %mul3A_1398, %mul3A_1399 : vector<16xf32>
        %lt3A_1401 = arith.cmpf olt, %add3A_1400, %scan3A_1348 : vector<16xf32>
        %select_n3A_1402 = arith.select %lt3A_1401, %add3A_1400, %scan3A_1348 : vector<16xi1>, vector<16xf32>
        %broadcast_in_dim3A_1403 = vector.broadcast %scan3A_1344 : i32 to vector<16xi32>
        %select_n3A_1404 = arith.select %lt3A_1401, %broadcast_in_dim3A_1403, %scan3A_1356 : vector<16xi1>, vector<16xi32>
        %sub3A_1405 = arith.subf %gather3A_39, %get3A_1365 : vector<16xf32>
        %sub3A_1406 = arith.subf %gather3A_71, %get3A_1370 : vector<16xf32>
        %mul3A_1407 = arith.mulf %sub3A_1405, %sub3A_1405 : vector<16xf32>
        %mul3A_1408 = arith.mulf %sub3A_1406, %sub3A_1406 : vector<16xf32>
        %add3A_1409 = arith.addf %mul3A_1407, %mul3A_1408 : vector<16xf32>
        %lt3A_1410 = arith.cmpf olt, %add3A_1409, %scan3A_1349 : vector<16xf32>
        %select_n3A_1411 = arith.select %lt3A_1410, %add3A_1409, %scan3A_1349 : vector<16xi1>, vector<16xf32>
        %broadcast_in_dim3A_1412 = vector.broadcast %scan3A_1344 : i32 to vector<16xi32>
        %select_n3A_1413 = arith.select %lt3A_1410, %broadcast_in_dim3A_1412, %scan3A_1357 : vector<16xi1>, vector<16xi32>
        %sub3A_1414 = arith.subf %gather3A_43, %get3A_1365 : vector<16xf32>
        %sub3A_1415 = arith.subf %gather3A_75, %get3A_1370 : vector<16xf32>
        %mul3A_1416 = arith.mulf %sub3A_1414, %sub3A_1414 : vector<16xf32>
        %mul3A_1417 = arith.mulf %sub3A_1415, %sub3A_1415 : vector<16xf32>
        %add3A_1418 = arith.addf %mul3A_1416, %mul3A_1417 : vector<16xf32>
        %lt3A_1419 = arith.cmpf olt, %add3A_1418, %scan3A_1350 : vector<16xf32>
        %select_n3A_1420 = arith.select %lt3A_1419, %add3A_1418, %scan3A_1350 : vector<16xi1>, vector<16xf32>
        %broadcast_in_dim3A_1421 = vector.broadcast %scan3A_1344 : i32 to vector<16xi32>
        %select_n3A_1422 = arith.select %lt3A_1419, %broadcast_in_dim3A_1421, %scan3A_1358 : vector<16xi1>, vector<16xi32>
        %sub3A_1423 = arith.subf %gather3A_47, %get3A_1365 : vector<16xf32>
        %sub3A_1424 = arith.subf %gather3A_79, %get3A_1370 : vector<16xf32>
        %mul3A_1425 = arith.mulf %sub3A_1423, %sub3A_1423 : vector<16xf32>
        %mul3A_1426 = arith.mulf %sub3A_1424, %sub3A_1424 : vector<16xf32>
        %add3A_1427 = arith.addf %mul3A_1425, %mul3A_1426 : vector<16xf32>
        %lt3A_1428 = arith.cmpf olt, %add3A_1427, %scan3A_1351 : vector<16xf32>
        %select_n3A_1429 = arith.select %lt3A_1428, %add3A_1427, %scan3A_1351 : vector<16xi1>, vector<16xf32>
        %broadcast_in_dim3A_1430 = vector.broadcast %scan3A_1344 : i32 to vector<16xi32>
        %select_n3A_1431 = arith.select %lt3A_1428, %broadcast_in_dim3A_1430, %scan3A_1359 : vector<16xi1>, vector<16xi32>
        %sub3A_1432 = arith.subf %gather3A_51, %get3A_1365 : vector<16xf32>
        %sub3A_1433 = arith.subf %gather3A_83, %get3A_1370 : vector<16xf32>
        %mul3A_1434 = arith.mulf %sub3A_1432, %sub3A_1432 : vector<16xf32>
        %mul3A_1435 = arith.mulf %sub3A_1433, %sub3A_1433 : vector<16xf32>
        %add3A_1436 = arith.addf %mul3A_1434, %mul3A_1435 : vector<16xf32>
        %lt3A_1437 = arith.cmpf olt, %add3A_1436, %scan3A_1352 : vector<16xf32>
        %select_n3A_1438 = arith.select %lt3A_1437, %add3A_1436, %scan3A_1352 : vector<16xi1>, vector<16xf32>
        %broadcast_in_dim3A_1439 = vector.broadcast %scan3A_1344 : i32 to vector<16xi32>
        %select_n3A_1440 = arith.select %lt3A_1437, %broadcast_in_dim3A_1439, %scan3A_1360 : vector<16xi1>, vector<16xi32>
        %scan3A_1441 = arith.constant 1 : i32
        %scan3A_1442 = arith.addi %scan3A_1344, %scan3A_1441 : i32
        %mul3A_1443 = arith.constant 16 : i32
        %mul3A_1444 = arith.muli %scan3A_1442, %mul3A_1443 : i32
        %get3A_1445 = arith.index_cast %mul3A_1444 : i32 to index
        %get3A_1446 = tpu.vector_load %arg9[%get3A_1445] {strides = array<i32>} : memref<8192xf32, #tpu.memory_space<vmem>>, vector<16xf32>,
        %get3A_1447 = vector.shape_cast %get3A_1446 : vector<16xf32> to vector<16xf32>
        %mul3A_1448 = arith.constant 16 : i32
        %mul3A_1449 = arith.muli %scan3A_1442, %mul3A_1448 : i32
        %get3A_1450 = arith.index_cast %mul3A_1449 : i32 to index
        %get3A_1451 = tpu.vector_load %arg10[%get3A_1450] {strides = array<i32>} : memref<8192xf32, #tpu.memory_space<vmem>>, vector<16xf32>,
        %get3A_1452 = vector.shape_cast %get3A_1451 : vector<16xf32> to vector<16xf32>
        %sub3A_1453 = arith.subf %gather3A_23, %get3A_1447 : vector<16xf32>
        %sub3A_1454 = arith.subf %gather3A_55, %get3A_1452 : vector<16xf32>
        %mul3A_1455 = arith.mulf %sub3A_1453, %sub3A_1453 : vector<16xf32>
        %mul3A_1456 = arith.mulf %sub3A_1454, %sub3A_1454 : vector<16xf32>
        %add3A_1457 = arith.addf %mul3A_1455, %mul3A_1456 : vector<16xf32>
        %lt3A_1458 = arith.cmpf olt, %add3A_1457, %select_n3A_1375 : vector<16xf32>
        %select_n3A_1459 = arith.select %lt3A_1458, %add3A_1457, %select_n3A_1375 : vector<16xi1>, vector<16xf32>
        %broadcast_in_dim3A_1460 = vector.broadcast %scan3A_1442 : i32 to vector<16xi32>
        %select_n3A_1461 = arith.select %lt3A_1458, %broadcast_in_dim3A_1460, %select_n3A_1377 : vector<16xi1>, vector<16xi32>
        %sub3A_1462 = arith.subf %gather3A_27, %get3A_1447 : vector<16xf32>
        %sub3A_1463 = arith.subf %gather3A_59, %get3A_1452 : vector<16xf32>
        %mul3A_1464 = arith.mulf %sub3A_1462, %sub3A_1462 : vector<16xf32>
        %mul3A_1465 = arith.mulf %sub3A_1463, %sub3A_1463 : vector<16xf32>
        %add3A_1466 = arith.addf %mul3A_1464, %mul3A_1465 : vector<16xf32>
        %lt3A_1467 = arith.cmpf olt, %add3A_1466, %select_n3A_1384 : vector<16xf32>
        %select_n3A_1468 = arith.select %lt3A_1467, %add3A_1466, %select_n3A_1384 : vector<16xi1>, vector<16xf32>
        %broadcast_in_dim3A_1469 = vector.broadcast %scan3A_1442 : i32 to vector<16xi32>
        %select_n3A_1470 = arith.select %lt3A_1467, %broadcast_in_dim3A_1469, %select_n3A_1386 : vector<16xi1>, vector<16xi32>
        %sub3A_1471 = arith.subf %gather3A_31, %get3A_1447 : vector<16xf32>
        %sub3A_1472 = arith.subf %gather3A_63, %get3A_1452 : vector<16xf32>
        %mul3A_1473 = arith.mulf %sub3A_1471, %sub3A_1471 : vector<16xf32>
        %mul3A_1474 = arith.mulf %sub3A_1472, %sub3A_1472 : vector<16xf32>
        %add3A_1475 = arith.addf %mul3A_1473, %mul3A_1474 : vector<16xf32>
        %lt3A_1476 = arith.cmpf olt, %add3A_1475, %select_n3A_1393 : vector<16xf32>
        %select_n3A_1477 = arith.select %lt3A_1476, %add3A_1475, %select_n3A_1393 : vector<16xi1>, vector<16xf32>
        %broadcast_in_dim3A_1478 = vector.broadcast %scan3A_1442 : i32 to vector<16xi32>
        %select_n3A_1479 = arith.select %lt3A_1476, %broadcast_in_dim3A_1478, %select_n3A_1395 : vector<16xi1>, vector<16xi32>
        %sub3A_1480 = arith.subf %gather3A_35, %get3A_1447 : vector<16xf32>
        %sub3A_1481 = arith.subf %gather3A_67, %get3A_1452 : vector<16xf32>
        %mul3A_1482 = arith.mulf %sub3A_1480, %sub3A_1480 : vector<16xf32>
        %mul3A_1483 = arith.mulf %sub3A_1481, %sub3A_1481 : vector<16xf32>
        %add3A_1484 = arith.addf %mul3A_1482, %mul3A_1483 : vector<16xf32>
        %lt3A_1485 = arith.cmpf olt, %add3A_1484, %select_n3A_1402 : vector<16xf32>
        %select_n3A_1486 = arith.select %lt3A_1485, %add3A_1484, %select_n3A_1402 : vector<16xi1>, vector<16xf32>
        %broadcast_in_dim3A_1487 = vector.broadcast %scan3A_1442 : i32 to vector<16xi32>
        %select_n3A_1488 = arith.select %lt3A_1485, %broadcast_in_dim3A_1487, %select_n3A_1404 : vector<16xi1>, vector<16xi32>
        %sub3A_1489 = arith.subf %gather3A_39, %get3A_1447 : vector<16xf32>
        %sub3A_1490 = arith.subf %gather3A_71, %get3A_1452 : vector<16xf32>
        %mul3A_1491 = arith.mulf %sub3A_1489, %sub3A_1489 : vector<16xf32>
        %mul3A_1492 = arith.mulf %sub3A_1490, %sub3A_1490 : vector<16xf32>
        %add3A_1493 = arith.addf %mul3A_1491, %mul3A_1492 : vector<16xf32>
        %lt3A_1494 = arith.cmpf olt, %add3A_1493, %select_n3A_1411 : vector<16xf32>
        %select_n3A_1495 = arith.select %lt3A_1494, %add3A_1493, %select_n3A_1411 : vector<16xi1>, vector<16xf32>
        %broadcast_in_dim3A_1496 = vector.broadcast %scan3A_1442 : i32 to vector<16xi32>
        %select_n3A_1497 = arith.select %lt3A_1494, %broadcast_in_dim3A_1496, %select_n3A_1413 : vector<16xi1>, vector<16xi32>
        %sub3A_1498 = arith.subf %gather3A_43, %get3A_1447 : vector<16xf32>
        %sub3A_1499 = arith.subf %gather3A_75, %get3A_1452 : vector<16xf32>
        %mul3A_1500 = arith.mulf %sub3A_1498, %sub3A_1498 : vector<16xf32>
        %mul3A_1501 = arith.mulf %sub3A_1499, %sub3A_1499 : vector<16xf32>
        %add3A_1502 = arith.addf %mul3A_1500, %mul3A_1501 : vector<16xf32>
        %lt3A_1503 = arith.cmpf olt, %add3A_1502, %select_n3A_1420 : vector<16xf32>
        %select_n3A_1504 = arith.select %lt3A_1503, %add3A_1502, %select_n3A_1420 : vector<16xi1>, vector<16xf32>
        %broadcast_in_dim3A_1505 = vector.broadcast %scan3A_1442 : i32 to vector<16xi32>
        %select_n3A_1506 = arith.select %lt3A_1503, %broadcast_in_dim3A_1505, %select_n3A_1422 : vector<16xi1>, vector<16xi32>
        %sub3A_1507 = arith.subf %gather3A_47, %get3A_1447 : vector<16xf32>
        %sub3A_1508 = arith.subf %gather3A_79, %get3A_1452 : vector<16xf32>
        %mul3A_1509 = arith.mulf %sub3A_1507, %sub3A_1507 : vector<16xf32>
        %mul3A_1510 = arith.mulf %sub3A_1508, %sub3A_1508 : vector<16xf32>
        %add3A_1511 = arith.addf %mul3A_1509, %mul3A_1510 : vector<16xf32>
        %lt3A_1512 = arith.cmpf olt, %add3A_1511, %select_n3A_1429 : vector<16xf32>
        %select_n3A_1513 = arith.select %lt3A_1512, %add3A_1511, %select_n3A_1429 : vector<16xi1>, vector<16xf32>
        %broadcast_in_dim3A_1514 = vector.broadcast %scan3A_1442 : i32 to vector<16xi32>
        %select_n3A_1515 = arith.select %lt3A_1512, %broadcast_in_dim3A_1514, %select_n3A_1431 : vector<16xi1>, vector<16xi32>
        %sub3A_1516 = arith.subf %gather3A_51, %get3A_1447 : vector<16xf32>
        %sub3A_1517 = arith.subf %gather3A_83, %get3A_1452 : vector<16xf32>
        %mul3A_1518 = arith.mulf %sub3A_1516, %sub3A_1516 : vector<16xf32>
        %mul3A_1519 = arith.mulf %sub3A_1517, %sub3A_1517 : vector<16xf32>
        %add3A_1520 = arith.addf %mul3A_1518, %mul3A_1519 : vector<16xf32>
        %lt3A_1521 = arith.cmpf olt, %add3A_1520, %select_n3A_1438 : vector<16xf32>
        %select_n3A_1522 = arith.select %lt3A_1521, %add3A_1520, %select_n3A_1438 : vector<16xi1>, vector<16xf32>
        %broadcast_in_dim3A_1523 = vector.broadcast %scan3A_1442 : i32 to vector<16xi32>
        %select_n3A_1524 = arith.select %lt3A_1521, %broadcast_in_dim3A_1523, %select_n3A_1440 : vector<16xi1>, vector<16xi32>
        %scan3A_1525 = arith.constant 2 : i32
        %scan3A_1526 = arith.addi %scan3A_1344, %scan3A_1525 : i32
        %mul3A_1527 = arith.constant 16 : i32
        %mul3A_1528 = arith.muli %scan3A_1526, %mul3A_1527 : i32
        %get3A_1529 = arith.index_cast %mul3A_1528 : i32 to index
        %get3A_1530 = tpu.vector_load %arg9[%get3A_1529] {strides = array<i32>} : memref<8192xf32, #tpu.memory_space<vmem>>, vector<16xf32>,
        %get3A_1531 = vector.shape_cast %get3A_1530 : vector<16xf32> to vector<16xf32>
        %mul3A_1532 = arith.constant 16 : i32
        %mul3A_1533 = arith.muli %scan3A_1526, %mul3A_1532 : i32
        %get3A_1534 = arith.index_cast %mul3A_1533 : i32 to index
        %get3A_1535 = tpu.vector_load %arg10[%get3A_1534] {strides = array<i32>} : memref<8192xf32, #tpu.memory_space<vmem>>, vector<16xf32>,
        %get3A_1536 = vector.shape_cast %get3A_1535 : vector<16xf32> to vector<16xf32>
        %sub3A_1537 = arith.subf %gather3A_23, %get3A_1531 : vector<16xf32>
        %sub3A_1538 = arith.subf %gather3A_55, %get3A_1536 : vector<16xf32>
        %mul3A_1539 = arith.mulf %sub3A_1537, %sub3A_1537 : vector<16xf32>
        %mul3A_1540 = arith.mulf %sub3A_1538, %sub3A_1538 : vector<16xf32>
        %add3A_1541 = arith.addf %mul3A_1539, %mul3A_1540 : vector<16xf32>
        %lt3A_1542 = arith.cmpf olt, %add3A_1541, %select_n3A_1459 : vector<16xf32>
        %select_n3A_1543 = arith.select %lt3A_1542, %add3A_1541, %select_n3A_1459 : vector<16xi1>, vector<16xf32>
        %broadcast_in_dim3A_1544 = vector.broadcast %scan3A_1526 : i32 to vector<16xi32>
        %select_n3A_1545 = arith.select %lt3A_1542, %broadcast_in_dim3A_1544, %select_n3A_1461 : vector<16xi1>, vector<16xi32>
        %sub3A_1546 = arith.subf %gather3A_27, %get3A_1531 : vector<16xf32>
        %sub3A_1547 = arith.subf %gather3A_59, %get3A_1536 : vector<16xf32>
        %mul3A_1548 = arith.mulf %sub3A_1546, %sub3A_1546 : vector<16xf32>
        %mul3A_1549 = arith.mulf %sub3A_1547, %sub3A_1547 : vector<16xf32>
        %add3A_1550 = arith.addf %mul3A_1548, %mul3A_1549 : vector<16xf32>
        %lt3A_1551 = arith.cmpf olt, %add3A_1550, %select_n3A_1468 : vector<16xf32>
        %select_n3A_1552 = arith.select %lt3A_1551, %add3A_1550, %select_n3A_1468 : vector<16xi1>, vector<16xf32>
        %broadcast_in_dim3A_1553 = vector.broadcast %scan3A_1526 : i32 to vector<16xi32>
        %select_n3A_1554 = arith.select %lt3A_1551, %broadcast_in_dim3A_1553, %select_n3A_1470 : vector<16xi1>, vector<16xi32>
        %sub3A_1555 = arith.subf %gather3A_31, %get3A_1531 : vector<16xf32>
        %sub3A_1556 = arith.subf %gather3A_63, %get3A_1536 : vector<16xf32>
        %mul3A_1557 = arith.mulf %sub3A_1555, %sub3A_1555 : vector<16xf32>
        %mul3A_1558 = arith.mulf %sub3A_1556, %sub3A_1556 : vector<16xf32>
        %add3A_1559 = arith.addf %mul3A_1557, %mul3A_1558 : vector<16xf32>
        %lt3A_1560 = arith.cmpf olt, %add3A_1559, %select_n3A_1477 : vector<16xf32>
        %select_n3A_1561 = arith.select %lt3A_1560, %add3A_1559, %select_n3A_1477 : vector<16xi1>, vector<16xf32>
        %broadcast_in_dim3A_1562 = vector.broadcast %scan3A_1526 : i32 to vector<16xi32>
        %select_n3A_1563 = arith.select %lt3A_1560, %broadcast_in_dim3A_1562, %select_n3A_1479 : vector<16xi1>, vector<16xi32>
        %sub3A_1564 = arith.subf %gather3A_35, %get3A_1531 : vector<16xf32>
        %sub3A_1565 = arith.subf %gather3A_67, %get3A_1536 : vector<16xf32>
        %mul3A_1566 = arith.mulf %sub3A_1564, %sub3A_1564 : vector<16xf32>
        %mul3A_1567 = arith.mulf %sub3A_1565, %sub3A_1565 : vector<16xf32>
        %add3A_1568 = arith.addf %mul3A_1566, %mul3A_1567 : vector<16xf32>
        %lt3A_1569 = arith.cmpf olt, %add3A_1568, %select_n3A_1486 : vector<16xf32>
        %select_n3A_1570 = arith.select %lt3A_1569, %add3A_1568, %select_n3A_1486 : vector<16xi1>, vector<16xf32>
        %broadcast_in_dim3A_1571 = vector.broadcast %scan3A_1526 : i32 to vector<16xi32>
        %select_n3A_1572 = arith.select %lt3A_1569, %broadcast_in_dim3A_1571, %select_n3A_1488 : vector<16xi1>, vector<16xi32>
        %sub3A_1573 = arith.subf %gather3A_39, %get3A_1531 : vector<16xf32>
        %sub3A_1574 = arith.subf %gather3A_71, %get3A_1536 : vector<16xf32>
        %mul3A_1575 = arith.mulf %sub3A_1573, %sub3A_1573 : vector<16xf32>
        %mul3A_1576 = arith.mulf %sub3A_1574, %sub3A_1574 : vector<16xf32>
        %add3A_1577 = arith.addf %mul3A_1575, %mul3A_1576 : vector<16xf32>
        %lt3A_1578 = arith.cmpf olt, %add3A_1577, %select_n3A_1495 : vector<16xf32>
        %select_n3A_1579 = arith.select %lt3A_1578, %add3A_1577, %select_n3A_1495 : vector<16xi1>, vector<16xf32>
        %broadcast_in_dim3A_1580 = vector.broadcast %scan3A_1526 : i32 to vector<16xi32>
        %select_n3A_1581 = arith.select %lt3A_1578, %broadcast_in_dim3A_1580, %select_n3A_1497 : vector<16xi1>, vector<16xi32>
        %sub3A_1582 = arith.subf %gather3A_43, %get3A_1531 : vector<16xf32>
        %sub3A_1583 = arith.subf %gather3A_75, %get3A_1536 : vector<16xf32>
        %mul3A_1584 = arith.mulf %sub3A_1582, %sub3A_1582 : vector<16xf32>
        %mul3A_1585 = arith.mulf %sub3A_1583, %sub3A_1583 : vector<16xf32>
        %add3A_1586 = arith.addf %mul3A_1584, %mul3A_1585 : vector<16xf32>
        %lt3A_1587 = arith.cmpf olt, %add3A_1586, %select_n3A_1504 : vector<16xf32>
        %select_n3A_1588 = arith.select %lt3A_1587, %add3A_1586, %select_n3A_1504 : vector<16xi1>, vector<16xf32>
        %broadcast_in_dim3A_1589 = vector.broadcast %scan3A_1526 : i32 to vector<16xi32>
        %select_n3A_1590 = arith.select %lt3A_1587, %broadcast_in_dim3A_1589, %select_n3A_1506 : vector<16xi1>, vector<16xi32>
        %sub3A_1591 = arith.subf %gather3A_47, %get3A_1531 : vector<16xf32>
        %sub3A_1592 = arith.subf %gather3A_79, %get3A_1536 : vector<16xf32>
        %mul3A_1593 = arith.mulf %sub3A_1591, %sub3A_1591 : vector<16xf32>
        %mul3A_1594 = arith.mulf %sub3A_1592, %sub3A_1592 : vector<16xf32>
        %add3A_1595 = arith.addf %mul3A_1593, %mul3A_1594 : vector<16xf32>
        %lt3A_1596 = arith.cmpf olt, %add3A_1595, %select_n3A_1513 : vector<16xf32>
        %select_n3A_1597 = arith.select %lt3A_1596, %add3A_1595, %select_n3A_1513 : vector<16xi1>, vector<16xf32>
        %broadcast_in_dim3A_1598 = vector.broadcast %scan3A_1526 : i32 to vector<16xi32>
        %select_n3A_1599 = arith.select %lt3A_1596, %broadcast_in_dim3A_1598, %select_n3A_1515 : vector<16xi1>, vector<16xi32>
        %sub3A_1600 = arith.subf %gather3A_51, %get3A_1531 : vector<16xf32>
        %sub3A_1601 = arith.subf %gather3A_83, %get3A_1536 : vector<16xf32>
        %mul3A_1602 = arith.mulf %sub3A_1600, %sub3A_1600 : vector<16xf32>
        %mul3A_1603 = arith.mulf %sub3A_1601, %sub3A_1601 : vector<16xf32>
        %add3A_1604 = arith.addf %mul3A_1602, %mul3A_1603 : vector<16xf32>
        %lt3A_1605 = arith.cmpf olt, %add3A_1604, %select_n3A_1522 : vector<16xf32>
        %select_n3A_1606 = arith.select %lt3A_1605, %add3A_1604, %select_n3A_1522 : vector<16xi1>, vector<16xf32>
        %broadcast_in_dim3A_1607 = vector.broadcast %scan3A_1526 : i32 to vector<16xi32>
        %select_n3A_1608 = arith.select %lt3A_1605, %broadcast_in_dim3A_1607, %select_n3A_1524 : vector<16xi1>, vector<16xi32>
        %scan3A_1609 = arith.constant 3 : i32
        %scan3A_1610 = arith.addi %scan3A_1344, %scan3A_1609 : i32
        %mul3A_1611 = arith.constant 16 : i32
        %mul3A_1612 = arith.muli %scan3A_1610, %mul3A_1611 : i32
        %get3A_1613 = arith.index_cast %mul3A_1612 : i32 to index
        %get3A_1614 = tpu.vector_load %arg9[%get3A_1613] {strides = array<i32>} : memref<8192xf32, #tpu.memory_space<vmem>>, vector<16xf32>,
        %get3A_1615 = vector.shape_cast %get3A_1614 : vector<16xf32> to vector<16xf32>
        %mul3A_1616 = arith.constant 16 : i32
        %mul3A_1617 = arith.muli %scan3A_1610, %mul3A_1616 : i32
        %get3A_1618 = arith.index_cast %mul3A_1617 : i32 to index
        %get3A_1619 = tpu.vector_load %arg10[%get3A_1618] {strides = array<i32>} : memref<8192xf32, #tpu.memory_space<vmem>>, vector<16xf32>,
        %get3A_1620 = vector.shape_cast %get3A_1619 : vector<16xf32> to vector<16xf32>
        %sub3A_1621 = arith.subf %gather3A_23, %get3A_1615 : vector<16xf32>
        %sub3A_1622 = arith.subf %gather3A_55, %get3A_1620 : vector<16xf32>
        %mul3A_1623 = arith.mulf %sub3A_1621, %sub3A_1621 : vector<16xf32>
        %mul3A_1624 = arith.mulf %sub3A_1622, %sub3A_1622 : vector<16xf32>
        %add3A_1625 = arith.addf %mul3A_1623, %mul3A_1624 : vector<16xf32>
        %lt3A_1626 = arith.cmpf olt, %add3A_1625, %select_n3A_1543 : vector<16xf32>
        %select_n3A_1627 = arith.select %lt3A_1626, %add3A_1625, %select_n3A_1543 : vector<16xi1>, vector<16xf32>
        %broadcast_in_dim3A_1628 = vector.broadcast %scan3A_1610 : i32 to vector<16xi32>
        %select_n3A_1629 = arith.select %lt3A_1626, %broadcast_in_dim3A_1628, %select_n3A_1545 : vector<16xi1>, vector<16xi32>
        %sub3A_1630 = arith.subf %gather3A_27, %get3A_1615 : vector<16xf32>
        %sub3A_1631 = arith.subf %gather3A_59, %get3A_1620 : vector<16xf32>
        %mul3A_1632 = arith.mulf %sub3A_1630, %sub3A_1630 : vector<16xf32>
        %mul3A_1633 = arith.mulf %sub3A_1631, %sub3A_1631 : vector<16xf32>
        %add3A_1634 = arith.addf %mul3A_1632, %mul3A_1633 : vector<16xf32>
        %lt3A_1635 = arith.cmpf olt, %add3A_1634, %select_n3A_1552 : vector<16xf32>
        %select_n3A_1636 = arith.select %lt3A_1635, %add3A_1634, %select_n3A_1552 : vector<16xi1>, vector<16xf32>
        %broadcast_in_dim3A_1637 = vector.broadcast %scan3A_1610 : i32 to vector<16xi32>
        %select_n3A_1638 = arith.select %lt3A_1635, %broadcast_in_dim3A_1637, %select_n3A_1554 : vector<16xi1>, vector<16xi32>
        %sub3A_1639 = arith.subf %gather3A_31, %get3A_1615 : vector<16xf32>
        %sub3A_1640 = arith.subf %gather3A_63, %get3A_1620 : vector<16xf32>
        %mul3A_1641 = arith.mulf %sub3A_1639, %sub3A_1639 : vector<16xf32>
        %mul3A_1642 = arith.mulf %sub3A_1640, %sub3A_1640 : vector<16xf32>
        %add3A_1643 = arith.addf %mul3A_1641, %mul3A_1642 : vector<16xf32>
        %lt3A_1644 = arith.cmpf olt, %add3A_1643, %select_n3A_1561 : vector<16xf32>
        %select_n3A_1645 = arith.select %lt3A_1644, %add3A_1643, %select_n3A_1561 : vector<16xi1>, vector<16xf32>
        %broadcast_in_dim3A_1646 = vector.broadcast %scan3A_1610 : i32 to vector<16xi32>
        %select_n3A_1647 = arith.select %lt3A_1644, %broadcast_in_dim3A_1646, %select_n3A_1563 : vector<16xi1>, vector<16xi32>
        %sub3A_1648 = arith.subf %gather3A_35, %get3A_1615 : vector<16xf32>
        %sub3A_1649 = arith.subf %gather3A_67, %get3A_1620 : vector<16xf32>
        %mul3A_1650 = arith.mulf %sub3A_1648, %sub3A_1648 : vector<16xf32>
        %mul3A_1651 = arith.mulf %sub3A_1649, %sub3A_1649 : vector<16xf32>
        %add3A_1652 = arith.addf %mul3A_1650, %mul3A_1651 : vector<16xf32>
        %lt3A_1653 = arith.cmpf olt, %add3A_1652, %select_n3A_1570 : vector<16xf32>
        %select_n3A_1654 = arith.select %lt3A_1653, %add3A_1652, %select_n3A_1570 : vector<16xi1>, vector<16xf32>
        %broadcast_in_dim3A_1655 = vector.broadcast %scan3A_1610 : i32 to vector<16xi32>
        %select_n3A_1656 = arith.select %lt3A_1653, %broadcast_in_dim3A_1655, %select_n3A_1572 : vector<16xi1>, vector<16xi32>
        %sub3A_1657 = arith.subf %gather3A_39, %get3A_1615 : vector<16xf32>
        %sub3A_1658 = arith.subf %gather3A_71, %get3A_1620 : vector<16xf32>
        %mul3A_1659 = arith.mulf %sub3A_1657, %sub3A_1657 : vector<16xf32>
        %mul3A_1660 = arith.mulf %sub3A_1658, %sub3A_1658 : vector<16xf32>
        %add3A_1661 = arith.addf %mul3A_1659, %mul3A_1660 : vector<16xf32>
        %lt3A_1662 = arith.cmpf olt, %add3A_1661, %select_n3A_1579 : vector<16xf32>
        %select_n3A_1663 = arith.select %lt3A_1662, %add3A_1661, %select_n3A_1579 : vector<16xi1>, vector<16xf32>
        %broadcast_in_dim3A_1664 = vector.broadcast %scan3A_1610 : i32 to vector<16xi32>
        %select_n3A_1665 = arith.select %lt3A_1662, %broadcast_in_dim3A_1664, %select_n3A_1581 : vector<16xi1>, vector<16xi32>
        %sub3A_1666 = arith.subf %gather3A_43, %get3A_1615 : vector<16xf32>
        %sub3A_1667 = arith.subf %gather3A_75, %get3A_1620 : vector<16xf32>
        %mul3A_1668 = arith.mulf %sub3A_1666, %sub3A_1666 : vector<16xf32>
        %mul3A_1669 = arith.mulf %sub3A_1667, %sub3A_1667 : vector<16xf32>
        %add3A_1670 = arith.addf %mul3A_1668, %mul3A_1669 : vector<16xf32>
        %lt3A_1671 = arith.cmpf olt, %add3A_1670, %select_n3A_1588 : vector<16xf32>
        %select_n3A_1672 = arith.select %lt3A_1671, %add3A_1670, %select_n3A_1588 : vector<16xi1>, vector<16xf32>
        %broadcast_in_dim3A_1673 = vector.broadcast %scan3A_1610 : i32 to vector<16xi32>
        %select_n3A_1674 = arith.select %lt3A_1671, %broadcast_in_dim3A_1673, %select_n3A_1590 : vector<16xi1>, vector<16xi32>
        %sub3A_1675 = arith.subf %gather3A_47, %get3A_1615 : vector<16xf32>
        %sub3A_1676 = arith.subf %gather3A_79, %get3A_1620 : vector<16xf32>
        %mul3A_1677 = arith.mulf %sub3A_1675, %sub3A_1675 : vector<16xf32>
        %mul3A_1678 = arith.mulf %sub3A_1676, %sub3A_1676 : vector<16xf32>
        %add3A_1679 = arith.addf %mul3A_1677, %mul3A_1678 : vector<16xf32>
        %lt3A_1680 = arith.cmpf olt, %add3A_1679, %select_n3A_1597 : vector<16xf32>
        %select_n3A_1681 = arith.select %lt3A_1680, %add3A_1679, %select_n3A_1597 : vector<16xi1>, vector<16xf32>
        %broadcast_in_dim3A_1682 = vector.broadcast %scan3A_1610 : i32 to vector<16xi32>
        %select_n3A_1683 = arith.select %lt3A_1680, %broadcast_in_dim3A_1682, %select_n3A_1599 : vector<16xi1>, vector<16xi32>
        %sub3A_1684 = arith.subf %gather3A_51, %get3A_1615 : vector<16xf32>
        %sub3A_1685 = arith.subf %gather3A_83, %get3A_1620 : vector<16xf32>
        %mul3A_1686 = arith.mulf %sub3A_1684, %sub3A_1684 : vector<16xf32>
        %mul3A_1687 = arith.mulf %sub3A_1685, %sub3A_1685 : vector<16xf32>
        %add3A_1688 = arith.addf %mul3A_1686, %mul3A_1687 : vector<16xf32>
        %lt3A_1689 = arith.cmpf olt, %add3A_1688, %select_n3A_1606 : vector<16xf32>
        %select_n3A_1690 = arith.select %lt3A_1689, %add3A_1688, %select_n3A_1606 : vector<16xi1>, vector<16xf32>
        %broadcast_in_dim3A_1691 = vector.broadcast %scan3A_1610 : i32 to vector<16xi32>
        %select_n3A_1692 = arith.select %lt3A_1689, %broadcast_in_dim3A_1691, %select_n3A_1608 : vector<16xi1>, vector<16xi32>
        scf.yield %select_n3A_1627, %select_n3A_1636, %select_n3A_1645, %select_n3A_1654, %select_n3A_1663, %select_n3A_1672, %select_n3A_1681, %select_n3A_1690, %select_n3A_1629, %select_n3A_1638, %select_n3A_1647, %select_n3A_1656, %select_n3A_1665, %select_n3A_1674, %select_n3A_1683, %select_n3A_1692 : vector<16xf32>, vector<16xf32>, vector<16xf32>, vector<16xf32>, vector<16xf32>, vector<16xf32>, vector<16xf32>, vector<16xf32>, vector<16xi32>, vector<16xi32>, vector<16xi32>, vector<16xi32>, vector<16xi32>, vector<16xi32>, vector<16xi32>, vector<16xi32>
      }
      %scan3A_121 = arith.constant 512 : i32
      %iota3A_122 = tpu.iota {dimensions = array<i32: 0>} : vector<16xi32>
      %xor3A = arith.constant 8 : i32
      %xor3A_123 = vector.broadcast %xor3A : i32 to vector<16xi32>
      %xor3A_124 = arith.xori %iota3A_122, %xor3A_123 : vector<16xi32>
      %reshape3A = vector.shape_cast %xor3A_124 : vector<16xi32> to vector<16x1xi32>
      %gather3A_125 = vector.shape_cast %reshape3A : vector<16x1xi32> to vector<16xi32>
      %gather3A_126 = tpu.dynamic_gather %scan3A_120#0[%gather3A_125] in [0] : vector<16xf32>, vector<16xi32> -> vector<16xf32>
      %min3A = arith.minimumf %scan3A_120#0, %gather3A_126 : vector<16xf32>
      %xor3A_127 = arith.constant 4 : i32
      %xor3A_128 = vector.broadcast %xor3A_127 : i32 to vector<16xi32>
      %xor3A_129 = arith.xori %iota3A_122, %xor3A_128 : vector<16xi32>
      %reshape3A_130 = vector.shape_cast %xor3A_129 : vector<16xi32> to vector<16x1xi32>
      %gather3A_131 = vector.shape_cast %reshape3A_130 : vector<16x1xi32> to vector<16xi32>
      %gather3A_132 = tpu.dynamic_gather %min3A[%gather3A_131] in [0] : vector<16xf32>, vector<16xi32> -> vector<16xf32>
      %min3A_133 = arith.minimumf %min3A, %gather3A_132 : vector<16xf32>
      %xor3A_134 = arith.constant 2 : i32
      %xor3A_135 = vector.broadcast %xor3A_134 : i32 to vector<16xi32>
      %xor3A_136 = arith.xori %iota3A_122, %xor3A_135 : vector<16xi32>
      %reshape3A_137 = vector.shape_cast %xor3A_136 : vector<16xi32> to vector<16x1xi32>
      %gather3A_138 = vector.shape_cast %reshape3A_137 : vector<16x1xi32> to vector<16xi32>
      %gather3A_139 = tpu.dynamic_gather %min3A_133[%gather3A_138] in [0] : vector<16xf32>, vector<16xi32> -> vector<16xf32>
      %min3A_140 = arith.minimumf %min3A_133, %gather3A_139 : vector<16xf32>
      %xor3A_141 = arith.constant 1 : i32
      %xor3A_142 = vector.broadcast %xor3A_141 : i32 to vector<16xi32>
      %xor3A_143 = arith.xori %iota3A_122, %xor3A_142 : vector<16xi32>
      %reshape3A_144 = vector.shape_cast %xor3A_143 : vector<16xi32> to vector<16x1xi32>
      %gather3A_145 = vector.shape_cast %reshape3A_144 : vector<16x1xi32> to vector<16xi32>
      %gather3A_146 = tpu.dynamic_gather %min3A_140[%gather3A_145] in [0] : vector<16xf32>, vector<16xi32> -> vector<16xf32>
      %min3A_147 = arith.minimumf %min3A_140, %gather3A_146 : vector<16xf32>
      %eq3A = arith.cmpf oeq, %scan3A_120#0, %min3A_147 : vector<16xf32>
      %mul3A_148 = arith.constant 16 : i32
      %mul3A_149 = vector.broadcast %mul3A_148 : i32 to vector<16xi32>
      %mul3A_150 = arith.muli %scan3A_120#8, %mul3A_149 : vector<16xi32>
      %add3A_151 = arith.addi %mul3A_150, %iota3A : vector<16xi32>
      %jit3A = arith.constant 8192 : i32
      %broadcast_in_dim3A_152 = vector.broadcast %jit3A : i32 to vector<16xi32>
      %select_n3A = arith.select %eq3A, %add3A_151, %broadcast_in_dim3A_152 : vector<16xi1>, vector<16xi32>
      %iota3A_153 = tpu.iota {dimensions = array<i32: 0>} : vector<16xi32>
      %xor3A_154 = arith.constant 8 : i32
      %xor3A_155 = vector.broadcast %xor3A_154 : i32 to vector<16xi32>
      %xor3A_156 = arith.xori %iota3A_153, %xor3A_155 : vector<16xi32>
      %reshape3A_157 = vector.shape_cast %xor3A_156 : vector<16xi32> to vector<16x1xi32>
      %gather3A_158 = vector.shape_cast %reshape3A_157 : vector<16x1xi32> to vector<16xi32>
      %gather3A_159 = tpu.dynamic_gather %select_n3A[%gather3A_158] in [0] : vector<16xi32>, vector<16xi32> -> vector<16xi32>
      %min3A_160 = arith.minsi %select_n3A, %gather3A_159 : vector<16xi32>
      %xor3A_161 = arith.constant 4 : i32
      %xor3A_162 = vector.broadcast %xor3A_161 : i32 to vector<16xi32>
      %xor3A_163 = arith.xori %iota3A_153, %xor3A_162 : vector<16xi32>
      %reshape3A_164 = vector.shape_cast %xor3A_163 : vector<16xi32> to vector<16x1xi32>
      %gather3A_165 = vector.shape_cast %reshape3A_164 : vector<16x1xi32> to vector<16xi32>
      %gather3A_166 = tpu.dynamic_gather %min3A_160[%gather3A_165] in [0] : vector<16xi32>, vector<16xi32> -> vector<16xi32>
      %min3A_167 = arith.minsi %min3A_160, %gather3A_166 : vector<16xi32>
      %xor3A_168 = arith.constant 2 : i32
      %xor3A_169 = vector.broadcast %xor3A_168 : i32 to vector<16xi32>
      %xor3A_170 = arith.xori %iota3A_153, %xor3A_169 : vector<16xi32>
      %reshape3A_171 = vector.shape_cast %xor3A_170 : vector<16xi32> to vector<16x1xi32>
      %gather3A_172 = vector.shape_cast %reshape3A_171 : vector<16x1xi32> to vector<16xi32>
      %gather3A_173 = tpu.dynamic_gather %min3A_167[%gather3A_172] in [0] : vector<16xi32>, vector<16xi32> -> vector<16xi32>
      %min3A_174 = arith.minsi %min3A_167, %gather3A_173 : vector<16xi32>
      %xor3A_175 = arith.constant 1 : i32
      %xor3A_176 = vector.broadcast %xor3A_175 : i32 to vector<16xi32>
      %xor3A_177 = arith.xori %iota3A_153, %xor3A_176 : vector<16xi32>
      %reshape3A_178 = vector.shape_cast %xor3A_177 : vector<16xi32> to vector<16x1xi32>
      %gather3A_179 = vector.shape_cast %reshape3A_178 : vector<16x1xi32> to vector<16xi32>
      %gather3A_180 = tpu.dynamic_gather %min3A_174[%gather3A_179] in [0] : vector<16xi32>, vector<16xi32> -> vector<16xi32>
      %min3A_181 = arith.minsi %min3A_174, %gather3A_180 : vector<16xi32>
      %eq3A_182 = arith.constant 0 : i32
      %eq3A_183 = vector.broadcast %eq3A_182 : i32 to vector<16xi32>
      %eq3A_184 = arith.cmpi eq, %iota3A, %eq3A_183 : vector<16xi32>
      %select_n3A_185 = arith.select %eq3A_184, %min3A_181, %broadcast_in_dim3A_20 : vector<16xi1>, vector<16xi32>
      %iota3A_186 = tpu.iota {dimensions = array<i32: 0>} : vector<16xi32>
      %xor3A_187 = arith.constant 8 : i32
      %xor3A_188 = vector.broadcast %xor3A_187 : i32 to vector<16xi32>
      %xor3A_189 = arith.xori %iota3A_186, %xor3A_188 : vector<16xi32>
      %reshape3A_190 = vector.shape_cast %xor3A_189 : vector<16xi32> to vector<16x1xi32>
      %gather3A_191 = vector.shape_cast %reshape3A_190 : vector<16x1xi32> to vector<16xi32>
      %gather3A_192 = tpu.dynamic_gather %scan3A_120#1[%gather3A_191] in [0] : vector<16xf32>, vector<16xi32> -> vector<16xf32>
      %min3A_193 = arith.minimumf %scan3A_120#1, %gather3A_192 : vector<16xf32>
      %xor3A_194 = arith.constant 4 : i32
      %xor3A_195 = vector.broadcast %xor3A_194 : i32 to vector<16xi32>
      %xor3A_196 = arith.xori %iota3A_186, %xor3A_195 : vector<16xi32>
      %reshape3A_197 = vector.shape_cast %xor3A_196 : vector<16xi32> to vector<16x1xi32>
      %gather3A_198 = vector.shape_cast %reshape3A_197 : vector<16x1xi32> to vector<16xi32>
      %gather3A_199 = tpu.dynamic_gather %min3A_193[%gather3A_198] in [0] : vector<16xf32>, vector<16xi32> -> vector<16xf32>
      %min3A_200 = arith.minimumf %min3A_193, %gather3A_199 : vector<16xf32>
      %xor3A_201 = arith.constant 2 : i32
      %xor3A_202 = vector.broadcast %xor3A_201 : i32 to vector<16xi32>
      %xor3A_203 = arith.xori %iota3A_186, %xor3A_202 : vector<16xi32>
      %reshape3A_204 = vector.shape_cast %xor3A_203 : vector<16xi32> to vector<16x1xi32>
      %gather3A_205 = vector.shape_cast %reshape3A_204 : vector<16x1xi32> to vector<16xi32>
      %gather3A_206 = tpu.dynamic_gather %min3A_200[%gather3A_205] in [0] : vector<16xf32>, vector<16xi32> -> vector<16xf32>
      %min3A_207 = arith.minimumf %min3A_200, %gather3A_206 : vector<16xf32>
      %xor3A_208 = arith.constant 1 : i32
      %xor3A_209 = vector.broadcast %xor3A_208 : i32 to vector<16xi32>
      %xor3A_210 = arith.xori %iota3A_186, %xor3A_209 : vector<16xi32>
      %reshape3A_211 = vector.shape_cast %xor3A_210 : vector<16xi32> to vector<16x1xi32>
      %gather3A_212 = vector.shape_cast %reshape3A_211 : vector<16x1xi32> to vector<16xi32>
      %gather3A_213 = tpu.dynamic_gather %min3A_207[%gather3A_212] in [0] : vector<16xf32>, vector<16xi32> -> vector<16xf32>
      %min3A_214 = arith.minimumf %min3A_207, %gather3A_213 : vector<16xf32>
      %eq3A_215 = arith.cmpf oeq, %scan3A_120#1, %min3A_214 : vector<16xf32>
      %mul3A_216 = arith.constant 16 : i32
      %mul3A_217 = vector.broadcast %mul3A_216 : i32 to vector<16xi32>
      %mul3A_218 = arith.muli %scan3A_120#9, %mul3A_217 : vector<16xi32>
      %add3A_219 = arith.addi %mul3A_218, %iota3A : vector<16xi32>
      %jit3A_220 = arith.constant 8192 : i32
      %broadcast_in_dim3A_221 = vector.broadcast %jit3A_220 : i32 to vector<16xi32>
      %select_n3A_222 = arith.select %eq3A_215, %add3A_219, %broadcast_in_dim3A_221 : vector<16xi1>, vector<16xi32>
      %iota3A_223 = tpu.iota {dimensions = array<i32: 0>} : vector<16xi32>
      %xor3A_224 = arith.constant 8 : i32
      %xor3A_225 = vector.broadcast %xor3A_224 : i32 to vector<16xi32>
      %xor3A_226 = arith.xori %iota3A_223, %xor3A_225 : vector<16xi32>
      %reshape3A_227 = vector.shape_cast %xor3A_226 : vector<16xi32> to vector<16x1xi32>
      %gather3A_228 = vector.shape_cast %reshape3A_227 : vector<16x1xi32> to vector<16xi32>
      %gather3A_229 = tpu.dynamic_gather %select_n3A_222[%gather3A_228] in [0] : vector<16xi32>, vector<16xi32> -> vector<16xi32>
      %min3A_230 = arith.minsi %select_n3A_222, %gather3A_229 : vector<16xi32>
      %xor3A_231 = arith.constant 4 : i32
      %xor3A_232 = vector.broadcast %xor3A_231 : i32 to vector<16xi32>
      %xor3A_233 = arith.xori %iota3A_223, %xor3A_232 : vector<16xi32>
      %reshape3A_234 = vector.shape_cast %xor3A_233 : vector<16xi32> to vector<16x1xi32>
      %gather3A_235 = vector.shape_cast %reshape3A_234 : vector<16x1xi32> to vector<16xi32>
      %gather3A_236 = tpu.dynamic_gather %min3A_230[%gather3A_235] in [0] : vector<16xi32>, vector<16xi32> -> vector<16xi32>
      %min3A_237 = arith.minsi %min3A_230, %gather3A_236 : vector<16xi32>
      %xor3A_238 = arith.constant 2 : i32
      %xor3A_239 = vector.broadcast %xor3A_238 : i32 to vector<16xi32>
      %xor3A_240 = arith.xori %iota3A_223, %xor3A_239 : vector<16xi32>
      %reshape3A_241 = vector.shape_cast %xor3A_240 : vector<16xi32> to vector<16x1xi32>
      %gather3A_242 = vector.shape_cast %reshape3A_241 : vector<16x1xi32> to vector<16xi32>
      %gather3A_243 = tpu.dynamic_gather %min3A_237[%gather3A_242] in [0] : vector<16xi32>, vector<16xi32> -> vector<16xi32>
      %min3A_244 = arith.minsi %min3A_237, %gather3A_243 : vector<16xi32>
      %xor3A_245 = arith.constant 1 : i32
      %xor3A_246 = vector.broadcast %xor3A_245 : i32 to vector<16xi32>
      %xor3A_247 = arith.xori %iota3A_223, %xor3A_246 : vector<16xi32>
      %reshape3A_248 = vector.shape_cast %xor3A_247 : vector<16xi32> to vector<16x1xi32>
      %gather3A_249 = vector.shape_cast %reshape3A_248 : vector<16x1xi32> to vector<16xi32>
      %gather3A_250 = tpu.dynamic_gather %min3A_244[%gather3A_249] in [0] : vector<16xi32>, vector<16xi32> -> vector<16xi32>
      %min3A_251 = arith.minsi %min3A_244, %gather3A_250 : vector<16xi32>
      %eq3A_252 = arith.constant 1 : i32
      %eq3A_253 = vector.broadcast %eq3A_252 : i32 to vector<16xi32>
      %eq3A_254 = arith.cmpi eq, %iota3A, %eq3A_253 : vector<16xi32>
      %select_n3A_255 = arith.select %eq3A_254, %min3A_251, %select_n3A_185 : vector<16xi1>, vector<16xi32>
      %iota3A_256 = tpu.iota {dimensions = array<i32: 0>} : vector<16xi32>
      %xor3A_257 = arith.constant 8 : i32
      %xor3A_258 = vector.broadcast %xor3A_257 : i32 to vector<16xi32>
      %xor3A_259 = arith.xori %iota3A_256, %xor3A_258 : vector<16xi32>
      %reshape3A_260 = vector.shape_cast %xor3A_259 : vector<16xi32> to vector<16x1xi32>
      %gather3A_261 = vector.shape_cast %reshape3A_260 : vector<16x1xi32> to vector<16xi32>
      %gather3A_262 = tpu.dynamic_gather %scan3A_120#2[%gather3A_261] in [0] : vector<16xf32>, vector<16xi32> -> vector<16xf32>
      %min3A_263 = arith.minimumf %scan3A_120#2, %gather3A_262 : vector<16xf32>
      %xor3A_264 = arith.constant 4 : i32
      %xor3A_265 = vector.broadcast %xor3A_264 : i32 to vector<16xi32>
      %xor3A_266 = arith.xori %iota3A_256, %xor3A_265 : vector<16xi32>
      %reshape3A_267 = vector.shape_cast %xor3A_266 : vector<16xi32> to vector<16x1xi32>
      %gather3A_268 = vector.shape_cast %reshape3A_267 : vector<16x1xi32> to vector<16xi32>
      %gather3A_269 = tpu.dynamic_gather %min3A_263[%gather3A_268] in [0] : vector<16xf32>, vector<16xi32> -> vector<16xf32>
      %min3A_270 = arith.minimumf %min3A_263, %gather3A_269 : vector<16xf32>
      %xor3A_271 = arith.constant 2 : i32
      %xor3A_272 = vector.broadcast %xor3A_271 : i32 to vector<16xi32>
      %xor3A_273 = arith.xori %iota3A_256, %xor3A_272 : vector<16xi32>
      %reshape3A_274 = vector.shape_cast %xor3A_273 : vector<16xi32> to vector<16x1xi32>
      %gather3A_275 = vector.shape_cast %reshape3A_274 : vector<16x1xi32> to vector<16xi32>
      %gather3A_276 = tpu.dynamic_gather %min3A_270[%gather3A_275] in [0] : vector<16xf32>, vector<16xi32> -> vector<16xf32>
      %min3A_277 = arith.minimumf %min3A_270, %gather3A_276 : vector<16xf32>
      %xor3A_278 = arith.constant 1 : i32
      %xor3A_279 = vector.broadcast %xor3A_278 : i32 to vector<16xi32>
      %xor3A_280 = arith.xori %iota3A_256, %xor3A_279 : vector<16xi32>
      %reshape3A_281 = vector.shape_cast %xor3A_280 : vector<16xi32> to vector<16x1xi32>
      %gather3A_282 = vector.shape_cast %reshape3A_281 : vector<16x1xi32> to vector<16xi32>
      %gather3A_283 = tpu.dynamic_gather %min3A_277[%gather3A_282] in [0] : vector<16xf32>, vector<16xi32> -> vector<16xf32>
      %min3A_284 = arith.minimumf %min3A_277, %gather3A_283 : vector<16xf32>
      %eq3A_285 = arith.cmpf oeq, %scan3A_120#2, %min3A_284 : vector<16xf32>
      %mul3A_286 = arith.constant 16 : i32
      %mul3A_287 = vector.broadcast %mul3A_286 : i32 to vector<16xi32>
      %mul3A_288 = arith.muli %scan3A_120#10, %mul3A_287 : vector<16xi32>
      %add3A_289 = arith.addi %mul3A_288, %iota3A : vector<16xi32>
      %jit3A_290 = arith.constant 8192 : i32
      %broadcast_in_dim3A_291 = vector.broadcast %jit3A_290 : i32 to vector<16xi32>
      %select_n3A_292 = arith.select %eq3A_285, %add3A_289, %broadcast_in_dim3A_291 : vector<16xi1>, vector<16xi32>
      %iota3A_293 = tpu.iota {dimensions = array<i32: 0>} : vector<16xi32>
      %xor3A_294 = arith.constant 8 : i32
      %xor3A_295 = vector.broadcast %xor3A_294 : i32 to vector<16xi32>
      %xor3A_296 = arith.xori %iota3A_293, %xor3A_295 : vector<16xi32>
      %reshape3A_297 = vector.shape_cast %xor3A_296 : vector<16xi32> to vector<16x1xi32>
      %gather3A_298 = vector.shape_cast %reshape3A_297 : vector<16x1xi32> to vector<16xi32>
      %gather3A_299 = tpu.dynamic_gather %select_n3A_292[%gather3A_298] in [0] : vector<16xi32>, vector<16xi32> -> vector<16xi32>
      %min3A_300 = arith.minsi %select_n3A_292, %gather3A_299 : vector<16xi32>
      %xor3A_301 = arith.constant 4 : i32
      %xor3A_302 = vector.broadcast %xor3A_301 : i32 to vector<16xi32>
      %xor3A_303 = arith.xori %iota3A_293, %xor3A_302 : vector<16xi32>
      %reshape3A_304 = vector.shape_cast %xor3A_303 : vector<16xi32> to vector<16x1xi32>
      %gather3A_305 = vector.shape_cast %reshape3A_304 : vector<16x1xi32> to vector<16xi32>
      %gather3A_306 = tpu.dynamic_gather %min3A_300[%gather3A_305] in [0] : vector<16xi32>, vector<16xi32> -> vector<16xi32>
      %min3A_307 = arith.minsi %min3A_300, %gather3A_306 : vector<16xi32>
      %xor3A_308 = arith.constant 2 : i32
      %xor3A_309 = vector.broadcast %xor3A_308 : i32 to vector<16xi32>
      %xor3A_310 = arith.xori %iota3A_293, %xor3A_309 : vector<16xi32>
      %reshape3A_311 = vector.shape_cast %xor3A_310 : vector<16xi32> to vector<16x1xi32>
      %gather3A_312 = vector.shape_cast %reshape3A_311 : vector<16x1xi32> to vector<16xi32>
      %gather3A_313 = tpu.dynamic_gather %min3A_307[%gather3A_312] in [0] : vector<16xi32>, vector<16xi32> -> vector<16xi32>
      %min3A_314 = arith.minsi %min3A_307, %gather3A_313 : vector<16xi32>
      %xor3A_315 = arith.constant 1 : i32
      %xor3A_316 = vector.broadcast %xor3A_315 : i32 to vector<16xi32>
      %xor3A_317 = arith.xori %iota3A_293, %xor3A_316 : vector<16xi32>
      %reshape3A_318 = vector.shape_cast %xor3A_317 : vector<16xi32> to vector<16x1xi32>
      %gather3A_319 = vector.shape_cast %reshape3A_318 : vector<16x1xi32> to vector<16xi32>
      %gather3A_320 = tpu.dynamic_gather %min3A_314[%gather3A_319] in [0] : vector<16xi32>, vector<16xi32> -> vector<16xi32>
      %min3A_321 = arith.minsi %min3A_314, %gather3A_320 : vector<16xi32>
      %eq3A_322 = arith.constant 2 : i32
      %eq3A_323 = vector.broadcast %eq3A_322 : i32 to vector<16xi32>
      %eq3A_324 = arith.cmpi eq, %iota3A, %eq3A_323 : vector<16xi32>
      %select_n3A_325 = arith.select %eq3A_324, %min3A_321, %select_n3A_255 : vector<16xi1>, vector<16xi32>
      %iota3A_326 = tpu.iota {dimensions = array<i32: 0>} : vector<16xi32>
      %xor3A_327 = arith.constant 8 : i32
      %xor3A_328 = vector.broadcast %xor3A_327 : i32 to vector<16xi32>
      %xor3A_329 = arith.xori %iota3A_326, %xor3A_328 : vector<16xi32>
      %reshape3A_330 = vector.shape_cast %xor3A_329 : vector<16xi32> to vector<16x1xi32>
      %gather3A_331 = vector.shape_cast %reshape3A_330 : vector<16x1xi32> to vector<16xi32>
      %gather3A_332 = tpu.dynamic_gather %scan3A_120#3[%gather3A_331] in [0] : vector<16xf32>, vector<16xi32> -> vector<16xf32>
      %min3A_333 = arith.minimumf %scan3A_120#3, %gather3A_332 : vector<16xf32>
      %xor3A_334 = arith.constant 4 : i32
      %xor3A_335 = vector.broadcast %xor3A_334 : i32 to vector<16xi32>
      %xor3A_336 = arith.xori %iota3A_326, %xor3A_335 : vector<16xi32>
      %reshape3A_337 = vector.shape_cast %xor3A_336 : vector<16xi32> to vector<16x1xi32>
      %gather3A_338 = vector.shape_cast %reshape3A_337 : vector<16x1xi32> to vector<16xi32>
      %gather3A_339 = tpu.dynamic_gather %min3A_333[%gather3A_338] in [0] : vector<16xf32>, vector<16xi32> -> vector<16xf32>
      %min3A_340 = arith.minimumf %min3A_333, %gather3A_339 : vector<16xf32>
      %xor3A_341 = arith.constant 2 : i32
      %xor3A_342 = vector.broadcast %xor3A_341 : i32 to vector<16xi32>
      %xor3A_343 = arith.xori %iota3A_326, %xor3A_342 : vector<16xi32>
      %reshape3A_344 = vector.shape_cast %xor3A_343 : vector<16xi32> to vector<16x1xi32>
      %gather3A_345 = vector.shape_cast %reshape3A_344 : vector<16x1xi32> to vector<16xi32>
      %gather3A_346 = tpu.dynamic_gather %min3A_340[%gather3A_345] in [0] : vector<16xf32>, vector<16xi32> -> vector<16xf32>
      %min3A_347 = arith.minimumf %min3A_340, %gather3A_346 : vector<16xf32>
      %xor3A_348 = arith.constant 1 : i32
      %xor3A_349 = vector.broadcast %xor3A_348 : i32 to vector<16xi32>
      %xor3A_350 = arith.xori %iota3A_326, %xor3A_349 : vector<16xi32>
      %reshape3A_351 = vector.shape_cast %xor3A_350 : vector<16xi32> to vector<16x1xi32>
      %gather3A_352 = vector.shape_cast %reshape3A_351 : vector<16x1xi32> to vector<16xi32>
      %gather3A_353 = tpu.dynamic_gather %min3A_347[%gather3A_352] in [0] : vector<16xf32>, vector<16xi32> -> vector<16xf32>
      %min3A_354 = arith.minimumf %min3A_347, %gather3A_353 : vector<16xf32>
      %eq3A_355 = arith.cmpf oeq, %scan3A_120#3, %min3A_354 : vector<16xf32>
      %mul3A_356 = arith.constant 16 : i32
      %mul3A_357 = vector.broadcast %mul3A_356 : i32 to vector<16xi32>
      %mul3A_358 = arith.muli %scan3A_120#11, %mul3A_357 : vector<16xi32>
      %add3A_359 = arith.addi %mul3A_358, %iota3A : vector<16xi32>
      %jit3A_360 = arith.constant 8192 : i32
      %broadcast_in_dim3A_361 = vector.broadcast %jit3A_360 : i32 to vector<16xi32>
      %select_n3A_362 = arith.select %eq3A_355, %add3A_359, %broadcast_in_dim3A_361 : vector<16xi1>, vector<16xi32>
      %iota3A_363 = tpu.iota {dimensions = array<i32: 0>} : vector<16xi32>
      %xor3A_364 = arith.constant 8 : i32
      %xor3A_365 = vector.broadcast %xor3A_364 : i32 to vector<16xi32>
      %xor3A_366 = arith.xori %iota3A_363, %xor3A_365 : vector<16xi32>
      %reshape3A_367 = vector.shape_cast %xor3A_366 : vector<16xi32> to vector<16x1xi32>
      %gather3A_368 = vector.shape_cast %reshape3A_367 : vector<16x1xi32> to vector<16xi32>
      %gather3A_369 = tpu.dynamic_gather %select_n3A_362[%gather3A_368] in [0] : vector<16xi32>, vector<16xi32> -> vector<16xi32>
      %min3A_370 = arith.minsi %select_n3A_362, %gather3A_369 : vector<16xi32>
      %xor3A_371 = arith.constant 4 : i32
      %xor3A_372 = vector.broadcast %xor3A_371 : i32 to vector<16xi32>
      %xor3A_373 = arith.xori %iota3A_363, %xor3A_372 : vector<16xi32>
      %reshape3A_374 = vector.shape_cast %xor3A_373 : vector<16xi32> to vector<16x1xi32>
      %gather3A_375 = vector.shape_cast %reshape3A_374 : vector<16x1xi32> to vector<16xi32>
      %gather3A_376 = tpu.dynamic_gather %min3A_370[%gather3A_375] in [0] : vector<16xi32>, vector<16xi32> -> vector<16xi32>
      %min3A_377 = arith.minsi %min3A_370, %gather3A_376 : vector<16xi32>
      %xor3A_378 = arith.constant 2 : i32
      %xor3A_379 = vector.broadcast %xor3A_378 : i32 to vector<16xi32>
      %xor3A_380 = arith.xori %iota3A_363, %xor3A_379 : vector<16xi32>
      %reshape3A_381 = vector.shape_cast %xor3A_380 : vector<16xi32> to vector<16x1xi32>
      %gather3A_382 = vector.shape_cast %reshape3A_381 : vector<16x1xi32> to vector<16xi32>
      %gather3A_383 = tpu.dynamic_gather %min3A_377[%gather3A_382] in [0] : vector<16xi32>, vector<16xi32> -> vector<16xi32>
      %min3A_384 = arith.minsi %min3A_377, %gather3A_383 : vector<16xi32>
      %xor3A_385 = arith.constant 1 : i32
      %xor3A_386 = vector.broadcast %xor3A_385 : i32 to vector<16xi32>
      %xor3A_387 = arith.xori %iota3A_363, %xor3A_386 : vector<16xi32>
      %reshape3A_388 = vector.shape_cast %xor3A_387 : vector<16xi32> to vector<16x1xi32>
      %gather3A_389 = vector.shape_cast %reshape3A_388 : vector<16x1xi32> to vector<16xi32>
      %gather3A_390 = tpu.dynamic_gather %min3A_384[%gather3A_389] in [0] : vector<16xi32>, vector<16xi32> -> vector<16xi32>
      %min3A_391 = arith.minsi %min3A_384, %gather3A_390 : vector<16xi32>
      %eq3A_392 = arith.constant 3 : i32
      %eq3A_393 = vector.broadcast %eq3A_392 : i32 to vector<16xi32>
      %eq3A_394 = arith.cmpi eq, %iota3A, %eq3A_393 : vector<16xi32>
      %select_n3A_395 = arith.select %eq3A_394, %min3A_391, %select_n3A_325 : vector<16xi1>, vector<16xi32>
      %iota3A_396 = tpu.iota {dimensions = array<i32: 0>} : vector<16xi32>
      %xor3A_397 = arith.constant 8 : i32
      %xor3A_398 = vector.broadcast %xor3A_397 : i32 to vector<16xi32>
      %xor3A_399 = arith.xori %iota3A_396, %xor3A_398 : vector<16xi32>
      %reshape3A_400 = vector.shape_cast %xor3A_399 : vector<16xi32> to vector<16x1xi32>
      %gather3A_401 = vector.shape_cast %reshape3A_400 : vector<16x1xi32> to vector<16xi32>
      %gather3A_402 = tpu.dynamic_gather %scan3A_120#4[%gather3A_401] in [0] : vector<16xf32>, vector<16xi32> -> vector<16xf32>
      %min3A_403 = arith.minimumf %scan3A_120#4, %gather3A_402 : vector<16xf32>
      %xor3A_404 = arith.constant 4 : i32
      %xor3A_405 = vector.broadcast %xor3A_404 : i32 to vector<16xi32>
      %xor3A_406 = arith.xori %iota3A_396, %xor3A_405 : vector<16xi32>
      %reshape3A_407 = vector.shape_cast %xor3A_406 : vector<16xi32> to vector<16x1xi32>
      %gather3A_408 = vector.shape_cast %reshape3A_407 : vector<16x1xi32> to vector<16xi32>
      %gather3A_409 = tpu.dynamic_gather %min3A_403[%gather3A_408] in [0] : vector<16xf32>, vector<16xi32> -> vector<16xf32>
      %min3A_410 = arith.minimumf %min3A_403, %gather3A_409 : vector<16xf32>
      %xor3A_411 = arith.constant 2 : i32
      %xor3A_412 = vector.broadcast %xor3A_411 : i32 to vector<16xi32>
      %xor3A_413 = arith.xori %iota3A_396, %xor3A_412 : vector<16xi32>
      %reshape3A_414 = vector.shape_cast %xor3A_413 : vector<16xi32> to vector<16x1xi32>
      %gather3A_415 = vector.shape_cast %reshape3A_414 : vector<16x1xi32> to vector<16xi32>
      %gather3A_416 = tpu.dynamic_gather %min3A_410[%gather3A_415] in [0] : vector<16xf32>, vector<16xi32> -> vector<16xf32>
      %min3A_417 = arith.minimumf %min3A_410, %gather3A_416 : vector<16xf32>
      %xor3A_418 = arith.constant 1 : i32
      %xor3A_419 = vector.broadcast %xor3A_418 : i32 to vector<16xi32>
      %xor3A_420 = arith.xori %iota3A_396, %xor3A_419 : vector<16xi32>
      %reshape3A_421 = vector.shape_cast %xor3A_420 : vector<16xi32> to vector<16x1xi32>
      %gather3A_422 = vector.shape_cast %reshape3A_421 : vector<16x1xi32> to vector<16xi32>
      %gather3A_423 = tpu.dynamic_gather %min3A_417[%gather3A_422] in [0] : vector<16xf32>, vector<16xi32> -> vector<16xf32>
      %min3A_424 = arith.minimumf %min3A_417, %gather3A_423 : vector<16xf32>
      %eq3A_425 = arith.cmpf oeq, %scan3A_120#4, %min3A_424 : vector<16xf32>
      %mul3A_426 = arith.constant 16 : i32
      %mul3A_427 = vector.broadcast %mul3A_426 : i32 to vector<16xi32>
      %mul3A_428 = arith.muli %scan3A_120#12, %mul3A_427 : vector<16xi32>
      %add3A_429 = arith.addi %mul3A_428, %iota3A : vector<16xi32>
      %jit3A_430 = arith.constant 8192 : i32
      %broadcast_in_dim3A_431 = vector.broadcast %jit3A_430 : i32 to vector<16xi32>
      %select_n3A_432 = arith.select %eq3A_425, %add3A_429, %broadcast_in_dim3A_431 : vector<16xi1>, vector<16xi32>
      %iota3A_433 = tpu.iota {dimensions = array<i32: 0>} : vector<16xi32>
      %xor3A_434 = arith.constant 8 : i32
      %xor3A_435 = vector.broadcast %xor3A_434 : i32 to vector<16xi32>
      %xor3A_436 = arith.xori %iota3A_433, %xor3A_435 : vector<16xi32>
      %reshape3A_437 = vector.shape_cast %xor3A_436 : vector<16xi32> to vector<16x1xi32>
      %gather3A_438 = vector.shape_cast %reshape3A_437 : vector<16x1xi32> to vector<16xi32>
      %gather3A_439 = tpu.dynamic_gather %select_n3A_432[%gather3A_438] in [0] : vector<16xi32>, vector<16xi32> -> vector<16xi32>
      %min3A_440 = arith.minsi %select_n3A_432, %gather3A_439 : vector<16xi32>
      %xor3A_441 = arith.constant 4 : i32
      %xor3A_442 = vector.broadcast %xor3A_441 : i32 to vector<16xi32>
      %xor3A_443 = arith.xori %iota3A_433, %xor3A_442 : vector<16xi32>
      %reshape3A_444 = vector.shape_cast %xor3A_443 : vector<16xi32> to vector<16x1xi32>
      %gather3A_445 = vector.shape_cast %reshape3A_444 : vector<16x1xi32> to vector<16xi32>
      %gather3A_446 = tpu.dynamic_gather %min3A_440[%gather3A_445] in [0] : vector<16xi32>, vector<16xi32> -> vector<16xi32>
      %min3A_447 = arith.minsi %min3A_440, %gather3A_446 : vector<16xi32>
      %xor3A_448 = arith.constant 2 : i32
      %xor3A_449 = vector.broadcast %xor3A_448 : i32 to vector<16xi32>
      %xor3A_450 = arith.xori %iota3A_433, %xor3A_449 : vector<16xi32>
      %reshape3A_451 = vector.shape_cast %xor3A_450 : vector<16xi32> to vector<16x1xi32>
      %gather3A_452 = vector.shape_cast %reshape3A_451 : vector<16x1xi32> to vector<16xi32>
      %gather3A_453 = tpu.dynamic_gather %min3A_447[%gather3A_452] in [0] : vector<16xi32>, vector<16xi32> -> vector<16xi32>
      %min3A_454 = arith.minsi %min3A_447, %gather3A_453 : vector<16xi32>
      %xor3A_455 = arith.constant 1 : i32
      %xor3A_456 = vector.broadcast %xor3A_455 : i32 to vector<16xi32>
      %xor3A_457 = arith.xori %iota3A_433, %xor3A_456 : vector<16xi32>
      %reshape3A_458 = vector.shape_cast %xor3A_457 : vector<16xi32> to vector<16x1xi32>
      %gather3A_459 = vector.shape_cast %reshape3A_458 : vector<16x1xi32> to vector<16xi32>
      %gather3A_460 = tpu.dynamic_gather %min3A_454[%gather3A_459] in [0] : vector<16xi32>, vector<16xi32> -> vector<16xi32>
      %min3A_461 = arith.minsi %min3A_454, %gather3A_460 : vector<16xi32>
      %eq3A_462 = arith.constant 4 : i32
      %eq3A_463 = vector.broadcast %eq3A_462 : i32 to vector<16xi32>
      %eq3A_464 = arith.cmpi eq, %iota3A, %eq3A_463 : vector<16xi32>
      %select_n3A_465 = arith.select %eq3A_464, %min3A_461, %select_n3A_395 : vector<16xi1>, vector<16xi32>
      %iota3A_466 = tpu.iota {dimensions = array<i32: 0>} : vector<16xi32>
      %xor3A_467 = arith.constant 8 : i32
      %xor3A_468 = vector.broadcast %xor3A_467 : i32 to vector<16xi32>
      %xor3A_469 = arith.xori %iota3A_466, %xor3A_468 : vector<16xi32>
      %reshape3A_470 = vector.shape_cast %xor3A_469 : vector<16xi32> to vector<16x1xi32>
      %gather3A_471 = vector.shape_cast %reshape3A_470 : vector<16x1xi32> to vector<16xi32>
      %gather3A_472 = tpu.dynamic_gather %scan3A_120#5[%gather3A_471] in [0] : vector<16xf32>, vector<16xi32> -> vector<16xf32>
      %min3A_473 = arith.minimumf %scan3A_120#5, %gather3A_472 : vector<16xf32>
      %xor3A_474 = arith.constant 4 : i32
      %xor3A_475 = vector.broadcast %xor3A_474 : i32 to vector<16xi32>
      %xor3A_476 = arith.xori %iota3A_466, %xor3A_475 : vector<16xi32>
      %reshape3A_477 = vector.shape_cast %xor3A_476 : vector<16xi32> to vector<16x1xi32>
      %gather3A_478 = vector.shape_cast %reshape3A_477 : vector<16x1xi32> to vector<16xi32>
      %gather3A_479 = tpu.dynamic_gather %min3A_473[%gather3A_478] in [0] : vector<16xf32>, vector<16xi32> -> vector<16xf32>
      %min3A_480 = arith.minimumf %min3A_473, %gather3A_479 : vector<16xf32>
      %xor3A_481 = arith.constant 2 : i32
      %xor3A_482 = vector.broadcast %xor3A_481 : i32 to vector<16xi32>
      %xor3A_483 = arith.xori %iota3A_466, %xor3A_482 : vector<16xi32>
      %reshape3A_484 = vector.shape_cast %xor3A_483 : vector<16xi32> to vector<16x1xi32>
      %gather3A_485 = vector.shape_cast %reshape3A_484 : vector<16x1xi32> to vector<16xi32>
      %gather3A_486 = tpu.dynamic_gather %min3A_480[%gather3A_485] in [0] : vector<16xf32>, vector<16xi32> -> vector<16xf32>
      %min3A_487 = arith.minimumf %min3A_480, %gather3A_486 : vector<16xf32>
      %xor3A_488 = arith.constant 1 : i32
      %xor3A_489 = vector.broadcast %xor3A_488 : i32 to vector<16xi32>
      %xor3A_490 = arith.xori %iota3A_466, %xor3A_489 : vector<16xi32>
      %reshape3A_491 = vector.shape_cast %xor3A_490 : vector<16xi32> to vector<16x1xi32>
      %gather3A_492 = vector.shape_cast %reshape3A_491 : vector<16x1xi32> to vector<16xi32>
      %gather3A_493 = tpu.dynamic_gather %min3A_487[%gather3A_492] in [0] : vector<16xf32>, vector<16xi32> -> vector<16xf32>
      %min3A_494 = arith.minimumf %min3A_487, %gather3A_493 : vector<16xf32>
      %eq3A_495 = arith.cmpf oeq, %scan3A_120#5, %min3A_494 : vector<16xf32>
      %mul3A_496 = arith.constant 16 : i32
      %mul3A_497 = vector.broadcast %mul3A_496 : i32 to vector<16xi32>
      %mul3A_498 = arith.muli %scan3A_120#13, %mul3A_497 : vector<16xi32>
      %add3A_499 = arith.addi %mul3A_498, %iota3A : vector<16xi32>
      %jit3A_500 = arith.constant 8192 : i32
      %broadcast_in_dim3A_501 = vector.broadcast %jit3A_500 : i32 to vector<16xi32>
      %select_n3A_502 = arith.select %eq3A_495, %add3A_499, %broadcast_in_dim3A_501 : vector<16xi1>, vector<16xi32>
      %iota3A_503 = tpu.iota {dimensions = array<i32: 0>} : vector<16xi32>
      %xor3A_504 = arith.constant 8 : i32
      %xor3A_505 = vector.broadcast %xor3A_504 : i32 to vector<16xi32>
      %xor3A_506 = arith.xori %iota3A_503, %xor3A_505 : vector<16xi32>
      %reshape3A_507 = vector.shape_cast %xor3A_506 : vector<16xi32> to vector<16x1xi32>
      %gather3A_508 = vector.shape_cast %reshape3A_507 : vector<16x1xi32> to vector<16xi32>
      %gather3A_509 = tpu.dynamic_gather %select_n3A_502[%gather3A_508] in [0] : vector<16xi32>, vector<16xi32> -> vector<16xi32>
      %min3A_510 = arith.minsi %select_n3A_502, %gather3A_509 : vector<16xi32>
      %xor3A_511 = arith.constant 4 : i32
      %xor3A_512 = vector.broadcast %xor3A_511 : i32 to vector<16xi32>
      %xor3A_513 = arith.xori %iota3A_503, %xor3A_512 : vector<16xi32>
      %reshape3A_514 = vector.shape_cast %xor3A_513 : vector<16xi32> to vector<16x1xi32>
      %gather3A_515 = vector.shape_cast %reshape3A_514 : vector<16x1xi32> to vector<16xi32>
      %gather3A_516 = tpu.dynamic_gather %min3A_510[%gather3A_515] in [0] : vector<16xi32>, vector<16xi32> -> vector<16xi32>
      %min3A_517 = arith.minsi %min3A_510, %gather3A_516 : vector<16xi32>
      %xor3A_518 = arith.constant 2 : i32
      %xor3A_519 = vector.broadcast %xor3A_518 : i32 to vector<16xi32>
      %xor3A_520 = arith.xori %iota3A_503, %xor3A_519 : vector<16xi32>
      %reshape3A_521 = vector.shape_cast %xor3A_520 : vector<16xi32> to vector<16x1xi32>
      %gather3A_522 = vector.shape_cast %reshape3A_521 : vector<16x1xi32> to vector<16xi32>
      %gather3A_523 = tpu.dynamic_gather %min3A_517[%gather3A_522] in [0] : vector<16xi32>, vector<16xi32> -> vector<16xi32>
      %min3A_524 = arith.minsi %min3A_517, %gather3A_523 : vector<16xi32>
      %xor3A_525 = arith.constant 1 : i32
      %xor3A_526 = vector.broadcast %xor3A_525 : i32 to vector<16xi32>
      %xor3A_527 = arith.xori %iota3A_503, %xor3A_526 : vector<16xi32>
      %reshape3A_528 = vector.shape_cast %xor3A_527 : vector<16xi32> to vector<16x1xi32>
      %gather3A_529 = vector.shape_cast %reshape3A_528 : vector<16x1xi32> to vector<16xi32>
      %gather3A_530 = tpu.dynamic_gather %min3A_524[%gather3A_529] in [0] : vector<16xi32>, vector<16xi32> -> vector<16xi32>
      %min3A_531 = arith.minsi %min3A_524, %gather3A_530 : vector<16xi32>
      %eq3A_532 = arith.constant 5 : i32
      %eq3A_533 = vector.broadcast %eq3A_532 : i32 to vector<16xi32>
      %eq3A_534 = arith.cmpi eq, %iota3A, %eq3A_533 : vector<16xi32>
      %select_n3A_535 = arith.select %eq3A_534, %min3A_531, %select_n3A_465 : vector<16xi1>, vector<16xi32>
      %iota3A_536 = tpu.iota {dimensions = array<i32: 0>} : vector<16xi32>
      %xor3A_537 = arith.constant 8 : i32
      %xor3A_538 = vector.broadcast %xor3A_537 : i32 to vector<16xi32>
      %xor3A_539 = arith.xori %iota3A_536, %xor3A_538 : vector<16xi32>
      %reshape3A_540 = vector.shape_cast %xor3A_539 : vector<16xi32> to vector<16x1xi32>
      %gather3A_541 = vector.shape_cast %reshape3A_540 : vector<16x1xi32> to vector<16xi32>
      %gather3A_542 = tpu.dynamic_gather %scan3A_120#6[%gather3A_541] in [0] : vector<16xf32>, vector<16xi32> -> vector<16xf32>
      %min3A_543 = arith.minimumf %scan3A_120#6, %gather3A_542 : vector<16xf32>
      %xor3A_544 = arith.constant 4 : i32
      %xor3A_545 = vector.broadcast %xor3A_544 : i32 to vector<16xi32>
      %xor3A_546 = arith.xori %iota3A_536, %xor3A_545 : vector<16xi32>
      %reshape3A_547 = vector.shape_cast %xor3A_546 : vector<16xi32> to vector<16x1xi32>
      %gather3A_548 = vector.shape_cast %reshape3A_547 : vector<16x1xi32> to vector<16xi32>
      %gather3A_549 = tpu.dynamic_gather %min3A_543[%gather3A_548] in [0] : vector<16xf32>, vector<16xi32> -> vector<16xf32>
      %min3A_550 = arith.minimumf %min3A_543, %gather3A_549 : vector<16xf32>
      %xor3A_551 = arith.constant 2 : i32
      %xor3A_552 = vector.broadcast %xor3A_551 : i32 to vector<16xi32>
      %xor3A_553 = arith.xori %iota3A_536, %xor3A_552 : vector<16xi32>
      %reshape3A_554 = vector.shape_cast %xor3A_553 : vector<16xi32> to vector<16x1xi32>
      %gather3A_555 = vector.shape_cast %reshape3A_554 : vector<16x1xi32> to vector<16xi32>
      %gather3A_556 = tpu.dynamic_gather %min3A_550[%gather3A_555] in [0] : vector<16xf32>, vector<16xi32> -> vector<16xf32>
      %min3A_557 = arith.minimumf %min3A_550, %gather3A_556 : vector<16xf32>
      %xor3A_558 = arith.constant 1 : i32
      %xor3A_559 = vector.broadcast %xor3A_558 : i32 to vector<16xi32>
      %xor3A_560 = arith.xori %iota3A_536, %xor3A_559 : vector<16xi32>
      %reshape3A_561 = vector.shape_cast %xor3A_560 : vector<16xi32> to vector<16x1xi32>
      %gather3A_562 = vector.shape_cast %reshape3A_561 : vector<16x1xi32> to vector<16xi32>
      %gather3A_563 = tpu.dynamic_gather %min3A_557[%gather3A_562] in [0] : vector<16xf32>, vector<16xi32> -> vector<16xf32>
      %min3A_564 = arith.minimumf %min3A_557, %gather3A_563 : vector<16xf32>
      %eq3A_565 = arith.cmpf oeq, %scan3A_120#6, %min3A_564 : vector<16xf32>
      %mul3A_566 = arith.constant 16 : i32
      %mul3A_567 = vector.broadcast %mul3A_566 : i32 to vector<16xi32>
      %mul3A_568 = arith.muli %scan3A_120#14, %mul3A_567 : vector<16xi32>
      %add3A_569 = arith.addi %mul3A_568, %iota3A : vector<16xi32>
      %jit3A_570 = arith.constant 8192 : i32
      %broadcast_in_dim3A_571 = vector.broadcast %jit3A_570 : i32 to vector<16xi32>
      %select_n3A_572 = arith.select %eq3A_565, %add3A_569, %broadcast_in_dim3A_571 : vector<16xi1>, vector<16xi32>
      %iota3A_573 = tpu.iota {dimensions = array<i32: 0>} : vector<16xi32>
      %xor3A_574 = arith.constant 8 : i32
      %xor3A_575 = vector.broadcast %xor3A_574 : i32 to vector<16xi32>
      %xor3A_576 = arith.xori %iota3A_573, %xor3A_575 : vector<16xi32>
      %reshape3A_577 = vector.shape_cast %xor3A_576 : vector<16xi32> to vector<16x1xi32>
      %gather3A_578 = vector.shape_cast %reshape3A_577 : vector<16x1xi32> to vector<16xi32>
      %gather3A_579 = tpu.dynamic_gather %select_n3A_572[%gather3A_578] in [0] : vector<16xi32>, vector<16xi32> -> vector<16xi32>
      %min3A_580 = arith.minsi %select_n3A_572, %gather3A_579 : vector<16xi32>
      %xor3A_581 = arith.constant 4 : i32
      %xor3A_582 = vector.broadcast %xor3A_581 : i32 to vector<16xi32>
      %xor3A_583 = arith.xori %iota3A_573, %xor3A_582 : vector<16xi32>
      %reshape3A_584 = vector.shape_cast %xor3A_583 : vector<16xi32> to vector<16x1xi32>
      %gather3A_585 = vector.shape_cast %reshape3A_584 : vector<16x1xi32> to vector<16xi32>
      %gather3A_586 = tpu.dynamic_gather %min3A_580[%gather3A_585] in [0] : vector<16xi32>, vector<16xi32> -> vector<16xi32>
      %min3A_587 = arith.minsi %min3A_580, %gather3A_586 : vector<16xi32>
      %xor3A_588 = arith.constant 2 : i32
      %xor3A_589 = vector.broadcast %xor3A_588 : i32 to vector<16xi32>
      %xor3A_590 = arith.xori %iota3A_573, %xor3A_589 : vector<16xi32>
      %reshape3A_591 = vector.shape_cast %xor3A_590 : vector<16xi32> to vector<16x1xi32>
      %gather3A_592 = vector.shape_cast %reshape3A_591 : vector<16x1xi32> to vector<16xi32>
      %gather3A_593 = tpu.dynamic_gather %min3A_587[%gather3A_592] in [0] : vector<16xi32>, vector<16xi32> -> vector<16xi32>
      %min3A_594 = arith.minsi %min3A_587, %gather3A_593 : vector<16xi32>
      %xor3A_595 = arith.constant 1 : i32
      %xor3A_596 = vector.broadcast %xor3A_595 : i32 to vector<16xi32>
      %xor3A_597 = arith.xori %iota3A_573, %xor3A_596 : vector<16xi32>
      %reshape3A_598 = vector.shape_cast %xor3A_597 : vector<16xi32> to vector<16x1xi32>
      %gather3A_599 = vector.shape_cast %reshape3A_598 : vector<16x1xi32> to vector<16xi32>
      %gather3A_600 = tpu.dynamic_gather %min3A_594[%gather3A_599] in [0] : vector<16xi32>, vector<16xi32> -> vector<16xi32>
      %min3A_601 = arith.minsi %min3A_594, %gather3A_600 : vector<16xi32>
      %eq3A_602 = arith.constant 6 : i32
      %eq3A_603 = vector.broadcast %eq3A_602 : i32 to vector<16xi32>
      %eq3A_604 = arith.cmpi eq, %iota3A, %eq3A_603 : vector<16xi32>
      %select_n3A_605 = arith.select %eq3A_604, %min3A_601, %select_n3A_535 : vector<16xi1>, vector<16xi32>
      %iota3A_606 = tpu.iota {dimensions = array<i32: 0>} : vector<16xi32>
      %xor3A_607 = arith.constant 8 : i32
      %xor3A_608 = vector.broadcast %xor3A_607 : i32 to vector<16xi32>
      %xor3A_609 = arith.xori %iota3A_606, %xor3A_608 : vector<16xi32>
      %reshape3A_610 = vector.shape_cast %xor3A_609 : vector<16xi32> to vector<16x1xi32>
      %gather3A_611 = vector.shape_cast %reshape3A_610 : vector<16x1xi32> to vector<16xi32>
      %gather3A_612 = tpu.dynamic_gather %scan3A_120#7[%gather3A_611] in [0] : vector<16xf32>, vector<16xi32> -> vector<16xf32>
      %min3A_613 = arith.minimumf %scan3A_120#7, %gather3A_612 : vector<16xf32>
      %xor3A_614 = arith.constant 4 : i32
      %xor3A_615 = vector.broadcast %xor3A_614 : i32 to vector<16xi32>
      %xor3A_616 = arith.xori %iota3A_606, %xor3A_615 : vector<16xi32>
      %reshape3A_617 = vector.shape_cast %xor3A_616 : vector<16xi32> to vector<16x1xi32>
      %gather3A_618 = vector.shape_cast %reshape3A_617 : vector<16x1xi32> to vector<16xi32>
      %gather3A_619 = tpu.dynamic_gather %min3A_613[%gather3A_618] in [0] : vector<16xf32>, vector<16xi32> -> vector<16xf32>
      %min3A_620 = arith.minimumf %min3A_613, %gather3A_619 : vector<16xf32>
      %xor3A_621 = arith.constant 2 : i32
      %xor3A_622 = vector.broadcast %xor3A_621 : i32 to vector<16xi32>
      %xor3A_623 = arith.xori %iota3A_606, %xor3A_622 : vector<16xi32>
      %reshape3A_624 = vector.shape_cast %xor3A_623 : vector<16xi32> to vector<16x1xi32>
      %gather3A_625 = vector.shape_cast %reshape3A_624 : vector<16x1xi32> to vector<16xi32>
      %gather3A_626 = tpu.dynamic_gather %min3A_620[%gather3A_625] in [0] : vector<16xf32>, vector<16xi32> -> vector<16xf32>
      %min3A_627 = arith.minimumf %min3A_620, %gather3A_626 : vector<16xf32>
      %xor3A_628 = arith.constant 1 : i32
      %xor3A_629 = vector.broadcast %xor3A_628 : i32 to vector<16xi32>
      %xor3A_630 = arith.xori %iota3A_606, %xor3A_629 : vector<16xi32>
      %reshape3A_631 = vector.shape_cast %xor3A_630 : vector<16xi32> to vector<16x1xi32>
      %gather3A_632 = vector.shape_cast %reshape3A_631 : vector<16x1xi32> to vector<16xi32>
      %gather3A_633 = tpu.dynamic_gather %min3A_627[%gather3A_632] in [0] : vector<16xf32>, vector<16xi32> -> vector<16xf32>
      %min3A_634 = arith.minimumf %min3A_627, %gather3A_633 : vector<16xf32>
      %eq3A_635 = arith.cmpf oeq, %scan3A_120#7, %min3A_634 : vector<16xf32>
      %mul3A_636 = arith.constant 16 : i32
      %mul3A_637 = vector.broadcast %mul3A_636 : i32 to vector<16xi32>
      %mul3A_638 = arith.muli %scan3A_120#15, %mul3A_637 : vector<16xi32>
      %add3A_639 = arith.addi %mul3A_638, %iota3A : vector<16xi32>
      %jit3A_640 = arith.constant 8192 : i32
      %broadcast_in_dim3A_641 = vector.broadcast %jit3A_640 : i32 to vector<16xi32>
      %select_n3A_642 = arith.select %eq3A_635, %add3A_639, %broadcast_in_dim3A_641 : vector<16xi1>, vector<16xi32>
      %iota3A_643 = tpu.iota {dimensions = array<i32: 0>} : vector<16xi32>
      %xor3A_644 = arith.constant 8 : i32
      %xor3A_645 = vector.broadcast %xor3A_644 : i32 to vector<16xi32>
      %xor3A_646 = arith.xori %iota3A_643, %xor3A_645 : vector<16xi32>
      %reshape3A_647 = vector.shape_cast %xor3A_646 : vector<16xi32> to vector<16x1xi32>
      %gather3A_648 = vector.shape_cast %reshape3A_647 : vector<16x1xi32> to vector<16xi32>
      %gather3A_649 = tpu.dynamic_gather %select_n3A_642[%gather3A_648] in [0] : vector<16xi32>, vector<16xi32> -> vector<16xi32>
      %min3A_650 = arith.minsi %select_n3A_642, %gather3A_649 : vector<16xi32>
      %xor3A_651 = arith.constant 4 : i32
      %xor3A_652 = vector.broadcast %xor3A_651 : i32 to vector<16xi32>
      %xor3A_653 = arith.xori %iota3A_643, %xor3A_652 : vector<16xi32>
      %reshape3A_654 = vector.shape_cast %xor3A_653 : vector<16xi32> to vector<16x1xi32>
      %gather3A_655 = vector.shape_cast %reshape3A_654 : vector<16x1xi32> to vector<16xi32>
      %gather3A_656 = tpu.dynamic_gather %min3A_650[%gather3A_655] in [0] : vector<16xi32>, vector<16xi32> -> vector<16xi32>
      %min3A_657 = arith.minsi %min3A_650, %gather3A_656 : vector<16xi32>
      %xor3A_658 = arith.constant 2 : i32
      %xor3A_659 = vector.broadcast %xor3A_658 : i32 to vector<16xi32>
      %xor3A_660 = arith.xori %iota3A_643, %xor3A_659 : vector<16xi32>
      %reshape3A_661 = vector.shape_cast %xor3A_660 : vector<16xi32> to vector<16x1xi32>
      %gather3A_662 = vector.shape_cast %reshape3A_661 : vector<16x1xi32> to vector<16xi32>
      %gather3A_663 = tpu.dynamic_gather %min3A_657[%gather3A_662] in [0] : vector<16xi32>, vector<16xi32> -> vector<16xi32>
      %min3A_664 = arith.minsi %min3A_657, %gather3A_663 : vector<16xi32>
      %xor3A_665 = arith.constant 1 : i32
      %xor3A_666 = vector.broadcast %xor3A_665 : i32 to vector<16xi32>
      %xor3A_667 = arith.xori %iota3A_643, %xor3A_666 : vector<16xi32>
      %reshape3A_668 = vector.shape_cast %xor3A_667 : vector<16xi32> to vector<16x1xi32>
      %gather3A_669 = vector.shape_cast %reshape3A_668 : vector<16x1xi32> to vector<16xi32>
      %gather3A_670 = tpu.dynamic_gather %min3A_664[%gather3A_669] in [0] : vector<16xi32>, vector<16xi32> -> vector<16xi32>
      %min3A_671 = arith.minsi %min3A_664, %gather3A_670 : vector<16xi32>
      %eq3A_672 = arith.constant 7 : i32
      %eq3A_673 = vector.broadcast %eq3A_672 : i32 to vector<16xi32>
      %eq3A_674 = arith.cmpi eq, %iota3A, %eq3A_673 : vector<16xi32>
      %select_n3A_675 = arith.select %eq3A_674, %min3A_671, %select_n3A_605 : vector<16xi1>, vector<16xi32>
      %broadcast_in_dim3A_676 = arith.constant 8 : i32
      %broadcast_in_dim3A_677 = vector.broadcast %broadcast_in_dim3A_676 : i32 to vector<16x1xi32>
      %gather3A_678 = vector.shape_cast %broadcast_in_dim3A_677 : vector<16x1xi32> to vector<16xi32>
      %gather3A_679 = tpu.dynamic_gather %get3A_14[%gather3A_678] in [0] : vector<16xf32>, vector<16xi32> -> vector<16xf32>
      %broadcast_in_dim3A_680 = arith.constant 9 : i32
      %broadcast_in_dim3A_681 = vector.broadcast %broadcast_in_dim3A_680 : i32 to vector<16x1xi32>
      %gather3A_682 = vector.shape_cast %broadcast_in_dim3A_681 : vector<16x1xi32> to vector<16xi32>
      %gather3A_683 = tpu.dynamic_gather %get3A_14[%gather3A_682] in [0] : vector<16xf32>, vector<16xi32> -> vector<16xf32>
      %broadcast_in_dim3A_684 = arith.constant 10 : i32
      %broadcast_in_dim3A_685 = vector.broadcast %broadcast_in_dim3A_684 : i32 to vector<16x1xi32>
      %gather3A_686 = vector.shape_cast %broadcast_in_dim3A_685 : vector<16x1xi32> to vector<16xi32>
      %gather3A_687 = tpu.dynamic_gather %get3A_14[%gather3A_686] in [0] : vector<16xf32>, vector<16xi32> -> vector<16xf32>
      %broadcast_in_dim3A_688 = arith.constant 11 : i32
      %broadcast_in_dim3A_689 = vector.broadcast %broadcast_in_dim3A_688 : i32 to vector<16x1xi32>
      %gather3A_690 = vector.shape_cast %broadcast_in_dim3A_689 : vector<16x1xi32> to vector<16xi32>
      %gather3A_691 = tpu.dynamic_gather %get3A_14[%gather3A_690] in [0] : vector<16xf32>, vector<16xi32> -> vector<16xf32>
      %broadcast_in_dim3A_692 = arith.constant 12 : i32
      %broadcast_in_dim3A_693 = vector.broadcast %broadcast_in_dim3A_692 : i32 to vector<16x1xi32>
      %gather3A_694 = vector.shape_cast %broadcast_in_dim3A_693 : vector<16x1xi32> to vector<16xi32>
      %gather3A_695 = tpu.dynamic_gather %get3A_14[%gather3A_694] in [0] : vector<16xf32>, vector<16xi32> -> vector<16xf32>
      %broadcast_in_dim3A_696 = arith.constant 13 : i32
      %broadcast_in_dim3A_697 = vector.broadcast %broadcast_in_dim3A_696 : i32 to vector<16x1xi32>
      %gather3A_698 = vector.shape_cast %broadcast_in_dim3A_697 : vector<16x1xi32> to vector<16xi32>
      %gather3A_699 = tpu.dynamic_gather %get3A_14[%gather3A_698] in [0] : vector<16xf32>, vector<16xi32> -> vector<16xf32>
      %broadcast_in_dim3A_700 = arith.constant 14 : i32
      %broadcast_in_dim3A_701 = vector.broadcast %broadcast_in_dim3A_700 : i32 to vector<16x1xi32>
      %gather3A_702 = vector.shape_cast %broadcast_in_dim3A_701 : vector<16x1xi32> to vector<16xi32>
      %gather3A_703 = tpu.dynamic_gather %get3A_14[%gather3A_702] in [0] : vector<16xf32>, vector<16xi32> -> vector<16xf32>
      %broadcast_in_dim3A_704 = arith.constant 15 : i32
      %broadcast_in_dim3A_705 = vector.broadcast %broadcast_in_dim3A_704 : i32 to vector<16x1xi32>
      %gather3A_706 = vector.shape_cast %broadcast_in_dim3A_705 : vector<16x1xi32> to vector<16xi32>
      %gather3A_707 = tpu.dynamic_gather %get3A_14[%gather3A_706] in [0] : vector<16xf32>, vector<16xi32> -> vector<16xf32>
      %broadcast_in_dim3A_708 = arith.constant 8 : i32
      %broadcast_in_dim3A_709 = vector.broadcast %broadcast_in_dim3A_708 : i32 to vector<16x1xi32>
      %gather3A_710 = vector.shape_cast %broadcast_in_dim3A_709 : vector<16x1xi32> to vector<16xi32>
      %gather3A_711 = tpu.dynamic_gather %get3A_19[%gather3A_710] in [0] : vector<16xf32>, vector<16xi32> -> vector<16xf32>
      %broadcast_in_dim3A_712 = arith.constant 9 : i32
      %broadcast_in_dim3A_713 = vector.broadcast %broadcast_in_dim3A_712 : i32 to vector<16x1xi32>
      %gather3A_714 = vector.shape_cast %broadcast_in_dim3A_713 : vector<16x1xi32> to vector<16xi32>
      %gather3A_715 = tpu.dynamic_gather %get3A_19[%gather3A_714] in [0] : vector<16xf32>, vector<16xi32> -> vector<16xf32>
      %broadcast_in_dim3A_716 = arith.constant 10 : i32
      %broadcast_in_dim3A_717 = vector.broadcast %broadcast_in_dim3A_716 : i32 to vector<16x1xi32>
      %gather3A_718 = vector.shape_cast %broadcast_in_dim3A_717 : vector<16x1xi32> to vector<16xi32>
      %gather3A_719 = tpu.dynamic_gather %get3A_19[%gather3A_718] in [0] : vector<16xf32>, vector<16xi32> -> vector<16xf32>
      %broadcast_in_dim3A_720 = arith.constant 11 : i32
      %broadcast_in_dim3A_721 = vector.broadcast %broadcast_in_dim3A_720 : i32 to vector<16x1xi32>
      %gather3A_722 = vector.shape_cast %broadcast_in_dim3A_721 : vector<16x1xi32> to vector<16xi32>
      %gather3A_723 = tpu.dynamic_gather %get3A_19[%gather3A_722] in [0] : vector<16xf32>, vector<16xi32> -> vector<16xf32>
      %broadcast_in_dim3A_724 = arith.constant 12 : i32
      %broadcast_in_dim3A_725 = vector.broadcast %broadcast_in_dim3A_724 : i32 to vector<16x1xi32>
      %gather3A_726 = vector.shape_cast %broadcast_in_dim3A_725 : vector<16x1xi32> to vector<16xi32>
      %gather3A_727 = tpu.dynamic_gather %get3A_19[%gather3A_726] in [0] : vector<16xf32>, vector<16xi32> -> vector<16xf32>
      %broadcast_in_dim3A_728 = arith.constant 13 : i32
      %broadcast_in_dim3A_729 = vector.broadcast %broadcast_in_dim3A_728 : i32 to vector<16x1xi32>
      %gather3A_730 = vector.shape_cast %broadcast_in_dim3A_729 : vector<16x1xi32> to vector<16xi32>
      %gather3A_731 = tpu.dynamic_gather %get3A_19[%gather3A_730] in [0] : vector<16xf32>, vector<16xi32> -> vector<16xf32>
      %broadcast_in_dim3A_732 = arith.constant 14 : i32
      %broadcast_in_dim3A_733 = vector.broadcast %broadcast_in_dim3A_732 : i32 to vector<16x1xi32>
      %gather3A_734 = vector.shape_cast %broadcast_in_dim3A_733 : vector<16x1xi32> to vector<16xi32>
      %gather3A_735 = tpu.dynamic_gather %get3A_19[%gather3A_734] in [0] : vector<16xf32>, vector<16xi32> -> vector<16xf32>
      %broadcast_in_dim3A_736 = arith.constant 15 : i32
      %broadcast_in_dim3A_737 = vector.broadcast %broadcast_in_dim3A_736 : i32 to vector<16x1xi32>
      %gather3A_738 = vector.shape_cast %broadcast_in_dim3A_737 : vector<16x1xi32> to vector<16xi32>
      %gather3A_739 = tpu.dynamic_gather %get3A_19[%gather3A_738] in [0] : vector<16xf32>, vector<16xi32> -> vector<16xf32>
      %broadcast_in_dim3A_740 = arith.constant 0x7F800000 : f32
      %broadcast_in_dim3A_741 = vector.broadcast %broadcast_in_dim3A_740 : f32 to vector<16xf32>
      %broadcast_in_dim3A_742 = arith.constant 0x7F800000 : f32
      %broadcast_in_dim3A_743 = vector.broadcast %broadcast_in_dim3A_742 : f32 to vector<16xf32>
      %broadcast_in_dim3A_744 = arith.constant 0x7F800000 : f32
      %broadcast_in_dim3A_745 = vector.broadcast %broadcast_in_dim3A_744 : f32 to vector<16xf32>
      %broadcast_in_dim3A_746 = arith.constant 0x7F800000 : f32
      %broadcast_in_dim3A_747 = vector.broadcast %broadcast_in_dim3A_746 : f32 to vector<16xf32>
      %broadcast_in_dim3A_748 = arith.constant 0x7F800000 : f32
      %broadcast_in_dim3A_749 = vector.broadcast %broadcast_in_dim3A_748 : f32 to vector<16xf32>
      %broadcast_in_dim3A_750 = arith.constant 0x7F800000 : f32
      %broadcast_in_dim3A_751 = vector.broadcast %broadcast_in_dim3A_750 : f32 to vector<16xf32>
      %broadcast_in_dim3A_752 = arith.constant 0x7F800000 : f32
      %broadcast_in_dim3A_753 = vector.broadcast %broadcast_in_dim3A_752 : f32 to vector<16xf32>
      %broadcast_in_dim3A_754 = arith.constant 0x7F800000 : f32
      %broadcast_in_dim3A_755 = vector.broadcast %broadcast_in_dim3A_754 : f32 to vector<16xf32>
      %broadcast_in_dim3A_756 = arith.constant 0 : i32
      %broadcast_in_dim3A_757 = vector.broadcast %broadcast_in_dim3A_756 : i32 to vector<16xi32>
      %broadcast_in_dim3A_758 = arith.constant 0 : i32
      %broadcast_in_dim3A_759 = vector.broadcast %broadcast_in_dim3A_758 : i32 to vector<16xi32>
      %broadcast_in_dim3A_760 = arith.constant 0 : i32
      %broadcast_in_dim3A_761 = vector.broadcast %broadcast_in_dim3A_760 : i32 to vector<16xi32>
      %broadcast_in_dim3A_762 = arith.constant 0 : i32
      %broadcast_in_dim3A_763 = vector.broadcast %broadcast_in_dim3A_762 : i32 to vector<16xi32>
      %broadcast_in_dim3A_764 = arith.constant 0 : i32
      %broadcast_in_dim3A_765 = vector.broadcast %broadcast_in_dim3A_764 : i32 to vector<16xi32>
      %broadcast_in_dim3A_766 = arith.constant 0 : i32
      %broadcast_in_dim3A_767 = vector.broadcast %broadcast_in_dim3A_766 : i32 to vector<16xi32>
      %broadcast_in_dim3A_768 = arith.constant 0 : i32
      %broadcast_in_dim3A_769 = vector.broadcast %broadcast_in_dim3A_768 : i32 to vector<16xi32>
      %broadcast_in_dim3A_770 = arith.constant 0 : i32
      %broadcast_in_dim3A_771 = vector.broadcast %broadcast_in_dim3A_770 : i32 to vector<16xi32>
      %scan3A_772 = arith.constant 0 : i32
      %scan3A_773 = arith.constant 512 : i32
      %scan3A_774 = arith.addi %scan3A_772, %scan3A_773 : i32
      %scan3A_775 = arith.constant 4 : i32
      %scan3A_776:16 = scf.for %scan3A_1344 = %scan3A_772 to %scan3A_774 step %scan3A_775 iter_args(%scan3A_1345 = %broadcast_in_dim3A_741, %scan3A_1346 = %broadcast_in_dim3A_743, %scan3A_1347 = %broadcast_in_dim3A_745, %scan3A_1348 = %broadcast_in_dim3A_747, %scan3A_1349 = %broadcast_in_dim3A_749, %scan3A_1350 = %broadcast_in_dim3A_751, %scan3A_1351 = %broadcast_in_dim3A_753, %scan3A_1352 = %broadcast_in_dim3A_755, %scan3A_1353 = %broadcast_in_dim3A_757, %scan3A_1354 = %broadcast_in_dim3A_759, %scan3A_1355 = %broadcast_in_dim3A_761, %scan3A_1356 = %broadcast_in_dim3A_763, %scan3A_1357 = %broadcast_in_dim3A_765, %scan3A_1358 = %broadcast_in_dim3A_767, %scan3A_1359 = %broadcast_in_dim3A_769, %scan3A_1360 = %broadcast_in_dim3A_771) -> (vector<16xf32>, vector<16xf32>, vector<16xf32>, vector<16xf32>, vector<16xf32>, vector<16xf32>, vector<16xf32>, vector<16xf32>, vector<16xi32>, vector<16xi32>, vector<16xi32>, vector<16xi32>, vector<16xi32>, vector<16xi32>, vector<16xi32>, vector<16xi32>)  : i32 {
        %mul3A_1361 = arith.constant 16 : i32
        %mul3A_1362 = arith.muli %scan3A_1344, %mul3A_1361 : i32
        %get3A_1363 = arith.index_cast %mul3A_1362 : i32 to index
        %get3A_1364 = tpu.vector_load %arg9[%get3A_1363] {strides = array<i32>} : memref<8192xf32, #tpu.memory_space<vmem>>, vector<16xf32>,
        %get3A_1365 = vector.shape_cast %get3A_1364 : vector<16xf32> to vector<16xf32>
        %mul3A_1366 = arith.constant 16 : i32
        %mul3A_1367 = arith.muli %scan3A_1344, %mul3A_1366 : i32
        %get3A_1368 = arith.index_cast %mul3A_1367 : i32 to index
        %get3A_1369 = tpu.vector_load %arg10[%get3A_1368] {strides = array<i32>} : memref<8192xf32, #tpu.memory_space<vmem>>, vector<16xf32>,
        %get3A_1370 = vector.shape_cast %get3A_1369 : vector<16xf32> to vector<16xf32>
        %sub3A = arith.subf %gather3A_679, %get3A_1365 : vector<16xf32>
        %sub3A_1371 = arith.subf %gather3A_711, %get3A_1370 : vector<16xf32>
        %mul3A_1372 = arith.mulf %sub3A, %sub3A : vector<16xf32>
        %mul3A_1373 = arith.mulf %sub3A_1371, %sub3A_1371 : vector<16xf32>
        %add3A_1374 = arith.addf %mul3A_1372, %mul3A_1373 : vector<16xf32>
        %lt3A = arith.cmpf olt, %add3A_1374, %scan3A_1345 : vector<16xf32>
        %select_n3A_1375 = arith.select %lt3A, %add3A_1374, %scan3A_1345 : vector<16xi1>, vector<16xf32>
        %broadcast_in_dim3A_1376 = vector.broadcast %scan3A_1344 : i32 to vector<16xi32>
        %select_n3A_1377 = arith.select %lt3A, %broadcast_in_dim3A_1376, %scan3A_1353 : vector<16xi1>, vector<16xi32>
        %sub3A_1378 = arith.subf %gather3A_683, %get3A_1365 : vector<16xf32>
        %sub3A_1379 = arith.subf %gather3A_715, %get3A_1370 : vector<16xf32>
        %mul3A_1380 = arith.mulf %sub3A_1378, %sub3A_1378 : vector<16xf32>
        %mul3A_1381 = arith.mulf %sub3A_1379, %sub3A_1379 : vector<16xf32>
        %add3A_1382 = arith.addf %mul3A_1380, %mul3A_1381 : vector<16xf32>
        %lt3A_1383 = arith.cmpf olt, %add3A_1382, %scan3A_1346 : vector<16xf32>
        %select_n3A_1384 = arith.select %lt3A_1383, %add3A_1382, %scan3A_1346 : vector<16xi1>, vector<16xf32>
        %broadcast_in_dim3A_1385 = vector.broadcast %scan3A_1344 : i32 to vector<16xi32>
        %select_n3A_1386 = arith.select %lt3A_1383, %broadcast_in_dim3A_1385, %scan3A_1354 : vector<16xi1>, vector<16xi32>
        %sub3A_1387 = arith.subf %gather3A_687, %get3A_1365 : vector<16xf32>
        %sub3A_1388 = arith.subf %gather3A_719, %get3A_1370 : vector<16xf32>
        %mul3A_1389 = arith.mulf %sub3A_1387, %sub3A_1387 : vector<16xf32>
        %mul3A_1390 = arith.mulf %sub3A_1388, %sub3A_1388 : vector<16xf32>
        %add3A_1391 = arith.addf %mul3A_1389, %mul3A_1390 : vector<16xf32>
        %lt3A_1392 = arith.cmpf olt, %add3A_1391, %scan3A_1347 : vector<16xf32>
        %select_n3A_1393 = arith.select %lt3A_1392, %add3A_1391, %scan3A_1347 : vector<16xi1>, vector<16xf32>
        %broadcast_in_dim3A_1394 = vector.broadcast %scan3A_1344 : i32 to vector<16xi32>
        %select_n3A_1395 = arith.select %lt3A_1392, %broadcast_in_dim3A_1394, %scan3A_1355 : vector<16xi1>, vector<16xi32>
        %sub3A_1396 = arith.subf %gather3A_691, %get3A_1365 : vector<16xf32>
        %sub3A_1397 = arith.subf %gather3A_723, %get3A_1370 : vector<16xf32>
        %mul3A_1398 = arith.mulf %sub3A_1396, %sub3A_1396 : vector<16xf32>
        %mul3A_1399 = arith.mulf %sub3A_1397, %sub3A_1397 : vector<16xf32>
        %add3A_1400 = arith.addf %mul3A_1398, %mul3A_1399 : vector<16xf32>
        %lt3A_1401 = arith.cmpf olt, %add3A_1400, %scan3A_1348 : vector<16xf32>
        %select_n3A_1402 = arith.select %lt3A_1401, %add3A_1400, %scan3A_1348 : vector<16xi1>, vector<16xf32>
        %broadcast_in_dim3A_1403 = vector.broadcast %scan3A_1344 : i32 to vector<16xi32>
        %select_n3A_1404 = arith.select %lt3A_1401, %broadcast_in_dim3A_1403, %scan3A_1356 : vector<16xi1>, vector<16xi32>
        %sub3A_1405 = arith.subf %gather3A_695, %get3A_1365 : vector<16xf32>
        %sub3A_1406 = arith.subf %gather3A_727, %get3A_1370 : vector<16xf32>
        %mul3A_1407 = arith.mulf %sub3A_1405, %sub3A_1405 : vector<16xf32>
        %mul3A_1408 = arith.mulf %sub3A_1406, %sub3A_1406 : vector<16xf32>
        %add3A_1409 = arith.addf %mul3A_1407, %mul3A_1408 : vector<16xf32>
        %lt3A_1410 = arith.cmpf olt, %add3A_1409, %scan3A_1349 : vector<16xf32>
        %select_n3A_1411 = arith.select %lt3A_1410, %add3A_1409, %scan3A_1349 : vector<16xi1>, vector<16xf32>
        %broadcast_in_dim3A_1412 = vector.broadcast %scan3A_1344 : i32 to vector<16xi32>
        %select_n3A_1413 = arith.select %lt3A_1410, %broadcast_in_dim3A_1412, %scan3A_1357 : vector<16xi1>, vector<16xi32>
        %sub3A_1414 = arith.subf %gather3A_699, %get3A_1365 : vector<16xf32>
        %sub3A_1415 = arith.subf %gather3A_731, %get3A_1370 : vector<16xf32>
        %mul3A_1416 = arith.mulf %sub3A_1414, %sub3A_1414 : vector<16xf32>
        %mul3A_1417 = arith.mulf %sub3A_1415, %sub3A_1415 : vector<16xf32>
        %add3A_1418 = arith.addf %mul3A_1416, %mul3A_1417 : vector<16xf32>
        %lt3A_1419 = arith.cmpf olt, %add3A_1418, %scan3A_1350 : vector<16xf32>
        %select_n3A_1420 = arith.select %lt3A_1419, %add3A_1418, %scan3A_1350 : vector<16xi1>, vector<16xf32>
        %broadcast_in_dim3A_1421 = vector.broadcast %scan3A_1344 : i32 to vector<16xi32>
        %select_n3A_1422 = arith.select %lt3A_1419, %broadcast_in_dim3A_1421, %scan3A_1358 : vector<16xi1>, vector<16xi32>
        %sub3A_1423 = arith.subf %gather3A_703, %get3A_1365 : vector<16xf32>
        %sub3A_1424 = arith.subf %gather3A_735, %get3A_1370 : vector<16xf32>
        %mul3A_1425 = arith.mulf %sub3A_1423, %sub3A_1423 : vector<16xf32>
        %mul3A_1426 = arith.mulf %sub3A_1424, %sub3A_1424 : vector<16xf32>
        %add3A_1427 = arith.addf %mul3A_1425, %mul3A_1426 : vector<16xf32>
        %lt3A_1428 = arith.cmpf olt, %add3A_1427, %scan3A_1351 : vector<16xf32>
        %select_n3A_1429 = arith.select %lt3A_1428, %add3A_1427, %scan3A_1351 : vector<16xi1>, vector<16xf32>
        %broadcast_in_dim3A_1430 = vector.broadcast %scan3A_1344 : i32 to vector<16xi32>
        %select_n3A_1431 = arith.select %lt3A_1428, %broadcast_in_dim3A_1430, %scan3A_1359 : vector<16xi1>, vector<16xi32>
        %sub3A_1432 = arith.subf %gather3A_707, %get3A_1365 : vector<16xf32>
        %sub3A_1433 = arith.subf %gather3A_739, %get3A_1370 : vector<16xf32>
        %mul3A_1434 = arith.mulf %sub3A_1432, %sub3A_1432 : vector<16xf32>
        %mul3A_1435 = arith.mulf %sub3A_1433, %sub3A_1433 : vector<16xf32>
        %add3A_1436 = arith.addf %mul3A_1434, %mul3A_1435 : vector<16xf32>
        %lt3A_1437 = arith.cmpf olt, %add3A_1436, %scan3A_1352 : vector<16xf32>
        %select_n3A_1438 = arith.select %lt3A_1437, %add3A_1436, %scan3A_1352 : vector<16xi1>, vector<16xf32>
        %broadcast_in_dim3A_1439 = vector.broadcast %scan3A_1344 : i32 to vector<16xi32>
        %select_n3A_1440 = arith.select %lt3A_1437, %broadcast_in_dim3A_1439, %scan3A_1360 : vector<16xi1>, vector<16xi32>
        %scan3A_1441 = arith.constant 1 : i32
        %scan3A_1442 = arith.addi %scan3A_1344, %scan3A_1441 : i32
        %mul3A_1443 = arith.constant 16 : i32
        %mul3A_1444 = arith.muli %scan3A_1442, %mul3A_1443 : i32
        %get3A_1445 = arith.index_cast %mul3A_1444 : i32 to index
        %get3A_1446 = tpu.vector_load %arg9[%get3A_1445] {strides = array<i32>} : memref<8192xf32, #tpu.memory_space<vmem>>, vector<16xf32>,
        %get3A_1447 = vector.shape_cast %get3A_1446 : vector<16xf32> to vector<16xf32>
        %mul3A_1448 = arith.constant 16 : i32
        %mul3A_1449 = arith.muli %scan3A_1442, %mul3A_1448 : i32
        %get3A_1450 = arith.index_cast %mul3A_1449 : i32 to index
        %get3A_1451 = tpu.vector_load %arg10[%get3A_1450] {strides = array<i32>} : memref<8192xf32, #tpu.memory_space<vmem>>, vector<16xf32>,
        %get3A_1452 = vector.shape_cast %get3A_1451 : vector<16xf32> to vector<16xf32>
        %sub3A_1453 = arith.subf %gather3A_679, %get3A_1447 : vector<16xf32>
        %sub3A_1454 = arith.subf %gather3A_711, %get3A_1452 : vector<16xf32>
        %mul3A_1455 = arith.mulf %sub3A_1453, %sub3A_1453 : vector<16xf32>
        %mul3A_1456 = arith.mulf %sub3A_1454, %sub3A_1454 : vector<16xf32>
        %add3A_1457 = arith.addf %mul3A_1455, %mul3A_1456 : vector<16xf32>
        %lt3A_1458 = arith.cmpf olt, %add3A_1457, %select_n3A_1375 : vector<16xf32>
        %select_n3A_1459 = arith.select %lt3A_1458, %add3A_1457, %select_n3A_1375 : vector<16xi1>, vector<16xf32>
        %broadcast_in_dim3A_1460 = vector.broadcast %scan3A_1442 : i32 to vector<16xi32>
        %select_n3A_1461 = arith.select %lt3A_1458, %broadcast_in_dim3A_1460, %select_n3A_1377 : vector<16xi1>, vector<16xi32>
        %sub3A_1462 = arith.subf %gather3A_683, %get3A_1447 : vector<16xf32>
        %sub3A_1463 = arith.subf %gather3A_715, %get3A_1452 : vector<16xf32>
        %mul3A_1464 = arith.mulf %sub3A_1462, %sub3A_1462 : vector<16xf32>
        %mul3A_1465 = arith.mulf %sub3A_1463, %sub3A_1463 : vector<16xf32>
        %add3A_1466 = arith.addf %mul3A_1464, %mul3A_1465 : vector<16xf32>
        %lt3A_1467 = arith.cmpf olt, %add3A_1466, %select_n3A_1384 : vector<16xf32>
        %select_n3A_1468 = arith.select %lt3A_1467, %add3A_1466, %select_n3A_1384 : vector<16xi1>, vector<16xf32>
        %broadcast_in_dim3A_1469 = vector.broadcast %scan3A_1442 : i32 to vector<16xi32>
        %select_n3A_1470 = arith.select %lt3A_1467, %broadcast_in_dim3A_1469, %select_n3A_1386 : vector<16xi1>, vector<16xi32>
        %sub3A_1471 = arith.subf %gather3A_687, %get3A_1447 : vector<16xf32>
        %sub3A_1472 = arith.subf %gather3A_719, %get3A_1452 : vector<16xf32>
        %mul3A_1473 = arith.mulf %sub3A_1471, %sub3A_1471 : vector<16xf32>
        %mul3A_1474 = arith.mulf %sub3A_1472, %sub3A_1472 : vector<16xf32>
        %add3A_1475 = arith.addf %mul3A_1473, %mul3A_1474 : vector<16xf32>
        %lt3A_1476 = arith.cmpf olt, %add3A_1475, %select_n3A_1393 : vector<16xf32>
        %select_n3A_1477 = arith.select %lt3A_1476, %add3A_1475, %select_n3A_1393 : vector<16xi1>, vector<16xf32>
        %broadcast_in_dim3A_1478 = vector.broadcast %scan3A_1442 : i32 to vector<16xi32>
        %select_n3A_1479 = arith.select %lt3A_1476, %broadcast_in_dim3A_1478, %select_n3A_1395 : vector<16xi1>, vector<16xi32>
        %sub3A_1480 = arith.subf %gather3A_691, %get3A_1447 : vector<16xf32>
        %sub3A_1481 = arith.subf %gather3A_723, %get3A_1452 : vector<16xf32>
        %mul3A_1482 = arith.mulf %sub3A_1480, %sub3A_1480 : vector<16xf32>
        %mul3A_1483 = arith.mulf %sub3A_1481, %sub3A_1481 : vector<16xf32>
        %add3A_1484 = arith.addf %mul3A_1482, %mul3A_1483 : vector<16xf32>
        %lt3A_1485 = arith.cmpf olt, %add3A_1484, %select_n3A_1402 : vector<16xf32>
        %select_n3A_1486 = arith.select %lt3A_1485, %add3A_1484, %select_n3A_1402 : vector<16xi1>, vector<16xf32>
        %broadcast_in_dim3A_1487 = vector.broadcast %scan3A_1442 : i32 to vector<16xi32>
        %select_n3A_1488 = arith.select %lt3A_1485, %broadcast_in_dim3A_1487, %select_n3A_1404 : vector<16xi1>, vector<16xi32>
        %sub3A_1489 = arith.subf %gather3A_695, %get3A_1447 : vector<16xf32>
        %sub3A_1490 = arith.subf %gather3A_727, %get3A_1452 : vector<16xf32>
        %mul3A_1491 = arith.mulf %sub3A_1489, %sub3A_1489 : vector<16xf32>
        %mul3A_1492 = arith.mulf %sub3A_1490, %sub3A_1490 : vector<16xf32>
        %add3A_1493 = arith.addf %mul3A_1491, %mul3A_1492 : vector<16xf32>
        %lt3A_1494 = arith.cmpf olt, %add3A_1493, %select_n3A_1411 : vector<16xf32>
        %select_n3A_1495 = arith.select %lt3A_1494, %add3A_1493, %select_n3A_1411 : vector<16xi1>, vector<16xf32>
        %broadcast_in_dim3A_1496 = vector.broadcast %scan3A_1442 : i32 to vector<16xi32>
        %select_n3A_1497 = arith.select %lt3A_1494, %broadcast_in_dim3A_1496, %select_n3A_1413 : vector<16xi1>, vector<16xi32>
        %sub3A_1498 = arith.subf %gather3A_699, %get3A_1447 : vector<16xf32>
        %sub3A_1499 = arith.subf %gather3A_731, %get3A_1452 : vector<16xf32>
        %mul3A_1500 = arith.mulf %sub3A_1498, %sub3A_1498 : vector<16xf32>
        %mul3A_1501 = arith.mulf %sub3A_1499, %sub3A_1499 : vector<16xf32>
        %add3A_1502 = arith.addf %mul3A_1500, %mul3A_1501 : vector<16xf32>
        %lt3A_1503 = arith.cmpf olt, %add3A_1502, %select_n3A_1420 : vector<16xf32>
        %select_n3A_1504 = arith.select %lt3A_1503, %add3A_1502, %select_n3A_1420 : vector<16xi1>, vector<16xf32>
        %broadcast_in_dim3A_1505 = vector.broadcast %scan3A_1442 : i32 to vector<16xi32>
        %select_n3A_1506 = arith.select %lt3A_1503, %broadcast_in_dim3A_1505, %select_n3A_1422 : vector<16xi1>, vector<16xi32>
        %sub3A_1507 = arith.subf %gather3A_703, %get3A_1447 : vector<16xf32>
        %sub3A_1508 = arith.subf %gather3A_735, %get3A_1452 : vector<16xf32>
        %mul3A_1509 = arith.mulf %sub3A_1507, %sub3A_1507 : vector<16xf32>
        %mul3A_1510 = arith.mulf %sub3A_1508, %sub3A_1508 : vector<16xf32>
        %add3A_1511 = arith.addf %mul3A_1509, %mul3A_1510 : vector<16xf32>
        %lt3A_1512 = arith.cmpf olt, %add3A_1511, %select_n3A_1429 : vector<16xf32>
        %select_n3A_1513 = arith.select %lt3A_1512, %add3A_1511, %select_n3A_1429 : vector<16xi1>, vector<16xf32>
        %broadcast_in_dim3A_1514 = vector.broadcast %scan3A_1442 : i32 to vector<16xi32>
        %select_n3A_1515 = arith.select %lt3A_1512, %broadcast_in_dim3A_1514, %select_n3A_1431 : vector<16xi1>, vector<16xi32>
        %sub3A_1516 = arith.subf %gather3A_707, %get3A_1447 : vector<16xf32>
        %sub3A_1517 = arith.subf %gather3A_739, %get3A_1452 : vector<16xf32>
        %mul3A_1518 = arith.mulf %sub3A_1516, %sub3A_1516 : vector<16xf32>
        %mul3A_1519 = arith.mulf %sub3A_1517, %sub3A_1517 : vector<16xf32>
        %add3A_1520 = arith.addf %mul3A_1518, %mul3A_1519 : vector<16xf32>
        %lt3A_1521 = arith.cmpf olt, %add3A_1520, %select_n3A_1438 : vector<16xf32>
        %select_n3A_1522 = arith.select %lt3A_1521, %add3A_1520, %select_n3A_1438 : vector<16xi1>, vector<16xf32>
        %broadcast_in_dim3A_1523 = vector.broadcast %scan3A_1442 : i32 to vector<16xi32>
        %select_n3A_1524 = arith.select %lt3A_1521, %broadcast_in_dim3A_1523, %select_n3A_1440 : vector<16xi1>, vector<16xi32>
        %scan3A_1525 = arith.constant 2 : i32
        %scan3A_1526 = arith.addi %scan3A_1344, %scan3A_1525 : i32
        %mul3A_1527 = arith.constant 16 : i32
        %mul3A_1528 = arith.muli %scan3A_1526, %mul3A_1527 : i32
        %get3A_1529 = arith.index_cast %mul3A_1528 : i32 to index
        %get3A_1530 = tpu.vector_load %arg9[%get3A_1529] {strides = array<i32>} : memref<8192xf32, #tpu.memory_space<vmem>>, vector<16xf32>,
        %get3A_1531 = vector.shape_cast %get3A_1530 : vector<16xf32> to vector<16xf32>
        %mul3A_1532 = arith.constant 16 : i32
        %mul3A_1533 = arith.muli %scan3A_1526, %mul3A_1532 : i32
        %get3A_1534 = arith.index_cast %mul3A_1533 : i32 to index
        %get3A_1535 = tpu.vector_load %arg10[%get3A_1534] {strides = array<i32>} : memref<8192xf32, #tpu.memory_space<vmem>>, vector<16xf32>,
        %get3A_1536 = vector.shape_cast %get3A_1535 : vector<16xf32> to vector<16xf32>
        %sub3A_1537 = arith.subf %gather3A_679, %get3A_1531 : vector<16xf32>
        %sub3A_1538 = arith.subf %gather3A_711, %get3A_1536 : vector<16xf32>
        %mul3A_1539 = arith.mulf %sub3A_1537, %sub3A_1537 : vector<16xf32>
        %mul3A_1540 = arith.mulf %sub3A_1538, %sub3A_1538 : vector<16xf32>
        %add3A_1541 = arith.addf %mul3A_1539, %mul3A_1540 : vector<16xf32>
        %lt3A_1542 = arith.cmpf olt, %add3A_1541, %select_n3A_1459 : vector<16xf32>
        %select_n3A_1543 = arith.select %lt3A_1542, %add3A_1541, %select_n3A_1459 : vector<16xi1>, vector<16xf32>
        %broadcast_in_dim3A_1544 = vector.broadcast %scan3A_1526 : i32 to vector<16xi32>
        %select_n3A_1545 = arith.select %lt3A_1542, %broadcast_in_dim3A_1544, %select_n3A_1461 : vector<16xi1>, vector<16xi32>
        %sub3A_1546 = arith.subf %gather3A_683, %get3A_1531 : vector<16xf32>
        %sub3A_1547 = arith.subf %gather3A_715, %get3A_1536 : vector<16xf32>
        %mul3A_1548 = arith.mulf %sub3A_1546, %sub3A_1546 : vector<16xf32>
        %mul3A_1549 = arith.mulf %sub3A_1547, %sub3A_1547 : vector<16xf32>
        %add3A_1550 = arith.addf %mul3A_1548, %mul3A_1549 : vector<16xf32>
        %lt3A_1551 = arith.cmpf olt, %add3A_1550, %select_n3A_1468 : vector<16xf32>
        %select_n3A_1552 = arith.select %lt3A_1551, %add3A_1550, %select_n3A_1468 : vector<16xi1>, vector<16xf32>
        %broadcast_in_dim3A_1553 = vector.broadcast %scan3A_1526 : i32 to vector<16xi32>
        %select_n3A_1554 = arith.select %lt3A_1551, %broadcast_in_dim3A_1553, %select_n3A_1470 : vector<16xi1>, vector<16xi32>
        %sub3A_1555 = arith.subf %gather3A_687, %get3A_1531 : vector<16xf32>
        %sub3A_1556 = arith.subf %gather3A_719, %get3A_1536 : vector<16xf32>
        %mul3A_1557 = arith.mulf %sub3A_1555, %sub3A_1555 : vector<16xf32>
        %mul3A_1558 = arith.mulf %sub3A_1556, %sub3A_1556 : vector<16xf32>
        %add3A_1559 = arith.addf %mul3A_1557, %mul3A_1558 : vector<16xf32>
        %lt3A_1560 = arith.cmpf olt, %add3A_1559, %select_n3A_1477 : vector<16xf32>
        %select_n3A_1561 = arith.select %lt3A_1560, %add3A_1559, %select_n3A_1477 : vector<16xi1>, vector<16xf32>
        %broadcast_in_dim3A_1562 = vector.broadcast %scan3A_1526 : i32 to vector<16xi32>
        %select_n3A_1563 = arith.select %lt3A_1560, %broadcast_in_dim3A_1562, %select_n3A_1479 : vector<16xi1>, vector<16xi32>
        %sub3A_1564 = arith.subf %gather3A_691, %get3A_1531 : vector<16xf32>
        %sub3A_1565 = arith.subf %gather3A_723, %get3A_1536 : vector<16xf32>
        %mul3A_1566 = arith.mulf %sub3A_1564, %sub3A_1564 : vector<16xf32>
        %mul3A_1567 = arith.mulf %sub3A_1565, %sub3A_1565 : vector<16xf32>
        %add3A_1568 = arith.addf %mul3A_1566, %mul3A_1567 : vector<16xf32>
        %lt3A_1569 = arith.cmpf olt, %add3A_1568, %select_n3A_1486 : vector<16xf32>
        %select_n3A_1570 = arith.select %lt3A_1569, %add3A_1568, %select_n3A_1486 : vector<16xi1>, vector<16xf32>
        %broadcast_in_dim3A_1571 = vector.broadcast %scan3A_1526 : i32 to vector<16xi32>
        %select_n3A_1572 = arith.select %lt3A_1569, %broadcast_in_dim3A_1571, %select_n3A_1488 : vector<16xi1>, vector<16xi32>
        %sub3A_1573 = arith.subf %gather3A_695, %get3A_1531 : vector<16xf32>
        %sub3A_1574 = arith.subf %gather3A_727, %get3A_1536 : vector<16xf32>
        %mul3A_1575 = arith.mulf %sub3A_1573, %sub3A_1573 : vector<16xf32>
        %mul3A_1576 = arith.mulf %sub3A_1574, %sub3A_1574 : vector<16xf32>
        %add3A_1577 = arith.addf %mul3A_1575, %mul3A_1576 : vector<16xf32>
        %lt3A_1578 = arith.cmpf olt, %add3A_1577, %select_n3A_1495 : vector<16xf32>
        %select_n3A_1579 = arith.select %lt3A_1578, %add3A_1577, %select_n3A_1495 : vector<16xi1>, vector<16xf32>
        %broadcast_in_dim3A_1580 = vector.broadcast %scan3A_1526 : i32 to vector<16xi32>
        %select_n3A_1581 = arith.select %lt3A_1578, %broadcast_in_dim3A_1580, %select_n3A_1497 : vector<16xi1>, vector<16xi32>
        %sub3A_1582 = arith.subf %gather3A_699, %get3A_1531 : vector<16xf32>
        %sub3A_1583 = arith.subf %gather3A_731, %get3A_1536 : vector<16xf32>
        %mul3A_1584 = arith.mulf %sub3A_1582, %sub3A_1582 : vector<16xf32>
        %mul3A_1585 = arith.mulf %sub3A_1583, %sub3A_1583 : vector<16xf32>
        %add3A_1586 = arith.addf %mul3A_1584, %mul3A_1585 : vector<16xf32>
        %lt3A_1587 = arith.cmpf olt, %add3A_1586, %select_n3A_1504 : vector<16xf32>
        %select_n3A_1588 = arith.select %lt3A_1587, %add3A_1586, %select_n3A_1504 : vector<16xi1>, vector<16xf32>
        %broadcast_in_dim3A_1589 = vector.broadcast %scan3A_1526 : i32 to vector<16xi32>
        %select_n3A_1590 = arith.select %lt3A_1587, %broadcast_in_dim3A_1589, %select_n3A_1506 : vector<16xi1>, vector<16xi32>
        %sub3A_1591 = arith.subf %gather3A_703, %get3A_1531 : vector<16xf32>
        %sub3A_1592 = arith.subf %gather3A_735, %get3A_1536 : vector<16xf32>
        %mul3A_1593 = arith.mulf %sub3A_1591, %sub3A_1591 : vector<16xf32>
        %mul3A_1594 = arith.mulf %sub3A_1592, %sub3A_1592 : vector<16xf32>
        %add3A_1595 = arith.addf %mul3A_1593, %mul3A_1594 : vector<16xf32>
        %lt3A_1596 = arith.cmpf olt, %add3A_1595, %select_n3A_1513 : vector<16xf32>
        %select_n3A_1597 = arith.select %lt3A_1596, %add3A_1595, %select_n3A_1513 : vector<16xi1>, vector<16xf32>
        %broadcast_in_dim3A_1598 = vector.broadcast %scan3A_1526 : i32 to vector<16xi32>
        %select_n3A_1599 = arith.select %lt3A_1596, %broadcast_in_dim3A_1598, %select_n3A_1515 : vector<16xi1>, vector<16xi32>
        %sub3A_1600 = arith.subf %gather3A_707, %get3A_1531 : vector<16xf32>
        %sub3A_1601 = arith.subf %gather3A_739, %get3A_1536 : vector<16xf32>
        %mul3A_1602 = arith.mulf %sub3A_1600, %sub3A_1600 : vector<16xf32>
        %mul3A_1603 = arith.mulf %sub3A_1601, %sub3A_1601 : vector<16xf32>
        %add3A_1604 = arith.addf %mul3A_1602, %mul3A_1603 : vector<16xf32>
        %lt3A_1605 = arith.cmpf olt, %add3A_1604, %select_n3A_1522 : vector<16xf32>
        %select_n3A_1606 = arith.select %lt3A_1605, %add3A_1604, %select_n3A_1522 : vector<16xi1>, vector<16xf32>
        %broadcast_in_dim3A_1607 = vector.broadcast %scan3A_1526 : i32 to vector<16xi32>
        %select_n3A_1608 = arith.select %lt3A_1605, %broadcast_in_dim3A_1607, %select_n3A_1524 : vector<16xi1>, vector<16xi32>
        %scan3A_1609 = arith.constant 3 : i32
        %scan3A_1610 = arith.addi %scan3A_1344, %scan3A_1609 : i32
        %mul3A_1611 = arith.constant 16 : i32
        %mul3A_1612 = arith.muli %scan3A_1610, %mul3A_1611 : i32
        %get3A_1613 = arith.index_cast %mul3A_1612 : i32 to index
        %get3A_1614 = tpu.vector_load %arg9[%get3A_1613] {strides = array<i32>} : memref<8192xf32, #tpu.memory_space<vmem>>, vector<16xf32>,
        %get3A_1615 = vector.shape_cast %get3A_1614 : vector<16xf32> to vector<16xf32>
        %mul3A_1616 = arith.constant 16 : i32
        %mul3A_1617 = arith.muli %scan3A_1610, %mul3A_1616 : i32
        %get3A_1618 = arith.index_cast %mul3A_1617 : i32 to index
        %get3A_1619 = tpu.vector_load %arg10[%get3A_1618] {strides = array<i32>} : memref<8192xf32, #tpu.memory_space<vmem>>, vector<16xf32>,
        %get3A_1620 = vector.shape_cast %get3A_1619 : vector<16xf32> to vector<16xf32>
        %sub3A_1621 = arith.subf %gather3A_679, %get3A_1615 : vector<16xf32>
        %sub3A_1622 = arith.subf %gather3A_711, %get3A_1620 : vector<16xf32>
        %mul3A_1623 = arith.mulf %sub3A_1621, %sub3A_1621 : vector<16xf32>
        %mul3A_1624 = arith.mulf %sub3A_1622, %sub3A_1622 : vector<16xf32>
        %add3A_1625 = arith.addf %mul3A_1623, %mul3A_1624 : vector<16xf32>
        %lt3A_1626 = arith.cmpf olt, %add3A_1625, %select_n3A_1543 : vector<16xf32>
        %select_n3A_1627 = arith.select %lt3A_1626, %add3A_1625, %select_n3A_1543 : vector<16xi1>, vector<16xf32>
        %broadcast_in_dim3A_1628 = vector.broadcast %scan3A_1610 : i32 to vector<16xi32>
        %select_n3A_1629 = arith.select %lt3A_1626, %broadcast_in_dim3A_1628, %select_n3A_1545 : vector<16xi1>, vector<16xi32>
        %sub3A_1630 = arith.subf %gather3A_683, %get3A_1615 : vector<16xf32>
        %sub3A_1631 = arith.subf %gather3A_715, %get3A_1620 : vector<16xf32>
        %mul3A_1632 = arith.mulf %sub3A_1630, %sub3A_1630 : vector<16xf32>
        %mul3A_1633 = arith.mulf %sub3A_1631, %sub3A_1631 : vector<16xf32>
        %add3A_1634 = arith.addf %mul3A_1632, %mul3A_1633 : vector<16xf32>
        %lt3A_1635 = arith.cmpf olt, %add3A_1634, %select_n3A_1552 : vector<16xf32>
        %select_n3A_1636 = arith.select %lt3A_1635, %add3A_1634, %select_n3A_1552 : vector<16xi1>, vector<16xf32>
        %broadcast_in_dim3A_1637 = vector.broadcast %scan3A_1610 : i32 to vector<16xi32>
        %select_n3A_1638 = arith.select %lt3A_1635, %broadcast_in_dim3A_1637, %select_n3A_1554 : vector<16xi1>, vector<16xi32>
        %sub3A_1639 = arith.subf %gather3A_687, %get3A_1615 : vector<16xf32>
        %sub3A_1640 = arith.subf %gather3A_719, %get3A_1620 : vector<16xf32>
        %mul3A_1641 = arith.mulf %sub3A_1639, %sub3A_1639 : vector<16xf32>
        %mul3A_1642 = arith.mulf %sub3A_1640, %sub3A_1640 : vector<16xf32>
        %add3A_1643 = arith.addf %mul3A_1641, %mul3A_1642 : vector<16xf32>
        %lt3A_1644 = arith.cmpf olt, %add3A_1643, %select_n3A_1561 : vector<16xf32>
        %select_n3A_1645 = arith.select %lt3A_1644, %add3A_1643, %select_n3A_1561 : vector<16xi1>, vector<16xf32>
        %broadcast_in_dim3A_1646 = vector.broadcast %scan3A_1610 : i32 to vector<16xi32>
        %select_n3A_1647 = arith.select %lt3A_1644, %broadcast_in_dim3A_1646, %select_n3A_1563 : vector<16xi1>, vector<16xi32>
        %sub3A_1648 = arith.subf %gather3A_691, %get3A_1615 : vector<16xf32>
        %sub3A_1649 = arith.subf %gather3A_723, %get3A_1620 : vector<16xf32>
        %mul3A_1650 = arith.mulf %sub3A_1648, %sub3A_1648 : vector<16xf32>
        %mul3A_1651 = arith.mulf %sub3A_1649, %sub3A_1649 : vector<16xf32>
        %add3A_1652 = arith.addf %mul3A_1650, %mul3A_1651 : vector<16xf32>
        %lt3A_1653 = arith.cmpf olt, %add3A_1652, %select_n3A_1570 : vector<16xf32>
        %select_n3A_1654 = arith.select %lt3A_1653, %add3A_1652, %select_n3A_1570 : vector<16xi1>, vector<16xf32>
        %broadcast_in_dim3A_1655 = vector.broadcast %scan3A_1610 : i32 to vector<16xi32>
        %select_n3A_1656 = arith.select %lt3A_1653, %broadcast_in_dim3A_1655, %select_n3A_1572 : vector<16xi1>, vector<16xi32>
        %sub3A_1657 = arith.subf %gather3A_695, %get3A_1615 : vector<16xf32>
        %sub3A_1658 = arith.subf %gather3A_727, %get3A_1620 : vector<16xf32>
        %mul3A_1659 = arith.mulf %sub3A_1657, %sub3A_1657 : vector<16xf32>
        %mul3A_1660 = arith.mulf %sub3A_1658, %sub3A_1658 : vector<16xf32>
        %add3A_1661 = arith.addf %mul3A_1659, %mul3A_1660 : vector<16xf32>
        %lt3A_1662 = arith.cmpf olt, %add3A_1661, %select_n3A_1579 : vector<16xf32>
        %select_n3A_1663 = arith.select %lt3A_1662, %add3A_1661, %select_n3A_1579 : vector<16xi1>, vector<16xf32>
        %broadcast_in_dim3A_1664 = vector.broadcast %scan3A_1610 : i32 to vector<16xi32>
        %select_n3A_1665 = arith.select %lt3A_1662, %broadcast_in_dim3A_1664, %select_n3A_1581 : vector<16xi1>, vector<16xi32>
        %sub3A_1666 = arith.subf %gather3A_699, %get3A_1615 : vector<16xf32>
        %sub3A_1667 = arith.subf %gather3A_731, %get3A_1620 : vector<16xf32>
        %mul3A_1668 = arith.mulf %sub3A_1666, %sub3A_1666 : vector<16xf32>
        %mul3A_1669 = arith.mulf %sub3A_1667, %sub3A_1667 : vector<16xf32>
        %add3A_1670 = arith.addf %mul3A_1668, %mul3A_1669 : vector<16xf32>
        %lt3A_1671 = arith.cmpf olt, %add3A_1670, %select_n3A_1588 : vector<16xf32>
        %select_n3A_1672 = arith.select %lt3A_1671, %add3A_1670, %select_n3A_1588 : vector<16xi1>, vector<16xf32>
        %broadcast_in_dim3A_1673 = vector.broadcast %scan3A_1610 : i32 to vector<16xi32>
        %select_n3A_1674 = arith.select %lt3A_1671, %broadcast_in_dim3A_1673, %select_n3A_1590 : vector<16xi1>, vector<16xi32>
        %sub3A_1675 = arith.subf %gather3A_703, %get3A_1615 : vector<16xf32>
        %sub3A_1676 = arith.subf %gather3A_735, %get3A_1620 : vector<16xf32>
        %mul3A_1677 = arith.mulf %sub3A_1675, %sub3A_1675 : vector<16xf32>
        %mul3A_1678 = arith.mulf %sub3A_1676, %sub3A_1676 : vector<16xf32>
        %add3A_1679 = arith.addf %mul3A_1677, %mul3A_1678 : vector<16xf32>
        %lt3A_1680 = arith.cmpf olt, %add3A_1679, %select_n3A_1597 : vector<16xf32>
        %select_n3A_1681 = arith.select %lt3A_1680, %add3A_1679, %select_n3A_1597 : vector<16xi1>, vector<16xf32>
        %broadcast_in_dim3A_1682 = vector.broadcast %scan3A_1610 : i32 to vector<16xi32>
        %select_n3A_1683 = arith.select %lt3A_1680, %broadcast_in_dim3A_1682, %select_n3A_1599 : vector<16xi1>, vector<16xi32>
        %sub3A_1684 = arith.subf %gather3A_707, %get3A_1615 : vector<16xf32>
        %sub3A_1685 = arith.subf %gather3A_739, %get3A_1620 : vector<16xf32>
        %mul3A_1686 = arith.mulf %sub3A_1684, %sub3A_1684 : vector<16xf32>
        %mul3A_1687 = arith.mulf %sub3A_1685, %sub3A_1685 : vector<16xf32>
        %add3A_1688 = arith.addf %mul3A_1686, %mul3A_1687 : vector<16xf32>
        %lt3A_1689 = arith.cmpf olt, %add3A_1688, %select_n3A_1606 : vector<16xf32>
        %select_n3A_1690 = arith.select %lt3A_1689, %add3A_1688, %select_n3A_1606 : vector<16xi1>, vector<16xf32>
        %broadcast_in_dim3A_1691 = vector.broadcast %scan3A_1610 : i32 to vector<16xi32>
        %select_n3A_1692 = arith.select %lt3A_1689, %broadcast_in_dim3A_1691, %select_n3A_1608 : vector<16xi1>, vector<16xi32>
        scf.yield %select_n3A_1627, %select_n3A_1636, %select_n3A_1645, %select_n3A_1654, %select_n3A_1663, %select_n3A_1672, %select_n3A_1681, %select_n3A_1690, %select_n3A_1629, %select_n3A_1638, %select_n3A_1647, %select_n3A_1656, %select_n3A_1665, %select_n3A_1674, %select_n3A_1683, %select_n3A_1692 : vector<16xf32>, vector<16xf32>, vector<16xf32>, vector<16xf32>, vector<16xf32>, vector<16xf32>, vector<16xf32>, vector<16xf32>, vector<16xi32>, vector<16xi32>, vector<16xi32>, vector<16xi32>, vector<16xi32>, vector<16xi32>, vector<16xi32>, vector<16xi32>
      }
      %scan3A_777 = arith.constant 512 : i32
      %iota3A_778 = tpu.iota {dimensions = array<i32: 0>} : vector<16xi32>
      %xor3A_779 = arith.constant 8 : i32
      %xor3A_780 = vector.broadcast %xor3A_779 : i32 to vector<16xi32>
      %xor3A_781 = arith.xori %iota3A_778, %xor3A_780 : vector<16xi32>
      %reshape3A_782 = vector.shape_cast %xor3A_781 : vector<16xi32> to vector<16x1xi32>
      %gather3A_783 = vector.shape_cast %reshape3A_782 : vector<16x1xi32> to vector<16xi32>
      %gather3A_784 = tpu.dynamic_gather %scan3A_776#0[%gather3A_783] in [0] : vector<16xf32>, vector<16xi32> -> vector<16xf32>
      %min3A_785 = arith.minimumf %scan3A_776#0, %gather3A_784 : vector<16xf32>
      %xor3A_786 = arith.constant 4 : i32
      %xor3A_787 = vector.broadcast %xor3A_786 : i32 to vector<16xi32>
      %xor3A_788 = arith.xori %iota3A_778, %xor3A_787 : vector<16xi32>
      %reshape3A_789 = vector.shape_cast %xor3A_788 : vector<16xi32> to vector<16x1xi32>
      %gather3A_790 = vector.shape_cast %reshape3A_789 : vector<16x1xi32> to vector<16xi32>
      %gather3A_791 = tpu.dynamic_gather %min3A_785[%gather3A_790] in [0] : vector<16xf32>, vector<16xi32> -> vector<16xf32>
      %min3A_792 = arith.minimumf %min3A_785, %gather3A_791 : vector<16xf32>
      %xor3A_793 = arith.constant 2 : i32
      %xor3A_794 = vector.broadcast %xor3A_793 : i32 to vector<16xi32>
      %xor3A_795 = arith.xori %iota3A_778, %xor3A_794 : vector<16xi32>
      %reshape3A_796 = vector.shape_cast %xor3A_795 : vector<16xi32> to vector<16x1xi32>
      %gather3A_797 = vector.shape_cast %reshape3A_796 : vector<16x1xi32> to vector<16xi32>
      %gather3A_798 = tpu.dynamic_gather %min3A_792[%gather3A_797] in [0] : vector<16xf32>, vector<16xi32> -> vector<16xf32>
      %min3A_799 = arith.minimumf %min3A_792, %gather3A_798 : vector<16xf32>
      %xor3A_800 = arith.constant 1 : i32
      %xor3A_801 = vector.broadcast %xor3A_800 : i32 to vector<16xi32>
      %xor3A_802 = arith.xori %iota3A_778, %xor3A_801 : vector<16xi32>
      %reshape3A_803 = vector.shape_cast %xor3A_802 : vector<16xi32> to vector<16x1xi32>
      %gather3A_804 = vector.shape_cast %reshape3A_803 : vector<16x1xi32> to vector<16xi32>
      %gather3A_805 = tpu.dynamic_gather %min3A_799[%gather3A_804] in [0] : vector<16xf32>, vector<16xi32> -> vector<16xf32>
      %min3A_806 = arith.minimumf %min3A_799, %gather3A_805 : vector<16xf32>
      %eq3A_807 = arith.cmpf oeq, %scan3A_776#0, %min3A_806 : vector<16xf32>
      %mul3A_808 = arith.constant 16 : i32
      %mul3A_809 = vector.broadcast %mul3A_808 : i32 to vector<16xi32>
      %mul3A_810 = arith.muli %scan3A_776#8, %mul3A_809 : vector<16xi32>
      %add3A_811 = arith.addi %mul3A_810, %iota3A : vector<16xi32>
      %jit3A_812 = arith.constant 8192 : i32
      %broadcast_in_dim3A_813 = vector.broadcast %jit3A_812 : i32 to vector<16xi32>
      %select_n3A_814 = arith.select %eq3A_807, %add3A_811, %broadcast_in_dim3A_813 : vector<16xi1>, vector<16xi32>
      %iota3A_815 = tpu.iota {dimensions = array<i32: 0>} : vector<16xi32>
      %xor3A_816 = arith.constant 8 : i32
      %xor3A_817 = vector.broadcast %xor3A_816 : i32 to vector<16xi32>
      %xor3A_818 = arith.xori %iota3A_815, %xor3A_817 : vector<16xi32>
      %reshape3A_819 = vector.shape_cast %xor3A_818 : vector<16xi32> to vector<16x1xi32>
      %gather3A_820 = vector.shape_cast %reshape3A_819 : vector<16x1xi32> to vector<16xi32>
      %gather3A_821 = tpu.dynamic_gather %select_n3A_814[%gather3A_820] in [0] : vector<16xi32>, vector<16xi32> -> vector<16xi32>
      %min3A_822 = arith.minsi %select_n3A_814, %gather3A_821 : vector<16xi32>
      %xor3A_823 = arith.constant 4 : i32
      %xor3A_824 = vector.broadcast %xor3A_823 : i32 to vector<16xi32>
      %xor3A_825 = arith.xori %iota3A_815, %xor3A_824 : vector<16xi32>
      %reshape3A_826 = vector.shape_cast %xor3A_825 : vector<16xi32> to vector<16x1xi32>
      %gather3A_827 = vector.shape_cast %reshape3A_826 : vector<16x1xi32> to vector<16xi32>
      %gather3A_828 = tpu.dynamic_gather %min3A_822[%gather3A_827] in [0] : vector<16xi32>, vector<16xi32> -> vector<16xi32>
      %min3A_829 = arith.minsi %min3A_822, %gather3A_828 : vector<16xi32>
      %xor3A_830 = arith.constant 2 : i32
      %xor3A_831 = vector.broadcast %xor3A_830 : i32 to vector<16xi32>
      %xor3A_832 = arith.xori %iota3A_815, %xor3A_831 : vector<16xi32>
      %reshape3A_833 = vector.shape_cast %xor3A_832 : vector<16xi32> to vector<16x1xi32>
      %gather3A_834 = vector.shape_cast %reshape3A_833 : vector<16x1xi32> to vector<16xi32>
      %gather3A_835 = tpu.dynamic_gather %min3A_829[%gather3A_834] in [0] : vector<16xi32>, vector<16xi32> -> vector<16xi32>
      %min3A_836 = arith.minsi %min3A_829, %gather3A_835 : vector<16xi32>
      %xor3A_837 = arith.constant 1 : i32
      %xor3A_838 = vector.broadcast %xor3A_837 : i32 to vector<16xi32>
      %xor3A_839 = arith.xori %iota3A_815, %xor3A_838 : vector<16xi32>
      %reshape3A_840 = vector.shape_cast %xor3A_839 : vector<16xi32> to vector<16x1xi32>
      %gather3A_841 = vector.shape_cast %reshape3A_840 : vector<16x1xi32> to vector<16xi32>
      %gather3A_842 = tpu.dynamic_gather %min3A_836[%gather3A_841] in [0] : vector<16xi32>, vector<16xi32> -> vector<16xi32>
      %min3A_843 = arith.minsi %min3A_836, %gather3A_842 : vector<16xi32>
      %eq3A_844 = arith.constant 8 : i32
      %eq3A_845 = vector.broadcast %eq3A_844 : i32 to vector<16xi32>
      %eq3A_846 = arith.cmpi eq, %iota3A, %eq3A_845 : vector<16xi32>
      %select_n3A_847 = arith.select %eq3A_846, %min3A_843, %select_n3A_675 : vector<16xi1>, vector<16xi32>
      %iota3A_848 = tpu.iota {dimensions = array<i32: 0>} : vector<16xi32>
      %xor3A_849 = arith.constant 8 : i32
      %xor3A_850 = vector.broadcast %xor3A_849 : i32 to vector<16xi32>
      %xor3A_851 = arith.xori %iota3A_848, %xor3A_850 : vector<16xi32>
      %reshape3A_852 = vector.shape_cast %xor3A_851 : vector<16xi32> to vector<16x1xi32>
      %gather3A_853 = vector.shape_cast %reshape3A_852 : vector<16x1xi32> to vector<16xi32>
      %gather3A_854 = tpu.dynamic_gather %scan3A_776#1[%gather3A_853] in [0] : vector<16xf32>, vector<16xi32> -> vector<16xf32>
      %min3A_855 = arith.minimumf %scan3A_776#1, %gather3A_854 : vector<16xf32>
      %xor3A_856 = arith.constant 4 : i32
      %xor3A_857 = vector.broadcast %xor3A_856 : i32 to vector<16xi32>
      %xor3A_858 = arith.xori %iota3A_848, %xor3A_857 : vector<16xi32>
      %reshape3A_859 = vector.shape_cast %xor3A_858 : vector<16xi32> to vector<16x1xi32>
      %gather3A_860 = vector.shape_cast %reshape3A_859 : vector<16x1xi32> to vector<16xi32>
      %gather3A_861 = tpu.dynamic_gather %min3A_855[%gather3A_860] in [0] : vector<16xf32>, vector<16xi32> -> vector<16xf32>
      %min3A_862 = arith.minimumf %min3A_855, %gather3A_861 : vector<16xf32>
      %xor3A_863 = arith.constant 2 : i32
      %xor3A_864 = vector.broadcast %xor3A_863 : i32 to vector<16xi32>
      %xor3A_865 = arith.xori %iota3A_848, %xor3A_864 : vector<16xi32>
      %reshape3A_866 = vector.shape_cast %xor3A_865 : vector<16xi32> to vector<16x1xi32>
      %gather3A_867 = vector.shape_cast %reshape3A_866 : vector<16x1xi32> to vector<16xi32>
      %gather3A_868 = tpu.dynamic_gather %min3A_862[%gather3A_867] in [0] : vector<16xf32>, vector<16xi32> -> vector<16xf32>
      %min3A_869 = arith.minimumf %min3A_862, %gather3A_868 : vector<16xf32>
      %xor3A_870 = arith.constant 1 : i32
      %xor3A_871 = vector.broadcast %xor3A_870 : i32 to vector<16xi32>
      %xor3A_872 = arith.xori %iota3A_848, %xor3A_871 : vector<16xi32>
      %reshape3A_873 = vector.shape_cast %xor3A_872 : vector<16xi32> to vector<16x1xi32>
      %gather3A_874 = vector.shape_cast %reshape3A_873 : vector<16x1xi32> to vector<16xi32>
      %gather3A_875 = tpu.dynamic_gather %min3A_869[%gather3A_874] in [0] : vector<16xf32>, vector<16xi32> -> vector<16xf32>
      %min3A_876 = arith.minimumf %min3A_869, %gather3A_875 : vector<16xf32>
      %eq3A_877 = arith.cmpf oeq, %scan3A_776#1, %min3A_876 : vector<16xf32>
      %mul3A_878 = arith.constant 16 : i32
      %mul3A_879 = vector.broadcast %mul3A_878 : i32 to vector<16xi32>
      %mul3A_880 = arith.muli %scan3A_776#9, %mul3A_879 : vector<16xi32>
      %add3A_881 = arith.addi %mul3A_880, %iota3A : vector<16xi32>
      %jit3A_882 = arith.constant 8192 : i32
      %broadcast_in_dim3A_883 = vector.broadcast %jit3A_882 : i32 to vector<16xi32>
      %select_n3A_884 = arith.select %eq3A_877, %add3A_881, %broadcast_in_dim3A_883 : vector<16xi1>, vector<16xi32>
      %iota3A_885 = tpu.iota {dimensions = array<i32: 0>} : vector<16xi32>
      %xor3A_886 = arith.constant 8 : i32
      %xor3A_887 = vector.broadcast %xor3A_886 : i32 to vector<16xi32>
      %xor3A_888 = arith.xori %iota3A_885, %xor3A_887 : vector<16xi32>
      %reshape3A_889 = vector.shape_cast %xor3A_888 : vector<16xi32> to vector<16x1xi32>
      %gather3A_890 = vector.shape_cast %reshape3A_889 : vector<16x1xi32> to vector<16xi32>
      %gather3A_891 = tpu.dynamic_gather %select_n3A_884[%gather3A_890] in [0] : vector<16xi32>, vector<16xi32> -> vector<16xi32>
      %min3A_892 = arith.minsi %select_n3A_884, %gather3A_891 : vector<16xi32>
      %xor3A_893 = arith.constant 4 : i32
      %xor3A_894 = vector.broadcast %xor3A_893 : i32 to vector<16xi32>
      %xor3A_895 = arith.xori %iota3A_885, %xor3A_894 : vector<16xi32>
      %reshape3A_896 = vector.shape_cast %xor3A_895 : vector<16xi32> to vector<16x1xi32>
      %gather3A_897 = vector.shape_cast %reshape3A_896 : vector<16x1xi32> to vector<16xi32>
      %gather3A_898 = tpu.dynamic_gather %min3A_892[%gather3A_897] in [0] : vector<16xi32>, vector<16xi32> -> vector<16xi32>
      %min3A_899 = arith.minsi %min3A_892, %gather3A_898 : vector<16xi32>
      %xor3A_900 = arith.constant 2 : i32
      %xor3A_901 = vector.broadcast %xor3A_900 : i32 to vector<16xi32>
      %xor3A_902 = arith.xori %iota3A_885, %xor3A_901 : vector<16xi32>
      %reshape3A_903 = vector.shape_cast %xor3A_902 : vector<16xi32> to vector<16x1xi32>
      %gather3A_904 = vector.shape_cast %reshape3A_903 : vector<16x1xi32> to vector<16xi32>
      %gather3A_905 = tpu.dynamic_gather %min3A_899[%gather3A_904] in [0] : vector<16xi32>, vector<16xi32> -> vector<16xi32>
      %min3A_906 = arith.minsi %min3A_899, %gather3A_905 : vector<16xi32>
      %xor3A_907 = arith.constant 1 : i32
      %xor3A_908 = vector.broadcast %xor3A_907 : i32 to vector<16xi32>
      %xor3A_909 = arith.xori %iota3A_885, %xor3A_908 : vector<16xi32>
      %reshape3A_910 = vector.shape_cast %xor3A_909 : vector<16xi32> to vector<16x1xi32>
      %gather3A_911 = vector.shape_cast %reshape3A_910 : vector<16x1xi32> to vector<16xi32>
      %gather3A_912 = tpu.dynamic_gather %min3A_906[%gather3A_911] in [0] : vector<16xi32>, vector<16xi32> -> vector<16xi32>
      %min3A_913 = arith.minsi %min3A_906, %gather3A_912 : vector<16xi32>
      %eq3A_914 = arith.constant 9 : i32
      %eq3A_915 = vector.broadcast %eq3A_914 : i32 to vector<16xi32>
      %eq3A_916 = arith.cmpi eq, %iota3A, %eq3A_915 : vector<16xi32>
      %select_n3A_917 = arith.select %eq3A_916, %min3A_913, %select_n3A_847 : vector<16xi1>, vector<16xi32>
      %iota3A_918 = tpu.iota {dimensions = array<i32: 0>} : vector<16xi32>
      %xor3A_919 = arith.constant 8 : i32
      %xor3A_920 = vector.broadcast %xor3A_919 : i32 to vector<16xi32>
      %xor3A_921 = arith.xori %iota3A_918, %xor3A_920 : vector<16xi32>
      %reshape3A_922 = vector.shape_cast %xor3A_921 : vector<16xi32> to vector<16x1xi32>
      %gather3A_923 = vector.shape_cast %reshape3A_922 : vector<16x1xi32> to vector<16xi32>
      %gather3A_924 = tpu.dynamic_gather %scan3A_776#2[%gather3A_923] in [0] : vector<16xf32>, vector<16xi32> -> vector<16xf32>
      %min3A_925 = arith.minimumf %scan3A_776#2, %gather3A_924 : vector<16xf32>
      %xor3A_926 = arith.constant 4 : i32
      %xor3A_927 = vector.broadcast %xor3A_926 : i32 to vector<16xi32>
      %xor3A_928 = arith.xori %iota3A_918, %xor3A_927 : vector<16xi32>
      %reshape3A_929 = vector.shape_cast %xor3A_928 : vector<16xi32> to vector<16x1xi32>
      %gather3A_930 = vector.shape_cast %reshape3A_929 : vector<16x1xi32> to vector<16xi32>
      %gather3A_931 = tpu.dynamic_gather %min3A_925[%gather3A_930] in [0] : vector<16xf32>, vector<16xi32> -> vector<16xf32>
      %min3A_932 = arith.minimumf %min3A_925, %gather3A_931 : vector<16xf32>
      %xor3A_933 = arith.constant 2 : i32
      %xor3A_934 = vector.broadcast %xor3A_933 : i32 to vector<16xi32>
      %xor3A_935 = arith.xori %iota3A_918, %xor3A_934 : vector<16xi32>
      %reshape3A_936 = vector.shape_cast %xor3A_935 : vector<16xi32> to vector<16x1xi32>
      %gather3A_937 = vector.shape_cast %reshape3A_936 : vector<16x1xi32> to vector<16xi32>
      %gather3A_938 = tpu.dynamic_gather %min3A_932[%gather3A_937] in [0] : vector<16xf32>, vector<16xi32> -> vector<16xf32>
      %min3A_939 = arith.minimumf %min3A_932, %gather3A_938 : vector<16xf32>
      %xor3A_940 = arith.constant 1 : i32
      %xor3A_941 = vector.broadcast %xor3A_940 : i32 to vector<16xi32>
      %xor3A_942 = arith.xori %iota3A_918, %xor3A_941 : vector<16xi32>
      %reshape3A_943 = vector.shape_cast %xor3A_942 : vector<16xi32> to vector<16x1xi32>
      %gather3A_944 = vector.shape_cast %reshape3A_943 : vector<16x1xi32> to vector<16xi32>
      %gather3A_945 = tpu.dynamic_gather %min3A_939[%gather3A_944] in [0] : vector<16xf32>, vector<16xi32> -> vector<16xf32>
      %min3A_946 = arith.minimumf %min3A_939, %gather3A_945 : vector<16xf32>
      %eq3A_947 = arith.cmpf oeq, %scan3A_776#2, %min3A_946 : vector<16xf32>
      %mul3A_948 = arith.constant 16 : i32
      %mul3A_949 = vector.broadcast %mul3A_948 : i32 to vector<16xi32>
      %mul3A_950 = arith.muli %scan3A_776#10, %mul3A_949 : vector<16xi32>
      %add3A_951 = arith.addi %mul3A_950, %iota3A : vector<16xi32>
      %jit3A_952 = arith.constant 8192 : i32
      %broadcast_in_dim3A_953 = vector.broadcast %jit3A_952 : i32 to vector<16xi32>
      %select_n3A_954 = arith.select %eq3A_947, %add3A_951, %broadcast_in_dim3A_953 : vector<16xi1>, vector<16xi32>
      %iota3A_955 = tpu.iota {dimensions = array<i32: 0>} : vector<16xi32>
      %xor3A_956 = arith.constant 8 : i32
      %xor3A_957 = vector.broadcast %xor3A_956 : i32 to vector<16xi32>
      %xor3A_958 = arith.xori %iota3A_955, %xor3A_957 : vector<16xi32>
      %reshape3A_959 = vector.shape_cast %xor3A_958 : vector<16xi32> to vector<16x1xi32>
      %gather3A_960 = vector.shape_cast %reshape3A_959 : vector<16x1xi32> to vector<16xi32>
      %gather3A_961 = tpu.dynamic_gather %select_n3A_954[%gather3A_960] in [0] : vector<16xi32>, vector<16xi32> -> vector<16xi32>
      %min3A_962 = arith.minsi %select_n3A_954, %gather3A_961 : vector<16xi32>
      %xor3A_963 = arith.constant 4 : i32
      %xor3A_964 = vector.broadcast %xor3A_963 : i32 to vector<16xi32>
      %xor3A_965 = arith.xori %iota3A_955, %xor3A_964 : vector<16xi32>
      %reshape3A_966 = vector.shape_cast %xor3A_965 : vector<16xi32> to vector<16x1xi32>
      %gather3A_967 = vector.shape_cast %reshape3A_966 : vector<16x1xi32> to vector<16xi32>
      %gather3A_968 = tpu.dynamic_gather %min3A_962[%gather3A_967] in [0] : vector<16xi32>, vector<16xi32> -> vector<16xi32>
      %min3A_969 = arith.minsi %min3A_962, %gather3A_968 : vector<16xi32>
      %xor3A_970 = arith.constant 2 : i32
      %xor3A_971 = vector.broadcast %xor3A_970 : i32 to vector<16xi32>
      %xor3A_972 = arith.xori %iota3A_955, %xor3A_971 : vector<16xi32>
      %reshape3A_973 = vector.shape_cast %xor3A_972 : vector<16xi32> to vector<16x1xi32>
      %gather3A_974 = vector.shape_cast %reshape3A_973 : vector<16x1xi32> to vector<16xi32>
      %gather3A_975 = tpu.dynamic_gather %min3A_969[%gather3A_974] in [0] : vector<16xi32>, vector<16xi32> -> vector<16xi32>
      %min3A_976 = arith.minsi %min3A_969, %gather3A_975 : vector<16xi32>
      %xor3A_977 = arith.constant 1 : i32
      %xor3A_978 = vector.broadcast %xor3A_977 : i32 to vector<16xi32>
      %xor3A_979 = arith.xori %iota3A_955, %xor3A_978 : vector<16xi32>
      %reshape3A_980 = vector.shape_cast %xor3A_979 : vector<16xi32> to vector<16x1xi32>
      %gather3A_981 = vector.shape_cast %reshape3A_980 : vector<16x1xi32> to vector<16xi32>
      %gather3A_982 = tpu.dynamic_gather %min3A_976[%gather3A_981] in [0] : vector<16xi32>, vector<16xi32> -> vector<16xi32>
      %min3A_983 = arith.minsi %min3A_976, %gather3A_982 : vector<16xi32>
      %eq3A_984 = arith.constant 10 : i32
      %eq3A_985 = vector.broadcast %eq3A_984 : i32 to vector<16xi32>
      %eq3A_986 = arith.cmpi eq, %iota3A, %eq3A_985 : vector<16xi32>
      %select_n3A_987 = arith.select %eq3A_986, %min3A_983, %select_n3A_917 : vector<16xi1>, vector<16xi32>
      %iota3A_988 = tpu.iota {dimensions = array<i32: 0>} : vector<16xi32>
      %xor3A_989 = arith.constant 8 : i32
      %xor3A_990 = vector.broadcast %xor3A_989 : i32 to vector<16xi32>
      %xor3A_991 = arith.xori %iota3A_988, %xor3A_990 : vector<16xi32>
      %reshape3A_992 = vector.shape_cast %xor3A_991 : vector<16xi32> to vector<16x1xi32>
      %gather3A_993 = vector.shape_cast %reshape3A_992 : vector<16x1xi32> to vector<16xi32>
      %gather3A_994 = tpu.dynamic_gather %scan3A_776#3[%gather3A_993] in [0] : vector<16xf32>, vector<16xi32> -> vector<16xf32>
      %min3A_995 = arith.minimumf %scan3A_776#3, %gather3A_994 : vector<16xf32>
      %xor3A_996 = arith.constant 4 : i32
      %xor3A_997 = vector.broadcast %xor3A_996 : i32 to vector<16xi32>
      %xor3A_998 = arith.xori %iota3A_988, %xor3A_997 : vector<16xi32>
      %reshape3A_999 = vector.shape_cast %xor3A_998 : vector<16xi32> to vector<16x1xi32>
      %gather3A_1000 = vector.shape_cast %reshape3A_999 : vector<16x1xi32> to vector<16xi32>
      %gather3A_1001 = tpu.dynamic_gather %min3A_995[%gather3A_1000] in [0] : vector<16xf32>, vector<16xi32> -> vector<16xf32>
      %min3A_1002 = arith.minimumf %min3A_995, %gather3A_1001 : vector<16xf32>
      %xor3A_1003 = arith.constant 2 : i32
      %xor3A_1004 = vector.broadcast %xor3A_1003 : i32 to vector<16xi32>
      %xor3A_1005 = arith.xori %iota3A_988, %xor3A_1004 : vector<16xi32>
      %reshape3A_1006 = vector.shape_cast %xor3A_1005 : vector<16xi32> to vector<16x1xi32>
      %gather3A_1007 = vector.shape_cast %reshape3A_1006 : vector<16x1xi32> to vector<16xi32>
      %gather3A_1008 = tpu.dynamic_gather %min3A_1002[%gather3A_1007] in [0] : vector<16xf32>, vector<16xi32> -> vector<16xf32>
      %min3A_1009 = arith.minimumf %min3A_1002, %gather3A_1008 : vector<16xf32>
      %xor3A_1010 = arith.constant 1 : i32
      %xor3A_1011 = vector.broadcast %xor3A_1010 : i32 to vector<16xi32>
      %xor3A_1012 = arith.xori %iota3A_988, %xor3A_1011 : vector<16xi32>
      %reshape3A_1013 = vector.shape_cast %xor3A_1012 : vector<16xi32> to vector<16x1xi32>
      %gather3A_1014 = vector.shape_cast %reshape3A_1013 : vector<16x1xi32> to vector<16xi32>
      %gather3A_1015 = tpu.dynamic_gather %min3A_1009[%gather3A_1014] in [0] : vector<16xf32>, vector<16xi32> -> vector<16xf32>
      %min3A_1016 = arith.minimumf %min3A_1009, %gather3A_1015 : vector<16xf32>
      %eq3A_1017 = arith.cmpf oeq, %scan3A_776#3, %min3A_1016 : vector<16xf32>
      %mul3A_1018 = arith.constant 16 : i32
      %mul3A_1019 = vector.broadcast %mul3A_1018 : i32 to vector<16xi32>
      %mul3A_1020 = arith.muli %scan3A_776#11, %mul3A_1019 : vector<16xi32>
      %add3A_1021 = arith.addi %mul3A_1020, %iota3A : vector<16xi32>
      %jit3A_1022 = arith.constant 8192 : i32
      %broadcast_in_dim3A_1023 = vector.broadcast %jit3A_1022 : i32 to vector<16xi32>
      %select_n3A_1024 = arith.select %eq3A_1017, %add3A_1021, %broadcast_in_dim3A_1023 : vector<16xi1>, vector<16xi32>
      %iota3A_1025 = tpu.iota {dimensions = array<i32: 0>} : vector<16xi32>
      %xor3A_1026 = arith.constant 8 : i32
      %xor3A_1027 = vector.broadcast %xor3A_1026 : i32 to vector<16xi32>
      %xor3A_1028 = arith.xori %iota3A_1025, %xor3A_1027 : vector<16xi32>
      %reshape3A_1029 = vector.shape_cast %xor3A_1028 : vector<16xi32> to vector<16x1xi32>
      %gather3A_1030 = vector.shape_cast %reshape3A_1029 : vector<16x1xi32> to vector<16xi32>
      %gather3A_1031 = tpu.dynamic_gather %select_n3A_1024[%gather3A_1030] in [0] : vector<16xi32>, vector<16xi32> -> vector<16xi32>
      %min3A_1032 = arith.minsi %select_n3A_1024, %gather3A_1031 : vector<16xi32>
      %xor3A_1033 = arith.constant 4 : i32
      %xor3A_1034 = vector.broadcast %xor3A_1033 : i32 to vector<16xi32>
      %xor3A_1035 = arith.xori %iota3A_1025, %xor3A_1034 : vector<16xi32>
      %reshape3A_1036 = vector.shape_cast %xor3A_1035 : vector<16xi32> to vector<16x1xi32>
      %gather3A_1037 = vector.shape_cast %reshape3A_1036 : vector<16x1xi32> to vector<16xi32>
      %gather3A_1038 = tpu.dynamic_gather %min3A_1032[%gather3A_1037] in [0] : vector<16xi32>, vector<16xi32> -> vector<16xi32>
      %min3A_1039 = arith.minsi %min3A_1032, %gather3A_1038 : vector<16xi32>
      %xor3A_1040 = arith.constant 2 : i32
      %xor3A_1041 = vector.broadcast %xor3A_1040 : i32 to vector<16xi32>
      %xor3A_1042 = arith.xori %iota3A_1025, %xor3A_1041 : vector<16xi32>
      %reshape3A_1043 = vector.shape_cast %xor3A_1042 : vector<16xi32> to vector<16x1xi32>
      %gather3A_1044 = vector.shape_cast %reshape3A_1043 : vector<16x1xi32> to vector<16xi32>
      %gather3A_1045 = tpu.dynamic_gather %min3A_1039[%gather3A_1044] in [0] : vector<16xi32>, vector<16xi32> -> vector<16xi32>
      %min3A_1046 = arith.minsi %min3A_1039, %gather3A_1045 : vector<16xi32>
      %xor3A_1047 = arith.constant 1 : i32
      %xor3A_1048 = vector.broadcast %xor3A_1047 : i32 to vector<16xi32>
      %xor3A_1049 = arith.xori %iota3A_1025, %xor3A_1048 : vector<16xi32>
      %reshape3A_1050 = vector.shape_cast %xor3A_1049 : vector<16xi32> to vector<16x1xi32>
      %gather3A_1051 = vector.shape_cast %reshape3A_1050 : vector<16x1xi32> to vector<16xi32>
      %gather3A_1052 = tpu.dynamic_gather %min3A_1046[%gather3A_1051] in [0] : vector<16xi32>, vector<16xi32> -> vector<16xi32>
      %min3A_1053 = arith.minsi %min3A_1046, %gather3A_1052 : vector<16xi32>
      %eq3A_1054 = arith.constant 11 : i32
      %eq3A_1055 = vector.broadcast %eq3A_1054 : i32 to vector<16xi32>
      %eq3A_1056 = arith.cmpi eq, %iota3A, %eq3A_1055 : vector<16xi32>
      %select_n3A_1057 = arith.select %eq3A_1056, %min3A_1053, %select_n3A_987 : vector<16xi1>, vector<16xi32>
      %iota3A_1058 = tpu.iota {dimensions = array<i32: 0>} : vector<16xi32>
      %xor3A_1059 = arith.constant 8 : i32
      %xor3A_1060 = vector.broadcast %xor3A_1059 : i32 to vector<16xi32>
      %xor3A_1061 = arith.xori %iota3A_1058, %xor3A_1060 : vector<16xi32>
      %reshape3A_1062 = vector.shape_cast %xor3A_1061 : vector<16xi32> to vector<16x1xi32>
      %gather3A_1063 = vector.shape_cast %reshape3A_1062 : vector<16x1xi32> to vector<16xi32>
      %gather3A_1064 = tpu.dynamic_gather %scan3A_776#4[%gather3A_1063] in [0] : vector<16xf32>, vector<16xi32> -> vector<16xf32>
      %min3A_1065 = arith.minimumf %scan3A_776#4, %gather3A_1064 : vector<16xf32>
      %xor3A_1066 = arith.constant 4 : i32
      %xor3A_1067 = vector.broadcast %xor3A_1066 : i32 to vector<16xi32>
      %xor3A_1068 = arith.xori %iota3A_1058, %xor3A_1067 : vector<16xi32>
      %reshape3A_1069 = vector.shape_cast %xor3A_1068 : vector<16xi32> to vector<16x1xi32>
      %gather3A_1070 = vector.shape_cast %reshape3A_1069 : vector<16x1xi32> to vector<16xi32>
      %gather3A_1071 = tpu.dynamic_gather %min3A_1065[%gather3A_1070] in [0] : vector<16xf32>, vector<16xi32> -> vector<16xf32>
      %min3A_1072 = arith.minimumf %min3A_1065, %gather3A_1071 : vector<16xf32>
      %xor3A_1073 = arith.constant 2 : i32
      %xor3A_1074 = vector.broadcast %xor3A_1073 : i32 to vector<16xi32>
      %xor3A_1075 = arith.xori %iota3A_1058, %xor3A_1074 : vector<16xi32>
      %reshape3A_1076 = vector.shape_cast %xor3A_1075 : vector<16xi32> to vector<16x1xi32>
      %gather3A_1077 = vector.shape_cast %reshape3A_1076 : vector<16x1xi32> to vector<16xi32>
      %gather3A_1078 = tpu.dynamic_gather %min3A_1072[%gather3A_1077] in [0] : vector<16xf32>, vector<16xi32> -> vector<16xf32>
      %min3A_1079 = arith.minimumf %min3A_1072, %gather3A_1078 : vector<16xf32>
      %xor3A_1080 = arith.constant 1 : i32
      %xor3A_1081 = vector.broadcast %xor3A_1080 : i32 to vector<16xi32>
      %xor3A_1082 = arith.xori %iota3A_1058, %xor3A_1081 : vector<16xi32>
      %reshape3A_1083 = vector.shape_cast %xor3A_1082 : vector<16xi32> to vector<16x1xi32>
      %gather3A_1084 = vector.shape_cast %reshape3A_1083 : vector<16x1xi32> to vector<16xi32>
      %gather3A_1085 = tpu.dynamic_gather %min3A_1079[%gather3A_1084] in [0] : vector<16xf32>, vector<16xi32> -> vector<16xf32>
      %min3A_1086 = arith.minimumf %min3A_1079, %gather3A_1085 : vector<16xf32>
      %eq3A_1087 = arith.cmpf oeq, %scan3A_776#4, %min3A_1086 : vector<16xf32>
      %mul3A_1088 = arith.constant 16 : i32
      %mul3A_1089 = vector.broadcast %mul3A_1088 : i32 to vector<16xi32>
      %mul3A_1090 = arith.muli %scan3A_776#12, %mul3A_1089 : vector<16xi32>
      %add3A_1091 = arith.addi %mul3A_1090, %iota3A : vector<16xi32>
      %jit3A_1092 = arith.constant 8192 : i32
      %broadcast_in_dim3A_1093 = vector.broadcast %jit3A_1092 : i32 to vector<16xi32>
      %select_n3A_1094 = arith.select %eq3A_1087, %add3A_1091, %broadcast_in_dim3A_1093 : vector<16xi1>, vector<16xi32>
      %iota3A_1095 = tpu.iota {dimensions = array<i32: 0>} : vector<16xi32>
      %xor3A_1096 = arith.constant 8 : i32
      %xor3A_1097 = vector.broadcast %xor3A_1096 : i32 to vector<16xi32>
      %xor3A_1098 = arith.xori %iota3A_1095, %xor3A_1097 : vector<16xi32>
      %reshape3A_1099 = vector.shape_cast %xor3A_1098 : vector<16xi32> to vector<16x1xi32>
      %gather3A_1100 = vector.shape_cast %reshape3A_1099 : vector<16x1xi32> to vector<16xi32>
      %gather3A_1101 = tpu.dynamic_gather %select_n3A_1094[%gather3A_1100] in [0] : vector<16xi32>, vector<16xi32> -> vector<16xi32>
      %min3A_1102 = arith.minsi %select_n3A_1094, %gather3A_1101 : vector<16xi32>
      %xor3A_1103 = arith.constant 4 : i32
      %xor3A_1104 = vector.broadcast %xor3A_1103 : i32 to vector<16xi32>
      %xor3A_1105 = arith.xori %iota3A_1095, %xor3A_1104 : vector<16xi32>
      %reshape3A_1106 = vector.shape_cast %xor3A_1105 : vector<16xi32> to vector<16x1xi32>
      %gather3A_1107 = vector.shape_cast %reshape3A_1106 : vector<16x1xi32> to vector<16xi32>
      %gather3A_1108 = tpu.dynamic_gather %min3A_1102[%gather3A_1107] in [0] : vector<16xi32>, vector<16xi32> -> vector<16xi32>
      %min3A_1109 = arith.minsi %min3A_1102, %gather3A_1108 : vector<16xi32>
      %xor3A_1110 = arith.constant 2 : i32
      %xor3A_1111 = vector.broadcast %xor3A_1110 : i32 to vector<16xi32>
      %xor3A_1112 = arith.xori %iota3A_1095, %xor3A_1111 : vector<16xi32>
      %reshape3A_1113 = vector.shape_cast %xor3A_1112 : vector<16xi32> to vector<16x1xi32>
      %gather3A_1114 = vector.shape_cast %reshape3A_1113 : vector<16x1xi32> to vector<16xi32>
      %gather3A_1115 = tpu.dynamic_gather %min3A_1109[%gather3A_1114] in [0] : vector<16xi32>, vector<16xi32> -> vector<16xi32>
      %min3A_1116 = arith.minsi %min3A_1109, %gather3A_1115 : vector<16xi32>
      %xor3A_1117 = arith.constant 1 : i32
      %xor3A_1118 = vector.broadcast %xor3A_1117 : i32 to vector<16xi32>
      %xor3A_1119 = arith.xori %iota3A_1095, %xor3A_1118 : vector<16xi32>
      %reshape3A_1120 = vector.shape_cast %xor3A_1119 : vector<16xi32> to vector<16x1xi32>
      %gather3A_1121 = vector.shape_cast %reshape3A_1120 : vector<16x1xi32> to vector<16xi32>
      %gather3A_1122 = tpu.dynamic_gather %min3A_1116[%gather3A_1121] in [0] : vector<16xi32>, vector<16xi32> -> vector<16xi32>
      %min3A_1123 = arith.minsi %min3A_1116, %gather3A_1122 : vector<16xi32>
      %eq3A_1124 = arith.constant 12 : i32
      %eq3A_1125 = vector.broadcast %eq3A_1124 : i32 to vector<16xi32>
      %eq3A_1126 = arith.cmpi eq, %iota3A, %eq3A_1125 : vector<16xi32>
      %select_n3A_1127 = arith.select %eq3A_1126, %min3A_1123, %select_n3A_1057 : vector<16xi1>, vector<16xi32>
      %iota3A_1128 = tpu.iota {dimensions = array<i32: 0>} : vector<16xi32>
      %xor3A_1129 = arith.constant 8 : i32
      %xor3A_1130 = vector.broadcast %xor3A_1129 : i32 to vector<16xi32>
      %xor3A_1131 = arith.xori %iota3A_1128, %xor3A_1130 : vector<16xi32>
      %reshape3A_1132 = vector.shape_cast %xor3A_1131 : vector<16xi32> to vector<16x1xi32>
      %gather3A_1133 = vector.shape_cast %reshape3A_1132 : vector<16x1xi32> to vector<16xi32>
      %gather3A_1134 = tpu.dynamic_gather %scan3A_776#5[%gather3A_1133] in [0] : vector<16xf32>, vector<16xi32> -> vector<16xf32>
      %min3A_1135 = arith.minimumf %scan3A_776#5, %gather3A_1134 : vector<16xf32>
      %xor3A_1136 = arith.constant 4 : i32
      %xor3A_1137 = vector.broadcast %xor3A_1136 : i32 to vector<16xi32>
      %xor3A_1138 = arith.xori %iota3A_1128, %xor3A_1137 : vector<16xi32>
      %reshape3A_1139 = vector.shape_cast %xor3A_1138 : vector<16xi32> to vector<16x1xi32>
      %gather3A_1140 = vector.shape_cast %reshape3A_1139 : vector<16x1xi32> to vector<16xi32>
      %gather3A_1141 = tpu.dynamic_gather %min3A_1135[%gather3A_1140] in [0] : vector<16xf32>, vector<16xi32> -> vector<16xf32>
      %min3A_1142 = arith.minimumf %min3A_1135, %gather3A_1141 : vector<16xf32>
      %xor3A_1143 = arith.constant 2 : i32
      %xor3A_1144 = vector.broadcast %xor3A_1143 : i32 to vector<16xi32>
      %xor3A_1145 = arith.xori %iota3A_1128, %xor3A_1144 : vector<16xi32>
      %reshape3A_1146 = vector.shape_cast %xor3A_1145 : vector<16xi32> to vector<16x1xi32>
      %gather3A_1147 = vector.shape_cast %reshape3A_1146 : vector<16x1xi32> to vector<16xi32>
      %gather3A_1148 = tpu.dynamic_gather %min3A_1142[%gather3A_1147] in [0] : vector<16xf32>, vector<16xi32> -> vector<16xf32>
      %min3A_1149 = arith.minimumf %min3A_1142, %gather3A_1148 : vector<16xf32>
      %xor3A_1150 = arith.constant 1 : i32
      %xor3A_1151 = vector.broadcast %xor3A_1150 : i32 to vector<16xi32>
      %xor3A_1152 = arith.xori %iota3A_1128, %xor3A_1151 : vector<16xi32>
      %reshape3A_1153 = vector.shape_cast %xor3A_1152 : vector<16xi32> to vector<16x1xi32>
      %gather3A_1154 = vector.shape_cast %reshape3A_1153 : vector<16x1xi32> to vector<16xi32>
      %gather3A_1155 = tpu.dynamic_gather %min3A_1149[%gather3A_1154] in [0] : vector<16xf32>, vector<16xi32> -> vector<16xf32>
      %min3A_1156 = arith.minimumf %min3A_1149, %gather3A_1155 : vector<16xf32>
      %eq3A_1157 = arith.cmpf oeq, %scan3A_776#5, %min3A_1156 : vector<16xf32>
      %mul3A_1158 = arith.constant 16 : i32
      %mul3A_1159 = vector.broadcast %mul3A_1158 : i32 to vector<16xi32>
      %mul3A_1160 = arith.muli %scan3A_776#13, %mul3A_1159 : vector<16xi32>
      %add3A_1161 = arith.addi %mul3A_1160, %iota3A : vector<16xi32>
      %jit3A_1162 = arith.constant 8192 : i32
      %broadcast_in_dim3A_1163 = vector.broadcast %jit3A_1162 : i32 to vector<16xi32>
      %select_n3A_1164 = arith.select %eq3A_1157, %add3A_1161, %broadcast_in_dim3A_1163 : vector<16xi1>, vector<16xi32>
      %iota3A_1165 = tpu.iota {dimensions = array<i32: 0>} : vector<16xi32>
      %xor3A_1166 = arith.constant 8 : i32
      %xor3A_1167 = vector.broadcast %xor3A_1166 : i32 to vector<16xi32>
      %xor3A_1168 = arith.xori %iota3A_1165, %xor3A_1167 : vector<16xi32>
      %reshape3A_1169 = vector.shape_cast %xor3A_1168 : vector<16xi32> to vector<16x1xi32>
      %gather3A_1170 = vector.shape_cast %reshape3A_1169 : vector<16x1xi32> to vector<16xi32>
      %gather3A_1171 = tpu.dynamic_gather %select_n3A_1164[%gather3A_1170] in [0] : vector<16xi32>, vector<16xi32> -> vector<16xi32>
      %min3A_1172 = arith.minsi %select_n3A_1164, %gather3A_1171 : vector<16xi32>
      %xor3A_1173 = arith.constant 4 : i32
      %xor3A_1174 = vector.broadcast %xor3A_1173 : i32 to vector<16xi32>
      %xor3A_1175 = arith.xori %iota3A_1165, %xor3A_1174 : vector<16xi32>
      %reshape3A_1176 = vector.shape_cast %xor3A_1175 : vector<16xi32> to vector<16x1xi32>
      %gather3A_1177 = vector.shape_cast %reshape3A_1176 : vector<16x1xi32> to vector<16xi32>
      %gather3A_1178 = tpu.dynamic_gather %min3A_1172[%gather3A_1177] in [0] : vector<16xi32>, vector<16xi32> -> vector<16xi32>
      %min3A_1179 = arith.minsi %min3A_1172, %gather3A_1178 : vector<16xi32>
      %xor3A_1180 = arith.constant 2 : i32
      %xor3A_1181 = vector.broadcast %xor3A_1180 : i32 to vector<16xi32>
      %xor3A_1182 = arith.xori %iota3A_1165, %xor3A_1181 : vector<16xi32>
      %reshape3A_1183 = vector.shape_cast %xor3A_1182 : vector<16xi32> to vector<16x1xi32>
      %gather3A_1184 = vector.shape_cast %reshape3A_1183 : vector<16x1xi32> to vector<16xi32>
      %gather3A_1185 = tpu.dynamic_gather %min3A_1179[%gather3A_1184] in [0] : vector<16xi32>, vector<16xi32> -> vector<16xi32>
      %min3A_1186 = arith.minsi %min3A_1179, %gather3A_1185 : vector<16xi32>
      %xor3A_1187 = arith.constant 1 : i32
      %xor3A_1188 = vector.broadcast %xor3A_1187 : i32 to vector<16xi32>
      %xor3A_1189 = arith.xori %iota3A_1165, %xor3A_1188 : vector<16xi32>
      %reshape3A_1190 = vector.shape_cast %xor3A_1189 : vector<16xi32> to vector<16x1xi32>
      %gather3A_1191 = vector.shape_cast %reshape3A_1190 : vector<16x1xi32> to vector<16xi32>
      %gather3A_1192 = tpu.dynamic_gather %min3A_1186[%gather3A_1191] in [0] : vector<16xi32>, vector<16xi32> -> vector<16xi32>
      %min3A_1193 = arith.minsi %min3A_1186, %gather3A_1192 : vector<16xi32>
      %eq3A_1194 = arith.constant 13 : i32
      %eq3A_1195 = vector.broadcast %eq3A_1194 : i32 to vector<16xi32>
      %eq3A_1196 = arith.cmpi eq, %iota3A, %eq3A_1195 : vector<16xi32>
      %select_n3A_1197 = arith.select %eq3A_1196, %min3A_1193, %select_n3A_1127 : vector<16xi1>, vector<16xi32>
      %iota3A_1198 = tpu.iota {dimensions = array<i32: 0>} : vector<16xi32>
      %xor3A_1199 = arith.constant 8 : i32
      %xor3A_1200 = vector.broadcast %xor3A_1199 : i32 to vector<16xi32>
      %xor3A_1201 = arith.xori %iota3A_1198, %xor3A_1200 : vector<16xi32>
      %reshape3A_1202 = vector.shape_cast %xor3A_1201 : vector<16xi32> to vector<16x1xi32>
      %gather3A_1203 = vector.shape_cast %reshape3A_1202 : vector<16x1xi32> to vector<16xi32>
      %gather3A_1204 = tpu.dynamic_gather %scan3A_776#6[%gather3A_1203] in [0] : vector<16xf32>, vector<16xi32> -> vector<16xf32>
      %min3A_1205 = arith.minimumf %scan3A_776#6, %gather3A_1204 : vector<16xf32>
      %xor3A_1206 = arith.constant 4 : i32
      %xor3A_1207 = vector.broadcast %xor3A_1206 : i32 to vector<16xi32>
      %xor3A_1208 = arith.xori %iota3A_1198, %xor3A_1207 : vector<16xi32>
      %reshape3A_1209 = vector.shape_cast %xor3A_1208 : vector<16xi32> to vector<16x1xi32>
      %gather3A_1210 = vector.shape_cast %reshape3A_1209 : vector<16x1xi32> to vector<16xi32>
      %gather3A_1211 = tpu.dynamic_gather %min3A_1205[%gather3A_1210] in [0] : vector<16xf32>, vector<16xi32> -> vector<16xf32>
      %min3A_1212 = arith.minimumf %min3A_1205, %gather3A_1211 : vector<16xf32>
      %xor3A_1213 = arith.constant 2 : i32
      %xor3A_1214 = vector.broadcast %xor3A_1213 : i32 to vector<16xi32>
      %xor3A_1215 = arith.xori %iota3A_1198, %xor3A_1214 : vector<16xi32>
      %reshape3A_1216 = vector.shape_cast %xor3A_1215 : vector<16xi32> to vector<16x1xi32>
      %gather3A_1217 = vector.shape_cast %reshape3A_1216 : vector<16x1xi32> to vector<16xi32>
      %gather3A_1218 = tpu.dynamic_gather %min3A_1212[%gather3A_1217] in [0] : vector<16xf32>, vector<16xi32> -> vector<16xf32>
      %min3A_1219 = arith.minimumf %min3A_1212, %gather3A_1218 : vector<16xf32>
      %xor3A_1220 = arith.constant 1 : i32
      %xor3A_1221 = vector.broadcast %xor3A_1220 : i32 to vector<16xi32>
      %xor3A_1222 = arith.xori %iota3A_1198, %xor3A_1221 : vector<16xi32>
      %reshape3A_1223 = vector.shape_cast %xor3A_1222 : vector<16xi32> to vector<16x1xi32>
      %gather3A_1224 = vector.shape_cast %reshape3A_1223 : vector<16x1xi32> to vector<16xi32>
      %gather3A_1225 = tpu.dynamic_gather %min3A_1219[%gather3A_1224] in [0] : vector<16xf32>, vector<16xi32> -> vector<16xf32>
      %min3A_1226 = arith.minimumf %min3A_1219, %gather3A_1225 : vector<16xf32>
      %eq3A_1227 = arith.cmpf oeq, %scan3A_776#6, %min3A_1226 : vector<16xf32>
      %mul3A_1228 = arith.constant 16 : i32
      %mul3A_1229 = vector.broadcast %mul3A_1228 : i32 to vector<16xi32>
      %mul3A_1230 = arith.muli %scan3A_776#14, %mul3A_1229 : vector<16xi32>
      %add3A_1231 = arith.addi %mul3A_1230, %iota3A : vector<16xi32>
      %jit3A_1232 = arith.constant 8192 : i32
      %broadcast_in_dim3A_1233 = vector.broadcast %jit3A_1232 : i32 to vector<16xi32>
      %select_n3A_1234 = arith.select %eq3A_1227, %add3A_1231, %broadcast_in_dim3A_1233 : vector<16xi1>, vector<16xi32>
      %iota3A_1235 = tpu.iota {dimensions = array<i32: 0>} : vector<16xi32>
      %xor3A_1236 = arith.constant 8 : i32
      %xor3A_1237 = vector.broadcast %xor3A_1236 : i32 to vector<16xi32>
      %xor3A_1238 = arith.xori %iota3A_1235, %xor3A_1237 : vector<16xi32>
      %reshape3A_1239 = vector.shape_cast %xor3A_1238 : vector<16xi32> to vector<16x1xi32>
      %gather3A_1240 = vector.shape_cast %reshape3A_1239 : vector<16x1xi32> to vector<16xi32>
      %gather3A_1241 = tpu.dynamic_gather %select_n3A_1234[%gather3A_1240] in [0] : vector<16xi32>, vector<16xi32> -> vector<16xi32>
      %min3A_1242 = arith.minsi %select_n3A_1234, %gather3A_1241 : vector<16xi32>
      %xor3A_1243 = arith.constant 4 : i32
      %xor3A_1244 = vector.broadcast %xor3A_1243 : i32 to vector<16xi32>
      %xor3A_1245 = arith.xori %iota3A_1235, %xor3A_1244 : vector<16xi32>
      %reshape3A_1246 = vector.shape_cast %xor3A_1245 : vector<16xi32> to vector<16x1xi32>
      %gather3A_1247 = vector.shape_cast %reshape3A_1246 : vector<16x1xi32> to vector<16xi32>
      %gather3A_1248 = tpu.dynamic_gather %min3A_1242[%gather3A_1247] in [0] : vector<16xi32>, vector<16xi32> -> vector<16xi32>
      %min3A_1249 = arith.minsi %min3A_1242, %gather3A_1248 : vector<16xi32>
      %xor3A_1250 = arith.constant 2 : i32
      %xor3A_1251 = vector.broadcast %xor3A_1250 : i32 to vector<16xi32>
      %xor3A_1252 = arith.xori %iota3A_1235, %xor3A_1251 : vector<16xi32>
      %reshape3A_1253 = vector.shape_cast %xor3A_1252 : vector<16xi32> to vector<16x1xi32>
      %gather3A_1254 = vector.shape_cast %reshape3A_1253 : vector<16x1xi32> to vector<16xi32>
      %gather3A_1255 = tpu.dynamic_gather %min3A_1249[%gather3A_1254] in [0] : vector<16xi32>, vector<16xi32> -> vector<16xi32>
      %min3A_1256 = arith.minsi %min3A_1249, %gather3A_1255 : vector<16xi32>
      %xor3A_1257 = arith.constant 1 : i32
      %xor3A_1258 = vector.broadcast %xor3A_1257 : i32 to vector<16xi32>
      %xor3A_1259 = arith.xori %iota3A_1235, %xor3A_1258 : vector<16xi32>
      %reshape3A_1260 = vector.shape_cast %xor3A_1259 : vector<16xi32> to vector<16x1xi32>
      %gather3A_1261 = vector.shape_cast %reshape3A_1260 : vector<16x1xi32> to vector<16xi32>
      %gather3A_1262 = tpu.dynamic_gather %min3A_1256[%gather3A_1261] in [0] : vector<16xi32>, vector<16xi32> -> vector<16xi32>
      %min3A_1263 = arith.minsi %min3A_1256, %gather3A_1262 : vector<16xi32>
      %eq3A_1264 = arith.constant 14 : i32
      %eq3A_1265 = vector.broadcast %eq3A_1264 : i32 to vector<16xi32>
      %eq3A_1266 = arith.cmpi eq, %iota3A, %eq3A_1265 : vector<16xi32>
      %select_n3A_1267 = arith.select %eq3A_1266, %min3A_1263, %select_n3A_1197 : vector<16xi1>, vector<16xi32>
      %iota3A_1268 = tpu.iota {dimensions = array<i32: 0>} : vector<16xi32>
      %xor3A_1269 = arith.constant 8 : i32
      %xor3A_1270 = vector.broadcast %xor3A_1269 : i32 to vector<16xi32>
      %xor3A_1271 = arith.xori %iota3A_1268, %xor3A_1270 : vector<16xi32>
      %reshape3A_1272 = vector.shape_cast %xor3A_1271 : vector<16xi32> to vector<16x1xi32>
      %gather3A_1273 = vector.shape_cast %reshape3A_1272 : vector<16x1xi32> to vector<16xi32>
      %gather3A_1274 = tpu.dynamic_gather %scan3A_776#7[%gather3A_1273] in [0] : vector<16xf32>, vector<16xi32> -> vector<16xf32>
      %min3A_1275 = arith.minimumf %scan3A_776#7, %gather3A_1274 : vector<16xf32>
      %xor3A_1276 = arith.constant 4 : i32
      %xor3A_1277 = vector.broadcast %xor3A_1276 : i32 to vector<16xi32>
      %xor3A_1278 = arith.xori %iota3A_1268, %xor3A_1277 : vector<16xi32>
      %reshape3A_1279 = vector.shape_cast %xor3A_1278 : vector<16xi32> to vector<16x1xi32>
      %gather3A_1280 = vector.shape_cast %reshape3A_1279 : vector<16x1xi32> to vector<16xi32>
      %gather3A_1281 = tpu.dynamic_gather %min3A_1275[%gather3A_1280] in [0] : vector<16xf32>, vector<16xi32> -> vector<16xf32>
      %min3A_1282 = arith.minimumf %min3A_1275, %gather3A_1281 : vector<16xf32>
      %xor3A_1283 = arith.constant 2 : i32
      %xor3A_1284 = vector.broadcast %xor3A_1283 : i32 to vector<16xi32>
      %xor3A_1285 = arith.xori %iota3A_1268, %xor3A_1284 : vector<16xi32>
      %reshape3A_1286 = vector.shape_cast %xor3A_1285 : vector<16xi32> to vector<16x1xi32>
      %gather3A_1287 = vector.shape_cast %reshape3A_1286 : vector<16x1xi32> to vector<16xi32>
      %gather3A_1288 = tpu.dynamic_gather %min3A_1282[%gather3A_1287] in [0] : vector<16xf32>, vector<16xi32> -> vector<16xf32>
      %min3A_1289 = arith.minimumf %min3A_1282, %gather3A_1288 : vector<16xf32>
      %xor3A_1290 = arith.constant 1 : i32
      %xor3A_1291 = vector.broadcast %xor3A_1290 : i32 to vector<16xi32>
      %xor3A_1292 = arith.xori %iota3A_1268, %xor3A_1291 : vector<16xi32>
      %reshape3A_1293 = vector.shape_cast %xor3A_1292 : vector<16xi32> to vector<16x1xi32>
      %gather3A_1294 = vector.shape_cast %reshape3A_1293 : vector<16x1xi32> to vector<16xi32>
      %gather3A_1295 = tpu.dynamic_gather %min3A_1289[%gather3A_1294] in [0] : vector<16xf32>, vector<16xi32> -> vector<16xf32>
      %min3A_1296 = arith.minimumf %min3A_1289, %gather3A_1295 : vector<16xf32>
      %eq3A_1297 = arith.cmpf oeq, %scan3A_776#7, %min3A_1296 : vector<16xf32>
      %mul3A_1298 = arith.constant 16 : i32
      %mul3A_1299 = vector.broadcast %mul3A_1298 : i32 to vector<16xi32>
      %mul3A_1300 = arith.muli %scan3A_776#15, %mul3A_1299 : vector<16xi32>
      %add3A_1301 = arith.addi %mul3A_1300, %iota3A : vector<16xi32>
      %jit3A_1302 = arith.constant 8192 : i32
      %broadcast_in_dim3A_1303 = vector.broadcast %jit3A_1302 : i32 to vector<16xi32>
      %select_n3A_1304 = arith.select %eq3A_1297, %add3A_1301, %broadcast_in_dim3A_1303 : vector<16xi1>, vector<16xi32>
      %iota3A_1305 = tpu.iota {dimensions = array<i32: 0>} : vector<16xi32>
      %xor3A_1306 = arith.constant 8 : i32
      %xor3A_1307 = vector.broadcast %xor3A_1306 : i32 to vector<16xi32>
      %xor3A_1308 = arith.xori %iota3A_1305, %xor3A_1307 : vector<16xi32>
      %reshape3A_1309 = vector.shape_cast %xor3A_1308 : vector<16xi32> to vector<16x1xi32>
      %gather3A_1310 = vector.shape_cast %reshape3A_1309 : vector<16x1xi32> to vector<16xi32>
      %gather3A_1311 = tpu.dynamic_gather %select_n3A_1304[%gather3A_1310] in [0] : vector<16xi32>, vector<16xi32> -> vector<16xi32>
      %min3A_1312 = arith.minsi %select_n3A_1304, %gather3A_1311 : vector<16xi32>
      %xor3A_1313 = arith.constant 4 : i32
      %xor3A_1314 = vector.broadcast %xor3A_1313 : i32 to vector<16xi32>
      %xor3A_1315 = arith.xori %iota3A_1305, %xor3A_1314 : vector<16xi32>
      %reshape3A_1316 = vector.shape_cast %xor3A_1315 : vector<16xi32> to vector<16x1xi32>
      %gather3A_1317 = vector.shape_cast %reshape3A_1316 : vector<16x1xi32> to vector<16xi32>
      %gather3A_1318 = tpu.dynamic_gather %min3A_1312[%gather3A_1317] in [0] : vector<16xi32>, vector<16xi32> -> vector<16xi32>
      %min3A_1319 = arith.minsi %min3A_1312, %gather3A_1318 : vector<16xi32>
      %xor3A_1320 = arith.constant 2 : i32
      %xor3A_1321 = vector.broadcast %xor3A_1320 : i32 to vector<16xi32>
      %xor3A_1322 = arith.xori %iota3A_1305, %xor3A_1321 : vector<16xi32>
      %reshape3A_1323 = vector.shape_cast %xor3A_1322 : vector<16xi32> to vector<16x1xi32>
      %gather3A_1324 = vector.shape_cast %reshape3A_1323 : vector<16x1xi32> to vector<16xi32>
      %gather3A_1325 = tpu.dynamic_gather %min3A_1319[%gather3A_1324] in [0] : vector<16xi32>, vector<16xi32> -> vector<16xi32>
      %min3A_1326 = arith.minsi %min3A_1319, %gather3A_1325 : vector<16xi32>
      %xor3A_1327 = arith.constant 1 : i32
      %xor3A_1328 = vector.broadcast %xor3A_1327 : i32 to vector<16xi32>
      %xor3A_1329 = arith.xori %iota3A_1305, %xor3A_1328 : vector<16xi32>
      %reshape3A_1330 = vector.shape_cast %xor3A_1329 : vector<16xi32> to vector<16x1xi32>
      %gather3A_1331 = vector.shape_cast %reshape3A_1330 : vector<16x1xi32> to vector<16xi32>
      %gather3A_1332 = tpu.dynamic_gather %min3A_1326[%gather3A_1331] in [0] : vector<16xi32>, vector<16xi32> -> vector<16xi32>
      %min3A_1333 = arith.minsi %min3A_1326, %gather3A_1332 : vector<16xi32>
      %eq3A_1334 = arith.constant 15 : i32
      %eq3A_1335 = vector.broadcast %eq3A_1334 : i32 to vector<16xi32>
      %eq3A_1336 = arith.cmpi eq, %iota3A, %eq3A_1335 : vector<16xi32>
      %select_n3A_1337 = arith.select %eq3A_1336, %min3A_1333, %select_n3A_1267 : vector<16xi1>, vector<16xi32>
      %mul3A_1338 = arith.constant 16 : i32
      %mul3A_1339 = arith.muli %scan3A_9, %mul3A_1338 : i32
      %swap3A = arith.index_cast %mul3A_1339 : i32 to index
      %swap3A_1340 = tpu.vector_load %arg11[%swap3A] {strides = array<i32>} : memref<128xi32, #tpu.memory_space<vmem>>, vector<16xi32>,
      %swap3A_1341 = vector.shape_cast %swap3A_1340 : vector<16xi32> to vector<16xi32>
      %swap3A_1342 = vector.shape_cast %select_n3A_1337 : vector<16xi32> to vector<16xi32>
      tpu.vector_store %arg11[%swap3A], %swap3A_1342 {strides = array<i32>} : memref<128xi32, #tpu.memory_space<vmem>>, vector<16xi32>,
      %scan3A_1343 = arith.constant 0 : i32
      scf.yield %scan3A_1343 : i32
    }
    %scan3A_8 = arith.constant 8 : i32
    "tpu.region"() ({
      %run_scoped3A = tpu.sem_alloc : memref<!tpu.dma_semaphore, #tpu.memory_space<semaphore_mem>>
      %dma_start3A = tpu.memref_slice %arg6[%mul3A_2] : memref<4096xi32, #tpu.memory_space<hbm>> -> memref<128xi32, #tpu.memory_space<hbm>>
      %dma_start3A_9 = tpu.memref_slice %arg6[%mul3A_2] : memref<4096xi32, #tpu.memory_space<hbm>> -> memref<128xi32, #tpu.memory_space<hbm>>
      tpu.enqueue_dma source(%arg11 : memref<128xi32, #tpu.memory_space<vmem>>) target(%dma_start3A_9 : memref<128xi32, #tpu.memory_space<hbm>>) target_semaphore(%run_scoped3A : memref<!tpu.dma_semaphore, #tpu.memory_space<semaphore_mem>>)
      %dma_wait3A = tpu.memref_slice %arg6[%mul3A_2] : memref<4096xi32, #tpu.memory_space<hbm>> -> memref<128xi32, #tpu.memory_space<hbm>>
      %dma_wait3A_10 = tpu.memref_slice %arg6[%mul3A_2] : memref<4096xi32, #tpu.memory_space<hbm>> -> memref<128xi32, #tpu.memory_space<hbm>>
      tpu.wait_dma2 semaphore(%run_scoped3A : memref<!tpu.dma_semaphore, #tpu.memory_space<semaphore_mem>>) src(%arg11 : memref<128xi32, #tpu.memory_space<vmem>>) dst(%dma_wait3A_10 : memref<128xi32, #tpu.memory_space<hbm>>)
      tpu.yield
    }) : () -> ()
    return
  }
}

</mosaic_0001>

<sc_bundles>
// kernel: kernel.3.cloned.1.call-start
scs
__scs_entry_jumppad:
0x0: {  	(pc) =	sbr.rel $0x88, $3  }
0x1: {  	(tag) =	ssettag $0x0;
	lr =	simm.s32 $0x1  }
0x2: {  	[smem:$0x3F9F] =	sst lr;
	_ =	strace $0xD0000000  }
0x3: {  	_ = 	snop  }
0x4: {  	_ = 	snop  }
0x5: {  	_ = 	snop  }
0x6: {  	_ = 	snop  }
0x7: {  	_ = 	snop  }
__scs_overlays_trampoline_lowered:
0x8: {  	[smem:$0x3FAE] =	sst s0  }
0x9: {  	[smem:$0x3FAF] =	sst s1  }
0xa: {  	[smem:$0x3FB0] =	sst s2  }
0xb: {  	[smem:$0x3FB1] =	sst s3  }
0xc: {  	[smem:$0x3FB2] =	sst s4  }
0xd: {  	[smem:$0x3FB3] =	sst s5  }
0xe: {  	[smem:$0x3FB4] =	sst s6  }
0xf: {  	[smem:$0x3FB5] =	sst s7  }
0x10: {  	[smem:$0x3FB6] =	sst s8  }
0x11: {  	[smem:$0x3FB7] =	sst s9;
	s0 =	simm.s32 @!p0 $0x0  }
0x12: {  	s1 =	sld [smem:$0x3F9D];
	s0 =	simm.s32 @p0 $0x1  }
0x13: {  	[smem:$0x3FB8] =	sst s0;
	s0 =	simm.s32 @!p1 $0x0  }
0x14: {  	s2 =	sld [smem:$0x3F9C];
	s0 =	simm.s32 @p1 $0x1  }
0x15: {  	[smem:$0x3FB9] =	sst s0;
	s0 =	simm.s32 @!p2 $0x0  }
0x16: {  	s3 =	sld [smem:$0x3FDB];
	s0 =	simm.s32 @p2 $0x1  }
0x17: {  	s4 =	simm.s32 $0x1BF5;
	[smem:$0x3FBB] =	sst s0  }
0x18: {  	s0 =	sld [smem:$0x3F9E];
	_ =	swait.ge [sflag:s4], $0x0  }
0x19: {  	s7 =	sld [smem:$0x3F9F]  }
0x1a: {  	s8 =	sadd.s32 $0xFFFFE003, lr  }
0x1b: {  	s9 =	sadd.s32 $0xFFFFFEF7, lr;
	s5 =	simm.s32 $0xFFFFFFFF;
	p2 =	slt.u32 s8, $0xFFFFF086  }
0x1c: {  	p1 =	slt.u32 s9, $0xF7A;
	s5 =	simm.s32 @!p2 $0x0  }
0x1d: {  	s5 =	simm.s32 @p1 $0x1;
	p0 =	seq.s32 s7, s2  }
0x1e: {  	s7 =	smul.u32 @!p0 $0xF7A, s2;
	p2 =	seq.s32 @!p0 s5, $0x0  }
0x1f: {  	s9 =	smul.u32 $0xF7A, s1;
	s8 =	simm.s32 @!p0 $0x1BF5;
	p2 =	por !p2, p0  }
0x20: {  	[sflag:s8] =	ssyncset.s32 @!p0 $0xFFFFF086;
	s6 =	sadd.s32 @!p0 s3, s7;
	s7 =	simm.s32 @!p0 $0x108  }
0x21: {  	s3 =	sadd.s32 s3, s9;
	s6 =	sadd.s32 @!p0 $0x88, s6;
	s7 =	simm.s32 @p2 $0x1082  }
0x22: {  	[simem:s7], [sflag:s8] =	dma.local @!p0 [hbm:s6], $0xF7A  }
0x23: {  	s9 =	sor.u32 $0xD0000000, s2;
	s6 =	simm.s32 $0x108;
	_ =	swait.ge @!p0 [sflag:s8], $0x0  }
0x24: {  	s3 =	sadd.s32 $0x88, s3;
	s6 =	simm.s32 @!p1 $0x1082;
	[sflag:s4] =	ssyncset.s32 $0xFFFFF086  }
0x25: {  	[simem:s6], [sflag:s4] =	dma.local [hbm:s3], $0xF7A  }
0x26: {  	[smem:$0x3F9F] =	sst s1;
	(tag) =	ssettag s2;
	_ =	strace s9  }
0x27: {  	s1 =	sld [smem:$0x3FAF]  }
0x28: {  	s2 =	sld [smem:$0x3FB0]  }
0x29: {  	s4 =	sld [smem:$0x3FB2]  }
0x2a: {  	p0 =	seq.s32 s5, $0x0;
	s5 =	sld [smem:$0x3FB3]  }
0x2b: {  	s6 =	sld [smem:$0x3FB4]  }
0x2c: {  	s7 =	sld [smem:$0x3FB5]  }
0x2d: {  	s3 =	simm.s32 $0x108;
	s8 =	sld [smem:$0x3FB6]  }
0x2e: {  	s3 =	simm.s32 @!p0 $0x1082;
	s9 =	sld [smem:$0x3FB7]  }
0x2f: {  	lr =	sadd.s32 s0, s3;
	s0 =	sld [smem:$0x3FAE]  }
0x30: {  	s3 =	sld [smem:$0x3FB1]  }
0x31: {  	[smem:$0x3FBA] =	sst s10  }
0x32: {  	s10 =	sld [smem:$0x3FB8];
	_ =	sdelay $0x3  }
0x33: {  	p0 =	seq.s32 s10, $0x1;
	s10 =	sld [smem:$0x3FBA];
	_ =	sdelay $0x3  }
0x34: {  	[smem:$0x3FBA] =	sst s10  }
0x35: {  	s10 =	sld [smem:$0x3FB9];
	_ =	sdelay $0x3  }
0x36: {  	p1 =	seq.s32 s10, $0x1;
	s10 =	sld [smem:$0x3FBA];
	_ =	sdelay $0x3  }
0x37: {  	[smem:$0x3FBA] =	sst s10  }
0x38: {  	s10 =	sld [smem:$0x3FBB]  }
0x39: {  	_ = 	snop;
	(pc) =	sbr.ind lr, $3  }
0x3a: {  	_ = 	snop  }
0x3b: {  	_ = 	snop  }
0x3c: {  	p2 =	seq.s32 s10, $0x1;
	s10 =	sld [smem:$0x3FBA]  }
0x3d: {  	_ =	shalt  }
0x3e: {  	_ =	shalt  }
0x3f: {  	_ =	shalt  }
0x40: {  	_ =	shalt  }
0x41: {  	_ =	shalt  }
0x42: {  	_ =	shalt  }
0x43: {  	_ =	shalt  }
0x44: {  	_ =	shalt  }
0x45: {  	_ =	shalt  }
0x46: {  	_ =	shalt  }
0x47: {  	_ =	shalt  }
0x48: {  	_ =	shalt  }
0x49: {  	_ =	shalt  }
0x4a: {  	_ =	shalt  }
0x4b: {  	_ =	shalt  }
0x4c: {  	_ =	shalt  }
0x4d: {  	_ =	shalt  }
0x4e: {  	_ =	shalt  }
0x4f: {  	_ =	shalt  }
0x50: {  	_ =	shalt  }
0x51: {  	_ =	shalt  }
0x52: {  	_ =	shalt  }
0x53: {  	_ =	shalt  }
0x54: {  	_ =	shalt  }
0x55: {  	_ =	shalt  }
0x56: {  	_ =	shalt  }
0x57: {  	_ =	shalt  }
0x58: {  	_ =	shalt  }
0x59: {  	_ =	shalt  }
0x5a: {  	_ =	shalt  }
0x5b: {  	_ =	shalt  }
0x5c: {  	_ =	shalt  }
0x5d: {  	_ =	shalt  }
0x5e: {  	_ =	shalt  }
0x5f: {  	_ =	shalt  }
0x60: {  	_ =	shalt  }
0x61: {  	_ =	shalt  }
0x62: {  	_ =	shalt  }
0x63: {  	_ =	shalt  }
0x64: {  	_ =	shalt  }
0x65: {  	_ =	shalt  }
0x66: {  	_ =	shalt  }
0x67: {  	_ =	shalt  }
0x68: {  	_ =	shalt  }
0x69: {  	_ =	shalt  }
0x6a: {  	_ =	shalt  }
0x6b: {  	_ =	shalt  }
0x6c: {  	_ =	shalt  }
0x6d: {  	_ =	shalt  }
0x6e: {  	_ =	shalt  }
0x6f: {  	_ =	shalt  }
0x70: {  	_ =	shalt  }
0x71: {  	_ =	shalt  }
0x72: {  	_ =	shalt  }
0x73: {  	_ =	shalt  }
0x74: {  	_ =	shalt  }
0x75: {  	_ =	shalt  }
0x76: {  	_ =	shalt  }
0x77: {  	_ =	shalt  }
0x78: {  	_ =	shalt  }
0x79: {  	_ =	shalt  }
0x7a: {  	_ =	shalt  }
0x7b: {  	_ =	shalt  }
0x7c: {  	_ =	shalt  }
0x7d: {  	_ =	shalt  }
0x7e: {  	_ =	shalt  }
0x7f: {  	_ =	shalt  }
0x80: {  	_ =	shalt  }
0x81: {  	_ =	shalt  }
0x82: {  	_ =	shalt  }
0x83: {  	_ =	shalt  }
0x84: {  	_ =	shalt  }
0x85: {  	_ =	shalt  }
0x86: {  	_ =	shalt  }
0x87: {  	_ =	shalt  }
.Lfunc_end0:
.L_simem_size_0:
called_computation_lowered:
.L_overlay_start_0:
0x88: {  	s2 =	sld [smem:$0x3FD9]  }
0x89: {  	s3 =	sld [smem:$0x3FFE];
	_ =	sdelay $0x1  }
0x8a: {  	s1 =	srdreg.scid  }
0x8b: {  	s0 =	sand.u32 $0x1, s1  }
0x8c: {  	s17 =	sshll.u32 s0, $0xA;
	s2 =	sadd.s32 s3, s2  }
0x8d: {  	s2 =	sadd.s32 s2, s17  }
0x8e: {  	[smem:$0x3FC6] =	sst s2  }
0x8f: {  	_ = 	snop  }
0x90: {  	s2 =	sld [smem:$0x3FD0];
	(tm) =	ssettm $0x1  }
0x91: {  	s18 =	sld [smem:$0x3FFB];
	_ =	sdelay $0x3  }
0x92: {  	_ =	strace s18  }
0x93: {  	s3 =	sld [smem:$0x3FFC];
	_ =	sdelay $0x3  }
0x94: {  	_ =	strace s3  }
0x95: {  	s3 =	sld [smem:$0x3FFD];
	_ =	sdelay $0x3  }
0x96: {  	_ =	strace s3  }
0x97: {  	_ =	strace $0x8FFFFFFF  }
0x98: {  	s19 =	sld [smem:$0x3FDB];
	_ =	sdelay $0x1  }
0x99: {  	s4 =	simm.s32 $_scs_section_size  }
0x9a: {  	s5 =	simm.s32 $_size__tile_overlayer_lowered;
	s6 =	simm.s32 $_tile_overlayer_lowered  }
0x9b: {  	s22 =	simm.s32 $0x1BFF;
	s21 =	sshll.u32 s6, $0x1;
	s3 =	sadd.s32 s4, s19  }
0x9c: {  	s7 =	simm.s32 $0x0;
	s20 =	sshll.u32 s5, $0x1;
	s5 =	sadd.s32 s21, s3  }
0x9d: {  	[timem:s7], [sflag:s22] =	dma.local [hbm:s5], s20  }
0x9e: {  	_ =	swait.ge [sflag:s22], s20  }
0x9f: {  	s4 =	ssub.s32 $0x0, s20;
	[sflag:s22] =	ssyncset.done $0x0  }
0xa0: {  	[sflag:s22] =	ssyncadd.s32 s4;
	_ =	sdelay $0x1  }
0xa1: {  	s23 =	simm.s32 $0x1B8B  }
0xa2: {  	_ =	swait.ge [sflag:s23], $0x1  }
0xa3: {  	[sflag:s23] =	ssyncset.done $0x0  }
0xa4: {  	s25 =	simm.s32 $0x1B8E;
	s24 =	sld [smem:$0x3FFE];
	[sflag:s23] =	ssyncadd.s32 $0xFFFFFFFF  }
0xa5: {  	s26 =	simm.s32 $execute0_lowered;
	[smem:$0x3FD2] =	sst s25  }
0xa6: {  	s5 =	sshll.u32 s26, $0x1;
	_ =	strace $0x80000046;
	[dreg:$0x1] =	wrdreg $0xFFFFFFFF  }
0xa7: {  	s28 =	simm.s32 $_size_execute0_lowered;
	s3 =	sadd.s32 s3, s5;
	[dreg:$0x0] =	wrdreg $0x0  }
0xa8: {  	s5 =	sshll.u32 s28, $0x1;
	[dreg:$0x2] =	wrdreg s3  }
0xa9: {  	[dreg:$0x3] =	wrdreg s5  }
0xaa: {  	[dreg:$0x4] =	wrdreg $0xC0  }
0xab: {  	_ =	task [dreg:s7], $0x5FFFF  }
0xac: {  	[dreg:$0x1] =	wrdreg $0xFFFFFFFF  }
0xad: {  	[dreg:$0x0] =	wrdreg $0x60  }
0xae: {  	[dreg:$0x2] =	wrdreg s24  }
0xaf: {  	[dreg:$0x3] =	wrdreg s2  }
0xb0: {  	[dreg:$0x4] =	wrdreg $0x9  }
0xb1: {  	_ =	task.clear_ibuf [dreg:s7], $0x5FFFF;
	_ =	strace $0x90000046  }
0xb2: {  	s29 =	simm.s32 $0x9;
	_ =	strace $0x80000048  }
0xb3: {  	_ =	swait.ge [sflag:s29], $0x1  }
0xb4: {  	[sflag:s29] =	ssyncadd.s32 $0xFFFFFFFF  }
0xb5: {  	_ =	strace $0x90000048  }
0xb6: {  	_ =	sfence  }
0xb7: {  	s30 =	sld [smem:$0x0];
	_ =	sdelay $0x2  }
0xb8: {  	s31 =	sshll.u32 s1, $0xD;
	s1 =	sshrl.u32 s1, $0x2  }
0xb9: {  	s3 =	sand.u32 $0x4000, s31;
	s1 =	sadd.s32 s1, s30  }
0xba: {  	s0 =	sor.u32 s3, s0;
	s1 =	sshll.u32 s1, $0x11  }
0xbb: {  	s0 =	sor.u32 s1, s0  }
0xbc: {  	s0 =	sadd.s32 $0x8F2B, s0  }
0xbd: {  	[sflag:s0] =	ssyncadd.remote.s32 $0x1  }
0xbe: {  	_ =	sfence.sel $0xFFFF  }
0xbf: {  	[dreg:$0x0] =	wrdreg $0xFFFFFFFF;
	(pc) =	sbr.abs _section_cstart, $3  }
0xc0: {  	[dreg:$0x1] =	wrdreg $0xFFFFFFFF  }
0xc1: {  	_ =	task.clear_ibuf [dreg:s7], $0x2FFFF;
	_ =	strace $0x9FFFFFFF  }
0xc2: {  	(tm) =	ssettm $0x7FFFFFFF  }
0xc3: {  	_ =	shalt  }
tec
execute0_lowered:
.L_overlay_start_1:
0x0: {  	(tag) =	ssettag $0x1  }
0x1: {  	v0 =	vimm.s32 $0xFEDCBA98;
	v1 =	vimm.s32 $0x76543210;
	v2 =	vimm.s32 $0xBA98FEDC  }
0x2: {  	v3 =	vimm.s32 $0x32107654;
	v4 =	vimm.s32 $0xDCFE98BA;
	v5 =	vimm.s32 $0x54761032  }
0x3: {  	v6 =	vimm.s32 $0xEFCDAB89;
	v7 =	vimm.s32 $0x67452301;
	v0 =	vunpack.c.l.s4.s8 v0  }
0x4: {  	s4 =	rddreg [dreg:$0x0];
	v1 =	vunpack.c.l.s4.s8 v1;
	v2 =	vunpack.c.l.s4.s8 v2;
	v3 =	vunpack.c.l.s4.s8 v3  }
0x5: {  	s7 =	rddreg [dreg:$0x1];
	v4 =	vunpack.c.l.s4.s8 v4;
	v5 =	vunpack.c.l.s4.s8 v5;
	v6 =	vunpack.c.l.s4.s8 v6  }
0x6: {  	s0 =	rddreg [dreg:$0x2];
	s3 =	srdreg.scid;
	v7 =	vunpack.c.l.s4.s8 v7;
	v0 =	vunpack.c.0.s8.s32 v0;
	v2 =	vunpack.c.0.s8.s32 v2  }
0x7: {  	s2 =	simm.s32 $0x0;
	s1 =	stileid.u32;
	s10 =	simm.s32 $0x80;
	v3 =	vunpack.c.0.s8.s32 v3;
	v4 =	vunpack.c.0.s8.s32 v4;
	v1 =	vunpack.c.0.s8.s32 v1  }
0x8: {  	s11 =	simm.s32 $0x100;
	s12 =	simm.s32 $0x2100;
	s13 =	simm.s32 $0x4100;
	v5 =	vunpack.c.0.s8.s32 v5;
	v6 =	vunpack.c.0.s8.s32 v6;
	v0 =	vand.u32 $0xF, v0  }
0x9: {  	s14 =	simm.s32 $0x0;
	s3 =	sand.u32 $0x1, s3;
	[smem:$0x7FF] =	sst s2;
	v7 =	vunpack.c.0.s8.s32 v7;
	v2 =	vcombine.low v3, v2;
	v0 =	vcombine.low v0, v1  }
0xa: {  	s5 =	sshll.u32 s1, $0x5;
	s6 =	sshll.u32 s3, $0x4;
	_ =	strace $0x80000047;
	v59 =	vcombine.low v5, v4  }
0xb: {  	s31 =	ssub.s32 $0x2, s3;
	s3 =	sadd.s32 $0x1200, s4;
	s8 =	sor.u32 s6, s5;
	v60 =	vcombine.low v7, v6;
	v61 =	vand.u32 $0xF, v2;
	[tilespmem:$0x1FFC0] =	vst v0  }
0xc: {  	s9 =	sshrl.u32 s31, $0x1;
	s6 =	sadd.s32 s8, s4;
	s4 =	sadd.s32 $0xE00, s4;
	v62 =	vand.u32 $0xF, v59;
	[tilespmem:$0x1FFD0] =	vst v61  }
0xd: {  	s9 =	ssub.s32 s31, s9;
	s7 =	sadd.s32 s7, s8;
	s5 =	sadd.s32 $0xC00, s6;
	v63 =	vand.u32 $0xF, v60;
	[tilespmem:$0x1FFE0] =	vst v62  }
0xe: {  	s6 =	sadd.s32 $0xA00, s6;
	s8 =	smax.u32 s9, $0x1;
	s9 =	simm.s32 $0x1;
	[tilespmem:$0x1FFF0] =	vst v63  }
.LBB2_1:
0xf: {  	[tilespmem:s2], [sflag:$0x1] =	stream.linear.gather [hbm4b:s5+s2], $0x80, $0x38;
	[tilespmem:$0x4180] =	vst v63  }
0x10: {  	_ =	swait.ge [sflag:s9], $0x80  }
0x11: {  	[sflag:s9] =	ssyncset.done $0x0  }
0x12: {  	[sflag:s9] =	ssyncadd.s32 $0xFFFFFF80  }
0x13: {  	[tilespmem:s10], [sflag:$0x1] =	stream.linear.gather [hbm4b:s6+s2], $0x80, $0x38;
	[tilespmem:$0x4180] =	vst v63  }
0x14: {  	_ =	swait.ge [sflag:s9], $0x80  }
0x15: {  	[sflag:s9] =	ssyncset.done $0x0  }
0x16: {  	[sflag:s9] =	ssyncadd.s32 $0xFFFFFF80  }
0x17: {  	[tilespmem:s11], [sflag:$0x1] =	stream.linear.gather [hbm4b:s3+s2], $0x2000, $0x38;
	[tilespmem:$0x4180] =	vst v63  }
0x18: {  	_ =	swait.ge [sflag:s9], $0x2000  }
0x19: {  	[sflag:s9] =	ssyncset.done $0x0  }
0x1a: {  	[sflag:s9] =	ssyncadd.s32 $0xFFFFE000  }
0x1b: {  	[tilespmem:s12], [sflag:$0x1] =	stream.linear.gather [hbm4b:s4+s2], $0x2000, $0x38;
	[tilespmem:$0x4180] =	vst v63  }
0x1c: {  	_ =	swait.ge [sflag:s9], $0x2000  }
0x1d: {  	[sflag:s9] =	ssyncset.done $0x0  }
0x1e: {  	s15 =	simm.s32 $0x0;
	[sflag:s9] =	ssyncadd.s32 $0xFFFFE000  }
.LBB2_2:
0x1f: {  	s16 =	sshll.u32 s15, $0x4  }
0x20: {  	v5 =	vld [tilespmem:s16+$0x0];
	_ =	sdelay $0x2  }
0x21: {  	s17 =	simm.s32 $0x120;
	v24 =	vimm.s32 $0x0;
	v10 =	vld [tilespmem:s16+$0x80]  }
0x22: {  	s18 =	simm.s32 $0x2120;
	v2 =	vimm.s32 $0x1;
	v3 =	vimm.s32 $0x2;
	v4 =	vimm.s32 $0x3;
	v0 =	vld [tilespmem:s17+$0x10]  }
0x23: {  	v6 =	vimm.s32 $0x4;
	v1 =	vld [tilespmem:s18+$0x10];
	v16 =	vperm.xlane v5, v24;
	v25 =	vperm.xlane v5, v2  }
0x24: {  	v7 =	vimm.s32 $0x5;
	v26 =	vperm.xlane v5, v3;
	v27 =	vperm.xlane v5, v4  }
0x25: {  	v8 =	vimm.s32 $0x6;
	v28 =	vperm.xlane v5, v6;
	v29 =	vperm.xlane v5, v7  }
0x26: {  	v9 =	vimm.s32 $0x7;
	v30 =	vperm.xlane v5, v8;
	v31 =	vperm.xlane v10, v24  }
0x27: {  	v33 =	vperm.xlane v10, v2;
	v34 =	vperm.xlane v10, v3;
	v2 =	vsub.f32 v16, v0  }
0x28: {  	v35 =	vperm.xlane v10, v4;
	v3 =	vsub.f32 v31, v1;
	v4 =	vsub.f32 v25, v0  }
0x29: {  	[tilespmem:$0x1FE40] =	vst v5;
	v32 =	vperm.xlane v5, v9;
	v5 =	vsub.f32 v33, v1;
	v12 =	vsub.f32 v26, v0  }
0x2a: {  	v11 =	vld [tilespmem:s18+$0x0];
	v36 =	vperm.xlane v10, v6;
	v13 =	vsub.f32 v34, v1;
	v14 =	vsub.f32 v27, v0  }
0x2b: {  	v38 =	vperm.xlane v10, v7;
	v15 =	vsub.f32 v35, v1;
	v17 =	vsub.f32 v28, v0  }
0x2c: {  	v42 =	vperm.xlane v10, v8;
	v18 =	vsub.f32 v36, v1;
	v19 =	vsub.f32 v29, v0  }
0x2d: {  	v23 =	vperm.xlane v10, v9;
	v39 =	vsub.f32 v38, v1;
	v40 =	vsub.f32 v30, v0  }
0x2e: {  	v49 =	vld [tilespmem:s17+$0xFFFFFFF0];
	v41 =	vsub.f32 v42, v1;
	v22 =	vsub.f32 v32, v0  }
0x2f: {  	v52 =	vld [tilespmem:s18+$0xFFFFFFF0];
	v43 =	vsub.f32 v23, v1;
	v46 =	vsub.f32 v31, v11  }
0x30: {  	v48 =	vsub.f32 v33, v11;
	v51 =	vsub.f32 v34, v11  }
0x31: {  	v54 =	vsub.f32 v35, v11;
	v56 =	vsub.f32 v36, v11  }
0x32: {  	v58 =	vsub.f32 v38, v11;
	v60 =	vsub.f32 v42, v11  }
0x33: {  	v6 =	vld [tilespmem:s17+$0x0];
	v62 =	vsub.f32 v23, v11;
	v63 =	vsub.f32 v16, v49  }
0x34: {  	v8 =	vsub.f32 v31, v52;
	v9 =	vsub.f32 v33, v52  }
0x35: {  	[tilespmem:$0x1FE50] =	vst v10;
	v10 =	vsub.f32 v34, v52;
	v21 =	vsub.f32 v35, v52  }
0x36: {  	v61 =	vsub.f32 v28, v49;
	v1 =	vmul.f32 v3, v3;
	v3 =	vmul.f32 v4, v4  }
0x37: {  	v11 =	vsub.f32 v42, v52;
	v4 =	vmul.f32 v5, v5;
	v5 =	vmul.f32 v17, v17  }
0x38: {  	v17 =	vmul.f32 v56, v56;
	v44 =	vsub.f32 v16, v6;
	v7 =	vsub.f32 v25, v6  }
0x39: {  	v9 =	vmul.f32 v9, v9;
	v50 =	vsub.f32 v26, v6;
	v53 =	vsub.f32 v27, v6  }
0x3a: {  	v10 =	vmul.f32 v10, v10;
	v55 =	vsub.f32 v28, v6;
	v0 =	vsub.f32 v32, v6  }
0x3b: {  	v45 =	vadd.f32 v4, v3;
	v3 =	vmul.f32 v14, v14;
	v4 =	vmul.f32 v15, v15  }
0x3c: {  	v14 =	vmul.f32 v22, v22;
	v15 =	vmul.f32 v43, v43;
	[tilespmem:$0x1FEF0] =	vst v0;
	v0 =	vsub.f32 v26, v49  }
0x3d: {  	v21 =	vmul.f32 v21, v21;
	v57 =	vsub.f32 v29, v6;
	v59 =	vsub.f32 v30, v6  }
0x3e: {  	v47 =	vadd.f32 v15, v14;
	v15 =	vmul.f32 v7, v7;
	[tilespmem:$0x1FF20] =	vst v0;
	v0 =	vmul.f32 v2, v2  }
0x3f: {  	v43 =	vld [tilespmem:s18+$0xFFFFFFE0];
	v14 =	vmul.f32 v51, v51;
	v7 =	vmul.f32 v8, v8;
	v2 =	vsub.f32 v27, v49  }
0x40: {  	v6 =	vadd.f32 v1, v0;
	v0 =	vmul.f32 v12, v12;
	v1 =	vmul.f32 v13, v13  }
0x41: {  	v8 =	vmul.f32 v61, v61;
	[tilespmem:$0x1FF40] =	vst v2;
	v2 =	vsub.f32 v36, v52;
	v12 =	vmul.f32 v44, v44  }
0x42: {  	v13 =	vmul.f32 v46, v46;
	v46 =	vsub.f32 v32, v49;
	v0 =	vadd.f32 v1, v0  }
0x43: {  	[tilespmem:$0x1FEE0] =	vst v34;
	v1 =	vadd.f32 v4, v3;
	v3 =	vmul.f32 v19, v19;
	v4 =	vmul.f32 v39, v39  }
0x44: {  	v19 =	vmul.f32 v58, v58;
	v58 =	vsub.f32 v34, v43;
	v34 =	vmul.f32 v62, v62;
	[tilespmem:$0x1FE60] =	vst v0  }
0x45: {  	v0 =	vmul.f32 v18, v18;
	[tilespmem:$0x1FE70] =	vst v1;
	v18 =	vsub.f32 v29, v49;
	v1 =	vsub.f32 v38, v52  }
0x46: {  	v2 =	vmul.f32 v2, v2;
	v39 =	vadd.f32 v4, v3;
	v4 =	vsub.f32 v30, v49  }
0x47: {  	v3 =	vsub.f32 v23, v52;
	v0 =	vadd.f32 v0, v5;
	v5 =	vmul.f32 v40, v40;
	v40 =	vld [tilespmem:s17+$0xFFFFFFE0]  }
0x48: {  	[tilespmem:$0x1FEC0] =	vst v33;
	v52 =	vsub.f32 v33, v43;
	v33 =	vmul.f32 v60, v60;
	v18 =	vmul.f32 v18, v18  }
0x49: {  	v22 =	vadd.f32 v2, v8;
	v8 =	vmul.f32 v4, v4;
	[tilespmem:$0x1FE80] =	vst v0;
	v0 =	vmul.f32 v41, v41  }
0x4a: {  	v20 =	vsub.f32 v25, v49;
	v4 =	vmul.f32 v46, v46;
	v3 =	vmul.f32 v3, v3  }
0x4b: {  	v41 =	vadd.f32 v0, v5;
	v0 =	vadd.f32 v13, v12;
	v12 =	vmul.f32 v48, v48  }
0x4c: {  	v13 =	vmul.f32 v50, v50;
	v50 =	vsub.f32 v31, v43;
	v49 =	vsub.f32 v16, v40  }
0x4d: {  	[tilespmem:$0x1FEA0] =	vst v31;
	v31 =	vmul.f32 v1, v1;
	v51 =	vsub.f32 v25, v40;
	v60 =	vsub.f32 v28, v40  }
0x4e: {  	v5 =	vld [tilespmem:$0x1FEF0];
	v48 =	vadd.f32 v12, v15;
	v12 =	vmul.f32 v53, v53;
	v15 =	vmul.f32 v54, v54  }
0x4f: {  	[tilespmem:$0x1FE90] =	vst v16;
	v2 =	vsub.f32 v29, v40;
	v44 =	vadd.f32 v14, v13;
	v14 =	vmul.f32 v55, v55  }
0x50: {  	[tilespmem:$0x1FEB0] =	vst v25;
	v25 =	vimm.s32 $0x0;
	v16 =	vimm.s32 $0x0;
	v13 =	vadd.f32 v15, v12  }
0x51: {  	v15 =	vmul.f32 v57, v57;
	v37 =	vadd.f32 v17, v14;
	v17 =	vmul.f32 v59, v59  }
0x52: {  	v55 =	vadd.f32 v31, v18;
	v18 =	vsub.f32 v38, v43;
	v1 =	vmul.f32 v50, v50  }
0x53: {  	v14 =	vadd.f32 v19, v15;
	v15 =	vadd.f32 v33, v17;
	v17 =	vmul.f32 v5, v5;
	v5 =	vld [tilespmem:$0x1FF20]  }
0x54: {  	v60 =	vmul.f32 v60, v60;
	v2 =	vmul.f32 v2, v2;
	v57 =	vsub.f32 v26, v40  }
0x55: {  	v59 =	vsub.f32 v27, v40;
	v18 =	vmul.f32 v18, v18;
	v19 =	vmul.f32 v63, v63  }
0x56: {  	[tilespmem:$0x1FED0] =	vst v26;
	v26 =	vimm.f32 $+Inf;
	v12 =	vimm.s32 $0x0;
	v33 =	vmul.f32 v49, v49  }
0x57: {  	[tilespmem:$0x1FF10] =	vst v35;
	v7 =	vadd.f32 v7, v19;
	v19 =	vmul.f32 v20, v20;
	v20 =	vsub.f32 v35, v43  }
0x58: {  	[tilespmem:$0x1FF70] =	vst v38;
	v38 =	vmul.f32 v59, v59;
	v62 =	vadd.f32 v18, v2;
	v35 =	vmul.f32 v5, v5;
	v5 =	vld [tilespmem:$0x1FF40]  }
0x59: {  	v46 =	vadd.f32 v1, v33;
	v1 =	vsub.f32 v42, v43;
	v20 =	vmul.f32 v20, v20  }
0x5a: {  	v17 =	vadd.f32 v34, v17;
	v34 =	vmul.f32 v52, v52;
	v9 =	vadd.f32 v9, v19  }
0x5b: {  	v1 =	vmul.f32 v1, v1;
	v59 =	vadd.f32 v20, v38;
	v20 =	vimm.s32 $0x0  }
0x5c: {  	[tilespmem:$0x1FF30] =	vst v28;
	v19 =	vadd.f32 v10, v35;
	v10 =	vsub.f32 v36, v43;
	v35 =	vmul.f32 v57, v57  }
0x5d: {  	[tilespmem:$0x1FF50] =	vst v36;
	v36 =	vmul.f32 v58, v58;
	v43 =	vsub.f32 v23, v43;
	v28 =	vmul.f32 v5, v5  }
0x5e: {  	[tilespmem:$0x1FFB0] =	vst v23;
	v57 =	vadd.f32 v3, v4;
	v23 =	vimm.f32 $+Inf;
	v3 =	vimm.f32 $+Inf  }
0x5f: {  	v10 =	vmul.f32 v10, v10;
	v53 =	vadd.f32 v21, v28;
	v21 =	vmul.f32 v11, v11  }
0x60: {  	v4 =	vimm.f32 $+Inf;
	v58 =	vadd.f32 v36, v35;
	v5 =	vimm.f32 $+Inf  }
0x61: {  	v60 =	vadd.f32 v10, v60;
	v56 =	vadd.f32 v21, v8;
	v21 =	vmul.f32 v51, v51  }
0x62: {  	v10 =	vmul.f32 v43, v43;
	vm0 =	vlt.f32 v46, v5;
	v8 =	vsub.f32 v30, v40  }
0x63: {  	s19 =	simm.s32 $0x0;
	v2 =	vsel vm0, v46, v5;
	v40 =	vsub.f32 v32, v40;
	v21 =	vadd.f32 v34, v21  }
0x64: {  	v18 =	vsel vm0, s19, v24;
	v11 =	vimm.s32 $0x0;
	v8 =	vmul.f32 v8, v8  }
0x65: {  	vm2 =	vlt.f32 v7, v2;
	v40 =	vmul.f32 v40, v40;
	vm1 =	vlt.f32 v21, v5  }
0x66: {  	s22 =	simm.s32 $0x1;
	[tilespmem:$0x1FF00] =	vst v27;
	v7 =	vsel vm2, v7, v2;
	v61 =	vadd.f32 v1, v8;
	v8 =	vsel vm1, v21, v5  }
0x67: {  	[tilespmem:$0x1FF60] =	vst v29;
	v2 =	vsel vm2, s22, v18;
	v63 =	vadd.f32 v10, v40;
	vm0 =	vlt.f32 v9, v8  }
0x68: {  	[tilespmem:$0x1FF80] =	vst v30;
	v10 =	vsel vm1, s19, v24;
	vm1 =	vlt.f32 v0, v7;
	v8 =	vsel vm0, v9, v8  }
0x69: {  	s21 =	simm.s32 $0x2;
	[tilespmem:$0x1FF90] =	vst v42;
	v21 =	vimm.f32 $+Inf;
	v9 =	vsel vm0, s22, v10;
	vm0 =	vlt.f32 v48, v8  }
0x6a: {  	s20 =	simm.s32 $0x4;
	[tilespmem:$0x1FFA0] =	vst v32;
	v18 =	vsel vm1, v0, v7;
	v51 =	vsel vm0, v48, v8;
	v52 =	vsel vm0, s21, v9  }
.LBB2_3:
0x6b: {  	vm0 =	vlt.f32 v6, v18;
	v0 =	vimm.s32 $0x0  }
0x6c: {  	v0 =	vsel vm0, $0xFFFFFFFF, v0  }
0x6d: {  	v7 =	vsel vm1, s21, v2;
	vm1 =	vlt.f32 v45, v51;
	[tilespmem:$0x1FCD0] =	vst v0;
	v0 =	vsel vm0, v6, v18  }
0x6e: {  	s23 =	sadd.s32 $0x3, s19;
	[tilespmem:$0x1FDC0] =	vst v0;
	v0 =	vsel vm1, v45, v51  }
0x6f: {  	[tilespmem:$0x1FDD0] =	vst v0;
	v0 =	vsel vm1, s23, v52  }
0x70: {  	vm0 =	vlt.f32 v58, v5;
	[tilespmem:$0x1FDE0] =	vst v0;
	v0 =	vimm.s32 $0x0  }
0x71: {  	v0 =	vsel vm0, $0xFFFFFFFF, v0  }
0x72: {  	vm1 =	vlt.f32 v59, v21;
	[tilespmem:$0x1FC50] =	vst v0;
	v0 =	vimm.s32 $0x0  }
0x73: {  	v0 =	vsel vm1, $0xFFFFFFFF, v0  }
0x74: {  	vm2 =	vlt.f32 v60, v23;
	[tilespmem:$0x1FC60] =	vst v0;
	v0 =	vimm.s32 $0x0  }
0x75: {  	v8 =	vsel vm0, v58, v5;
	v0 =	vsel vm2, $0xFFFFFFFF, v0  }
0x76: {  	vm0 =	vlt.f32 v19, v8;
	[tilespmem:$0x1FC70] =	vst v0;
	v0 =	vimm.s32 $0x0  }
0x77: {  	v9 =	vsel vm1, v59, v21;
	v0 =	vsel vm0, $0xFFFFFFFF, v0  }
0x78: {  	vm1 =	vlt.f32 v53, v9;
	[tilespmem:$0x1FC80] =	vst v0;
	v0 =	vimm.s32 $0x0  }
0x79: {  	v10 =	vsel vm2, v60, v23;
	v0 =	vsel vm1, $0xFFFFFFFF, v0  }
0x7a: {  	vm2 =	vlt.f32 v22, v10;
	[tilespmem:$0x1FC90] =	vst v0;
	v0 =	vimm.s32 $0x0  }
0x7b: {  	v8 =	vsel vm0, v19, v8;
	v0 =	vsel vm2, $0xFFFFFFFF, v0  }
0x7c: {  	vm0 =	vlt.f32 v44, v8;
	[tilespmem:$0x1FCA0] =	vst v0;
	v0 =	vimm.s32 $0x0  }
0x7d: {  	v9 =	vsel vm1, v53, v9;
	v0 =	vsel vm0, $0xFFFFFFFF, v0  }
0x7e: {  	vm1 =	vlt.f32 v13, v9;
	[tilespmem:$0x1FCB0] =	vst v0;
	v0 =	vimm.s32 $0x0  }
0x7f: {  	v0 =	vsel vm1, $0xFFFFFFFF, v0  }
0x80: {  	[tilespmem:$0x1FCC0] =	vst v0;
	v0 =	vld [tilespmem:$0x1FE80]  }
0x81: {  	v1 =	vld [tilespmem:$0x1FE70]  }
0x82: {  	v2 =	vld [tilespmem:$0x1FE60];
	v10 =	vsel vm2, v22, v10  }
0x83: {  	vm9 =	vlt.f32 v37, v10  }
0x84: {  	v6 =	vsel vm0, v44, v8;
	v8 =	vsel vm1, v13, v9;
	v9 =	vsel vm9, v37, v10  }
0x85: {  	vm13 =	vlt.f32 v62, v3;
	vm14 =	vlt.f32 v61, v4;
	vm12 =	vlt.f32 v0, v9  }
0x86: {  	vm15 =	vlt.f32 v63, v26;
	vm11 =	vlt.f32 v1, v8;
	v0 =	vsel vm12, v0, v9  }
0x87: {  	vm10 =	vlt.f32 v2, v6;
	v1 =	vsel vm11, v1, v8;
	[tilespmem:$0x1FE00] =	vst v0;
	v0 =	vsel vm13, v62, v3  }
0x88: {  	v2 =	vsel vm10, v2, v6;
	[tilespmem:$0x1FD90] =	vst v1;
	v1 =	vsel vm14, v61, v4;
	vm6 =	vlt.f32 v55, v0  }
0x89: {  	v6 =	vsel vm15, v63, v26;
	vm7 =	vlt.f32 v56, v1;
	v0 =	vsel vm6, v55, v0  }
0x8a: {  	vm8 =	vlt.f32 v57, v6;
	v1 =	vsel vm7, v56, v1;
	vm3 =	vlt.f32 v14, v0  }
0x8b: {  	v6 =	vsel vm8, v57, v6;
	vm4 =	vlt.f32 v15, v1;
	v0 =	vsel vm3, v14, v0  }
0x8c: {  	vm5 =	vlt.f32 v17, v6;
	v1 =	vsel vm4, v15, v1;
	vm0 =	vlt.f32 v39, v0  }
0x8d: {  	v6 =	vsel vm5, v17, v6;
	vm1 =	vlt.f32 v41, v1;
	v0 =	vsel vm0, v39, v0  }
0x8e: {  	vm2 =	vlt.f32 v47, v6;
	[tilespmem:$0x1FE10] =	vst v0;
	v0 =	vsel vm1, v41, v1  }
0x8f: {  	[tilespmem:$0x1FE30] =	vst v0;
	v0 =	vsel vm2, v47, v6  }
0x90: {  	[tilespmem:$0x1FD70] =	vst v0;
	v0 =	vsel vm13, s19, v24  }
0x91: {  	v1 =	vsel vm14, s19, v25;
	v0 =	vsel vm6, s22, v0  }
0x92: {  	v3 =	vsel vm15, s19, v11;
	v1 =	vsel vm7, s22, v1;
	v0 =	vsel vm3, s21, v0  }
0x93: {  	v3 =	vsel vm8, s22, v3;
	v1 =	vsel vm4, s21, v1;
	v0 =	vsel vm0, s23, v0  }
0x94: {  	v3 =	vsel vm5, s21, v3;
	[tilespmem:$0x1FDA0] =	vst v0;
	v0 =	vsel vm1, s23, v1  }
0x95: {  	[tilespmem:$0x1FD40] =	vst v0;
	v0 =	vsel vm2, s23, v3  }
0x96: {  	[tilespmem:$0x1FDB0] =	vst v0;
	v0 =	vld [tilespmem:$0x1FC50]  }
0x97: {  	v1 =	vld [tilespmem:$0x1FC60]  }
0x98: {  	[tilespmem:$0x1FD60] =	vst v2;
	v2 =	vld [tilespmem:$0x1FC70];
	_ =	sdelay $0x2  }
0x99: {  	vm0 =	vnez.u8 v0  }
0x9a: {  	v0 =	vsel vm0, s19, v20;
	vm0 =	vnez.u8 v1  }
0x9b: {  	v1 =	vsel vm0, s19, v16;
	vm0 =	vnez.u8 v2;
	v2 =	vld [tilespmem:$0x1FC80];
	_ =	sdelay $0x4  }
0x9c: {  	v3 =	vsel vm0, s19, v12;
	vm0 =	vnez.u8 v2;
	v2 =	vld [tilespmem:$0x1FC90];
	_ =	sdelay $0x4  }
0x9d: {  	v0 =	vsel vm0, s22, v0;
	vm0 =	vnez.u8 v2;
	v2 =	vld [tilespmem:$0x1FCA0];
	_ =	sdelay $0x4  }
0x9e: {  	v1 =	vsel vm0, s22, v1;
	vm0 =	vnez.u8 v2;
	v2 =	vld [tilespmem:$0x1FCB0];
	_ =	sdelay $0x2  }
0x9f: {  	v42 =	vld [tilespmem:$0x1FEA0]  }
0xa0: {  	v43 =	vld [tilespmem:$0x1FED0]  }
0xa1: {  	v3 =	vsel vm0, s22, v3;
	vm0 =	vnez.u8 v2;
	v2 =	vld [tilespmem:$0x1FCC0]  }
0xa2: {  	v48 =	vld [tilespmem:$0x1FEE0]  }
0xa3: {  	v50 =	vld [tilespmem:$0x1FF10]  }
0xa4: {  	v49 =	vld [tilespmem:$0x1FF30]  }
0xa5: {  	s17 =	sadd.s32 $0x40, s17;
	v34 =	vld [tilespmem:$0x1FF60]  }
0xa6: {  	s18 =	sadd.s32 $0x40, s18;
	v54 =	vld [tilespmem:s17+$0xFFFFFFF0];
	v0 =	vsel vm0, s21, v0;
	vm0 =	vnez.u8 v2  }
0xa7: {  	v5 =	vld [tilespmem:s18+$0x10];
	v0 =	vsel vm10, s23, v0;
	v1 =	vsel vm0, s21, v1  }
0xa8: {  	v44 =	vld [tilespmem:$0x1FF00];
	v3 =	vsel vm9, s21, v3;
	[tilespmem:$0x1FE20] =	vst v0;
	v0 =	vsel vm11, s23, v1  }
0xa9: {  	v10 =	vld [tilespmem:s18+$0x0];
	[tilespmem:$0x1FD80] =	vst v0;
	v0 =	vsel vm12, s23, v3  }
0xaa: {  	[tilespmem:$0x1FD50] =	vst v0;
	v0 =	vld [tilespmem:$0x1FCD0]  }
0xab: {  	v57 =	vld [tilespmem:s18+$0xFFFFFFF0]  }
0xac: {  	v4 =	vld [tilespmem:s17+$0x10]  }
0xad: {  	v30 =	vsub.f32 v43, v54;
	v35 =	vsub.f32 v42, v5;
	v8 =	vld [tilespmem:$0x1FFA0]  }
0xae: {  	v32 =	vsub.f32 v44, v54;
	v21 =	vsub.f32 v42, v10;
	v39 =	vld [tilespmem:$0x1FEB0]  }
0xaf: {  	v56 =	vsub.f32 v48, v10;
	v59 =	vsub.f32 v50, v10;
	v2 =	vld [tilespmem:$0x1FE90];
	vm0 =	vnez.u8 v0  }
0xb0: {  	v29 =	vsub.f32 v48, v57;
	v31 =	vsub.f32 v50, v57;
	v0 =	vsel vm0, s23, v7;
	v7 =	vld [tilespmem:s17+$0x0]  }
0xb1: {  	v37 =	vsub.f32 v43, v4;
	v13 =	vsub.f32 v49, v4  }
0xb2: {  	v15 =	vsub.f32 v34, v4;
	v46 =	vsub.f32 v8, v4  }
0xb3: {  	v9 =	vsub.f32 v48, v5;
	v11 =	vsub.f32 v44, v4;
	v3 =	vld [tilespmem:$0x1FF80]  }
0xb4: {  	v18 =	vsub.f32 v39, v4;
	v33 =	vsub.f32 v2, v4  }
0xb5: {  	v47 =	vld [tilespmem:$0x1FEC0];
	v20 =	vsub.f32 v2, v7;
	v45 =	vsub.f32 v39, v7  }
0xb6: {  	v6 =	vld [tilespmem:$0x1FF90];
	v55 =	vsub.f32 v43, v7;
	v58 =	vsub.f32 v44, v7  }
0xb7: {  	v60 =	vsub.f32 v49, v7;
	v62 =	vsub.f32 v34, v7  }
0xb8: {  	v1 =	vld [tilespmem:$0x1FF50];
	v22 =	vsub.f32 v3, v7;
	v23 =	vsub.f32 v8, v7;
	v7 =	vmul.f32 v33, v33  }
0xb9: {  	v25 =	vsub.f32 v42, v57;
	v41 =	vsub.f32 v49, v54;
	[tilespmem:$0x1FDF0] =	vst v0  }
0xba: {  	v28 =	vsub.f32 v39, v54;
	v36 =	vsub.f32 v47, v5;
	v0 =	vld [tilespmem:$0x1FF70];
	[tilespmem:$0x1FCE0] =	vst v7;
	v7 =	vmul.f32 v18, v18  }
0xbb: {  	v27 =	vsub.f32 v47, v57;
	v40 =	vsub.f32 v6, v57  }
0xbc: {  	v12 =	vsub.f32 v50, v5;
	v26 =	vsub.f32 v2, v54;
	[tilespmem:$0x1FCF0] =	vst v7;
	v7 =	vmul.f32 v36, v36  }
0xbd: {  	v52 =	vmul.f32 v35, v35;
	v14 =	vsub.f32 v1, v5;
	v17 =	vsub.f32 v3, v4;
	v4 =	vld [tilespmem:$0x1FFB0]  }
0xbe: {  	v35 =	vld [tilespmem:s17+$0xFFFFFFE0];
	v61 =	vsub.f32 v1, v10;
	v38 =	vsub.f32 v3, v54;
	[tilespmem:$0x1FD00] =	vst v7;
	v7 =	vmul.f32 v37, v37  }
0xbf: {  	v51 =	vmul.f32 v11, v11;
	v11 =	vld [tilespmem:s18+$0xFFFFFFE0];
	v33 =	vsub.f32 v1, v57;
	v16 =	vsub.f32 v0, v5  }
0xc0: {  	v63 =	vsub.f32 v0, v10;
	v18 =	vsub.f32 v34, v54;
	[tilespmem:$0x1FD10] =	vst v7;
	v7 =	vmul.f32 v9, v9  }
0xc1: {  	v36 =	vsub.f32 v0, v57;
	v9 =	vmul.f32 v13, v13;
	v13 =	vmul.f32 v16, v16  }
0xc2: {  	v16 =	vsub.f32 v8, v54;
	v54 =	vsub.f32 v4, v57;
	v57 =	vmul.f32 v46, v46  }
0xc3: {  	v46 =	vmul.f32 v45, v45;
	v45 =	vsub.f32 v39, v35;
	v39 =	vsub.f32 v43, v35  }
0xc4: {  	v43 =	vsub.f32 v48, v11;
	v48 =	vsub.f32 v50, v11  }
0xc5: {  	v50 =	vsub.f32 v1, v11;
	v1 =	vsub.f32 v0, v11;
	v0 =	vld [tilespmem:$0x1FCE0]  }
0xc6: {  	v42 =	vsub.f32 v42, v11;
	v19 =	vsub.f32 v6, v5  }
0xc7: {  	v53 =	vsub.f32 v47, v10;
	v24 =	vsub.f32 v6, v10;
	[tilespmem:$0x1FD20] =	vst v7;
	v7 =	vmul.f32 v14, v14  }
0xc8: {  	v47 =	vsub.f32 v47, v11;
	v5 =	vsub.f32 v4, v5  }
0xc9: {  	v21 =	vmul.f32 v21, v21;
	[tilespmem:$0x1FD30] =	vst v7;
	v7 =	vsub.f32 v2, v35;
	v2 =	vsub.f32 v3, v35  }
0xca: {  	v56 =	vmul.f32 v56, v56;
	v3 =	vsub.f32 v6, v11;
	v6 =	vadd.f32 v52, v0;
	v0 =	vld [tilespmem:$0x1FCF0]  }
0xcb: {  	v10 =	vsub.f32 v4, v10;
	v11 =	vsub.f32 v4, v11;
	v4 =	vmul.f32 v7, v7;
	v7 =	vld [tilespmem:$0x1FD00]  }
0xcc: {  	v59 =	vmul.f32 v59, v59;
	v29 =	vmul.f32 v29, v29  }
0xcd: {  	v31 =	vmul.f32 v31, v31;
	v15 =	vmul.f32 v15, v15  }
0xce: {  	v25 =	vmul.f32 v25, v25;
	v42 =	vmul.f32 v42, v42  }
0xcf: {  	v19 =	vmul.f32 v19, v19;
	v53 =	vmul.f32 v53, v53  }
0xd0: {  	v24 =	vmul.f32 v24, v24;
	v52 =	vmul.f32 v45, v45;
	v45 =	vadd.f32 v7, v0;
	v0 =	vld [tilespmem:$0x1FD10]  }
0xd1: {  	v27 =	vmul.f32 v27, v27;
	v40 =	vmul.f32 v40, v40;
	v7 =	vld [tilespmem:$0x1FD20]  }
0xd2: {  	v61 =	vmul.f32 v61, v61;
	v17 =	vmul.f32 v17, v17  }
0xd3: {  	v38 =	vmul.f32 v38, v38;
	v20 =	vmul.f32 v20, v20  }
0xd4: {  	v44 =	vsub.f32 v44, v35;
	v55 =	vmul.f32 v55, v55;
	v60 =	vmul.f32 v60, v60  }
0xd5: {  	v49 =	vsub.f32 v49, v35;
	v62 =	vmul.f32 v62, v62;
	v22 =	vmul.f32 v22, v22  }
0xd6: {  	v63 =	vmul.f32 v63, v63;
	v37 =	vmul.f32 v12, v12;
	v0 =	vadd.f32 v7, v0  }
0xd7: {  	v10 =	vmul.f32 v10, v10;
	v20 =	vadd.f32 v21, v20;
	v21 =	vmul.f32 v44, v44  }
0xd8: {  	v12 =	vmul.f32 v23, v23;
	v23 =	vmul.f32 v26, v26;
	[tilespmem:$0x1FE60] =	vst v0;
	v0 =	vadd.f32 v37, v51  }
0xd9: {  	v44 =	vadd.f32 v56, v55;
	v26 =	vmul.f32 v28, v28;
	v28 =	vmul.f32 v30, v30  }
0xda: {  	v56 =	vadd.f32 v40, v38;
	v30 =	vmul.f32 v32, v32;
	v32 =	vmul.f32 v41, v41;
	[tilespmem:$0x1FE70] =	vst v0;
	v0 =	vld [tilespmem:$0x1FD30]  }
0xdb: {  	v36 =	vmul.f32 v36, v36;
	v41 =	vadd.f32 v19, v17;
	v23 =	vadd.f32 v25, v23  }
0xdc: {  	v17 =	vadd.f32 v10, v12;
	v19 =	vadd.f32 v29, v28;
	v14 =	vmul.f32 v5, v5  }
0xdd: {  	v5 =	vsub.f32 v34, v35;
	v34 =	vmul.f32 v18, v18;
	v16 =	vmul.f32 v16, v16  }
0xde: {  	v54 =	vmul.f32 v54, v54;
	v1 =	vmul.f32 v1, v1;
	v35 =	vsub.f32 v8, v35  }
0xdf: {  	v8 =	vmul.f32 v47, v47;
	v47 =	vadd.f32 v14, v57;
	v0 =	vadd.f32 v0, v9  }
0xe0: {  	v25 =	vld [tilespmem:$0x1FD40];
	v14 =	vadd.f32 v63, v62;
	v57 =	vadd.f32 v54, v16;
	v2 =	vmul.f32 v2, v2  }
0xe1: {  	v12 =	vld [tilespmem:$0x1FD50];
	v3 =	vmul.f32 v3, v3;
	v37 =	vadd.f32 v61, v60;
	[tilespmem:$0x1FE80] =	vst v0;
	v0 =	vmul.f32 v5, v5  }
0xe2: {  	v16 =	vld [tilespmem:$0x1FD80];
	v61 =	vmul.f32 v49, v49;
	v9 =	vmul.f32 v39, v39;
	v39 =	vadd.f32 v13, v15  }
0xe3: {  	v15 =	vadd.f32 v24, v22;
	v24 =	vmul.f32 v50, v50;
	v62 =	vadd.f32 v1, v0;
	v0 =	vld [tilespmem:$0x1FDC0]  }
0xe4: {  	v18 =	vmul.f32 v43, v43;
	v43 =	vadd.f32 v53, v46;
	v53 =	vadd.f32 v31, v30;
	v1 =	vld [tilespmem:$0x1FDD0]  }
0xe5: {  	v58 =	vmul.f32 v58, v58;
	v60 =	vadd.f32 v24, v61;
	v61 =	vadd.f32 v3, v2;
	v2 =	vld [tilespmem:$0x1FDE0]  }
0xe6: {  	v46 =	vmul.f32 v48, v48;
	v55 =	vadd.f32 v36, v34;
	v8 =	vadd.f32 v8, v52;
	v3 =	vld [tilespmem:$0x1FDF0]  }
0xe7: {  	v10 =	vmul.f32 v11, v11;
	v11 =	vld [tilespmem:$0x1FDB0];
	v4 =	vadd.f32 v42, v4;
	v7 =	vadd.f32 v27, v26  }
0xe8: {  	v33 =	vmul.f32 v33, v33;
	v26 =	vld [tilespmem:$0x1FD70];
	v13 =	vadd.f32 v59, v58;
	v59 =	vadd.f32 v46, v21  }
0xe9: {  	v21 =	vld [tilespmem:$0x1FD90];
	v58 =	vadd.f32 v18, v9;
	vm0 =	vlt.f32 v4, v0;
	vm1 =	vlt.f32 v8, v1  }
0xea: {  	p0 =	slt.u32 s20, $0x1FC;
	v5 =	vld [tilespmem:$0x1FD60];
	v0 =	vsel vm0, v4, v0;
	v1 =	vsel vm1, v8, v1;
	v2 =	vsel vm1, s20, v2  }
.Ltmp0:
0xeb: {  	v24 =	vld [tilespmem:$0x1FDA0];
	v3 =	vsel vm0, s20, v3;
	vm0 =	vlt.f32 v23, v0;
	vm1 =	vlt.f32 v7, v1;
	(pc) =	sbr.rel @p0 .LBB2_3-.Ltmp0, $4  }
0xec: {  	s22 =	sadd.s32 $0x1, s20;
	v9 =	vmul.f32 v35, v35;
	v0 =	vsel vm0, v23, v0;
	v23 =	vld [tilespmem:$0x1FE00];
	v1 =	vsel vm1, v7, v1  }
0xed: {  	v4 =	vsel vm1, s22, v2;
	v2 =	vsel vm0, s22, v3;
	v3 =	vld [tilespmem:$0x1FE10];
	vm1 =	vlt.f32 v20, v0  }
0xee: {  	s21 =	sadd.s32 $0x2, s20;
	v22 =	vadd.f32 v33, v32;
	vm0 =	vlt.f32 v43, v1;
	v18 =	vsel vm1, v20, v0;
	v20 =	vld [tilespmem:$0x1FE20]  }
0xef: {  	s19 =	smov.u32 s20;
	v63 =	vadd.f32 v10, v9;
	s20 =	sadd.s32 $0x4, s20;
	v51 =	vsel vm0, v43, v1;
	v52 =	vsel vm0, s21, v4;
	v4 =	vld [tilespmem:$0x1FE30]  }
0xf0: {  	_ =	sdelay $0x1  }
0xf1: {  	vm2 =	vlt.f32 v62, v3  }
0xf2: {  	v0 =	vsel vm1, s21, v2;
	v2 =	vsel vm2, v62, v3  }
0xf3: {  	v3 =	vsel vm2, s19, v24;
	vm2 =	vlt.f32 v63, v26;
	vm3 =	vlt.f32 v61, v4  }
0xf4: {  	v8 =	vsel vm2, v63, v26;
	v10 =	vsel vm2, s19, v11;
	v4 =	vsel vm3, v61, v4  }
0xf5: {  	v9 =	vsel vm3, s19, v25;
	vm3 =	vlt.f32 v55, v2;
	vm2 =	vlt.f32 v56, v4  }
0xf6: {  	v2 =	vsel vm3, v55, v2;
	v3 =	vsel vm3, s22, v3;
	vm3 =	vlt.f32 v57, v8  }
0xf7: {  	v4 =	vsel vm2, v56, v4;
	v8 =	vsel vm3, v57, v8;
	v9 =	vsel vm2, s22, v9  }
0xf8: {  	vm2 =	vlt.f32 v14, v2;
	v10 =	vsel vm3, s22, v10;
	vm3 =	vlt.f32 v15, v4  }
0xf9: {  	v2 =	vsel vm2, v14, v2;
	v3 =	vsel vm2, s21, v3;
	vm2 =	vlt.f32 v17, v8  }
0xfa: {  	v4 =	vsel vm3, v15, v4;
	v8 =	vsel vm2, v17, v8;
	v9 =	vsel vm3, s21, v9  }
0xfb: {  	s17 =	sadd.s32 $0x3, s19;
	vm3 =	vlt.f32 v39, v2;
	v10 =	vsel vm2, s21, v10;
	vm2 =	vlt.f32 v41, v4  }
0xfc: {  	v14 =	vsel vm3, v39, v2;
	v15 =	vsel vm3, s17, v3;
	vm3 =	vlt.f32 v47, v8  }
0xfd: {  	v4 =	vsel vm2, v41, v4;
	v11 =	vsel vm2, s17, v9;
	vm2 =	vlt.f32 v59, v21  }
0xfe: {  	v3 =	vsel vm3, v47, v8;
	v8 =	vsel vm2, v59, v21;
	v21 =	vld [tilespmem:$0x1FFC0]  }
0xff: {  	vm0 =	vlt.f32 v6, v18;
	vm1 =	vlt.f32 v45, v51  }
0x100: {  	v40 =	vlaneseq.u32;
	v1 =	vsel vm0, v6, v18;
	v6 =	vsel vm1, v45, v51  }
0x101: {  	v28 =	vld [tilespmem:$0x1FFD0];
	v7 =	vsel vm1, s17, v52;
	vm1 =	vlt.f32 v58, v5;
	v0 =	vsel vm0, s17, v0  }
0x102: {  	v5 =	vsel vm1, v58, v5;
	v0 =	vshll.u32 v0, $0x4;
	v2 =	vsel vm3, s17, v10  }
0x103: {  	vm3 =	vlt.f32 v60, v23;
	v10 =	vsel vm1, s19, v20;
	v17 =	vperm.xlane v1, v21  }
0x104: {  	v32 =	vld [tilespmem:$0x1FFE0];
	vm1 =	vlt.f32 v19, v5;
	v9 =	vsel vm3, v60, v23;
	v16 =	vsel vm2, s19, v16  }
0x105: {  	v18 =	vsel vm3, s19, v12;
	v5 =	vsel vm1, v19, v5;
	v12 =	vld [tilespmem:$0x1FE60];
	v17 =	vmin.f32 v1, v17  }
0x106: {  	v10 =	vsel vm1, s22, v10;
	vm2 =	vlt.f32 v53, v8;
	v19 =	vperm.xlane v17, v28  }
0x107: {  	v33 =	vld [tilespmem:$0x1FFF0];
	vm3 =	vlt.f32 v22, v9;
	vm1 =	vlt.f32 v44, v5;
	v8 =	vsel vm2, v53, v8  }
0x108: {  	v9 =	vsel vm3, v22, v9;
	vm4 =	vlt.f32 v13, v8;
	v17 =	vmin.f32 v17, v19  }
0x109: {  	v5 =	vsel vm1, v44, v5;
	v8 =	vsel vm4, v13, v8;
	v13 =	vperm.xlane v17, v32  }
0x10a: {  	v18 =	vsel vm3, s22, v18;
	vm3 =	vlt.f32 v12, v5;
	v19 =	vperm.xlane v6, v21  }
0x10b: {  	v0 =	vor.u32 v40, v0;
	v5 =	vsel vm3, v12, v5;
	v12 =	vmin.f32 v17, v13  }
0x10c: {  	v17 =	vmin.f32 v6, v19;
	v19 =	vperm.xlane v5, v21;
	v13 =	vperm.xlane v12, v33  }
0x10d: {  	v16 =	vsel vm2, s22, v16;
	v10 =	vsel vm1, s21, v10;
	v20 =	vperm.xlane v17, v28  }
0x10e: {  	v22 =	vld [tilespmem:$0x1FE70];
	vm2 =	vlt.f32 v37, v9;
	v12 =	vmin.f32 v12, v13;
	v13 =	vmin.f32 v5, v19  }
0x10f: {  	v9 =	vsel vm2, v37, v9;
	v17 =	vmin.f32 v17, v20;
	v19 =	vperm.xlane v13, v28  }
0x110: {  	v16 =	vsel vm4, s21, v16;
	vm0 =	veq.f32 v1, v12;
	v1 =	vperm.xlane v17, v32  }
0x111: {  	v18 =	vsel vm2, s21, v18;
	v0 =	vnsel vm0, $0x2000, v0;
	v12 =	vmin.f32 v13, v19  }
0x112: {  	v20 =	vld [tilespmem:$0x1FE80];
	v13 =	vperm.xlane v0, v21;
	v1 =	vmin.f32 v17, v1;
	v17 =	vperm.xlane v12, v32  }
0x113: {  	v10 =	vsel vm3, s17, v10;
	vm1 =	vlt.f32 v22, v8;
	v19 =	vperm.xlane v1, v33  }
0x114: {  	v8 =	vsel vm1, v22, v8;
	vm2 =	vlt.s32 v0, v13;
	v12 =	vmin.f32 v12, v17  }
0x115: {  	v0 =	vsel vm2, v0, v13;
	v1 =	vmin.f32 v1, v19;
	v13 =	vperm.xlane v12, v33  }
0x116: {  	v17 =	vperm.xlane v0, v28;
	vm2 =	veq.f32 v6, v1;
	v1 =	vshll.u32 v7, $0x4  }
0x117: {  	vm0 =	vlt.f32 v20, v9;
	v7 =	vshll.u32 v10, $0x4;
	v1 =	vor.u32 v40, v1  }
0x118: {  	v6 =	vmin.f32 v12, v13;
	v1 =	vnsel vm2, $0x2000, v1;
	vm2 =	vlt.s32 v0, v17  }
0x119: {  	v13 =	vsel vm1, s17, v16;
	vm3 =	veq.f32 v5, v6;
	v6 =	vperm.xlane v8, v21  }
0x11a: {  	v5 =	vor.u32 v40, v7;
	v7 =	vsel vm0, v20, v9;
	v9 =	vperm.xlane v1, v21  }
0x11b: {  	v0 =	vsel vm2, v0, v17;
	v5 =	vnsel vm3, $0x2000, v5;
	v6 =	vmin.f32 v8, v6  }
0x11c: {  	v10 =	vperm.xlane v5, v21;
	vm1 =	vlt.s32 v1, v9;
	v12 =	vperm.xlane v6, v28  }
0x11d: {  	v16 =	vperm.xlane v0, v32;
	v1 =	vsel vm1, v1, v9  }
0x11e: {  	vm1 =	vlt.s32 v5, v10;
	v9 =	vperm.xlane v1, v28;
	v6 =	vmin.f32 v6, v12  }
0x11f: {  	v5 =	vsel vm1, v5, v10;
	v12 =	vsel vm0, s17, v18;
	v10 =	vperm.xlane v6, v32  }
0x120: {  	vm0 =	vlt.s32 v0, v16;
	v17 =	vperm.xlane v5, v28;
	vm1 =	vlt.s32 v1, v9  }
0x121: {  	v0 =	vsel vm0, v0, v16;
	v1 =	vsel vm1, v1, v9;
	v6 =	vmin.f32 v6, v10  }
0x122: {  	v10 =	vperm.xlane v7, v21;
	vm1 =	vlt.s32 v5, v17;
	v18 =	vperm.xlane v1, v32  }
0x123: {  	v9 =	vperm.xlane v6, v33;
	v5 =	vsel vm1, v5, v17;
	v17 =	vperm.xlane v14, v21  }
0x124: {  	v23 =	vld [tilespmem:$0x1FE50];
	v10 =	vmin.f32 v7, v10;
	v19 =	vperm.xlane v5, v32;
	vm0 =	vlt.s32 v1, v18  }
0x125: {  	v6 =	vmin.f32 v6, v9;
	v9 =	vperm.xlane v10, v28;
	v1 =	vsel vm0, v1, v18  }
0x126: {  	v18 =	vimm.s32 $0xF;
	vm1 =	veq.f32 v8, v6;
	v6 =	vshll.u32 v13, $0x4  }
0x127: {  	v6 =	vor.u32 v40, v6;
	v8 =	vmin.f32 v10, v9;
	v9 =	vmin.f32 v14, v17  }
0x128: {  	v17 =	vimm.s32 $0xE;
	v10 =	vperm.xlane v8, v32;
	v13 =	vperm.xlane v9, v28  }
0x129: {  	v38 =	vperm.xlane v23, v18;
	v6 =	vnsel vm1, $0x2000, v6;
	v35 =	vperm.xlane v23, v17  }
0x12a: {  	[tilespmem:$0x1FAC0] =	vst v0;
	v0 =	vperm.xlane v6, v21;
	v8 =	vmin.f32 v8, v10;
	v9 =	vmin.f32 v9, v13  }
0x12b: {  	vm1 =	vlt.s32 v5, v19;
	v10 =	vperm.xlane v8, v33;
	v13 =	vperm.xlane v9, v32  }
0x12c: {  	[tilespmem:$0x1FB00] =	vst v1;
	v1 =	vsel vm1, v5, v19;
	v5 =	vshll.u32 v12, $0x4;
	vm2 =	vlt.s32 v6, v0  }
0x12d: {  	[tilespmem:$0x1FB40] =	vst v1;
	v0 =	vsel vm2, v6, v0;
	v1 =	vmin.f32 v8, v10;
	v6 =	vmin.f32 v9, v13  }
0x12e: {  	v8 =	vperm.xlane v4, v21;
	vm0 =	veq.f32 v7, v1;
	v1 =	vor.u32 v40, v5  }
0x12f: {  	v10 =	vperm.xlane v3, v21;
	v5 =	vperm.xlane v6, v33;
	v1 =	vnsel vm0, $0x2000, v1  }
0x130: {  	v2 =	vshll.u32 v2, $0x4;
	v7 =	vperm.xlane v0, v28;
	v9 =	vperm.xlane v1, v21  }
0x131: {  	v5 =	vmin.f32 v6, v5;
	v6 =	vshll.u32 v15, $0x4;
	v15 =	vimm.s32 $0xD  }
0x132: {  	vm0 =	veq.f32 v14, v5;
	v5 =	vor.u32 v40, v6;
	v6 =	vmin.f32 v4, v8  }
0x133: {  	v14 =	vld [tilespmem:$0x1FE40];
	vm1 =	vlt.s32 v1, v9;
	v5 =	vnsel vm0, $0x2000, v5;
	v8 =	vperm.xlane v6, v28  }
0x134: {  	vm0 =	vlt.s32 v0, v7;
	v1 =	vsel vm1, v1, v9;
	v9 =	vperm.xlane v5, v21  }
0x135: {  	v34 =	vperm.xlane v23, v15;
	v0 =	vsel vm0, v0, v7;
	v7 =	vperm.xlane v1, v28  }
0x136: {  	v6 =	vmin.f32 v6, v8;
	v12 =	vperm.xlane v0, v32;
	vm0 =	vlt.s32 v5, v9  }
0x137: {  	v8 =	vperm.xlane v6, v32;
	vm1 =	vlt.s32 v1, v7;
	v5 =	vsel vm0, v5, v9  }
0x138: {  	vm0 =	vlt.s32 v0, v12;
	v61 =	vperm.xlane v14, v15;
	v36 =	vperm.xlane v14, v17  }
0x139: {  	v39 =	vperm.xlane v14, v18;
	v9 =	vperm.xlane v5, v28;
	v6 =	vmin.f32 v6, v8  }
0x13a: {  	v8 =	vmin.f32 v3, v10;
	v1 =	vsel vm1, v1, v7;
	v0 =	vsel vm0, v0, v12  }
0x13b: {  	v12 =	vimm.s32 $0xB;
	v7 =	vperm.xlane v6, v33;
	v10 =	vperm.xlane v8, v28  }
0x13c: {  	v2 =	vor.u32 v40, v2;
	v13 =	vperm.xlane v1, v32;
	v54 =	vperm.xlane v14, v12  }
0x13d: {  	s18 =	simm.s32 $0x2120;
	v29 =	vperm.xlane v23, v12;
	vm1 =	vlt.s32 v5, v9;
	v6 =	vmin.f32 v6, v7  }
0x13e: {  	v15 =	vld [tilespmem:s18+$0x0];
	[tilespmem:$0x1FBB0] =	vst v0;
	v7 =	vshll.u32 v11, $0x4;
	v8 =	vmin.f32 v8, v10;
	v0 =	vsel vm1, v5, v9  }
0x13f: {  	s17 =	simm.s32 $0x120;
	vm0 =	vlt.s32 v1, v13;
	v10 =	vimm.s32 $0x8;
	v11 =	vimm.s32 $0x9  }
0x140: {  	v12 =	vld [tilespmem:s17+$0x0];
	vm2 =	veq.f32 v4, v6;
	v4 =	vor.u32 v40, v7;
	v6 =	vperm.xlane v8, v32  }
0x141: {  	v5 =	vperm.xlane v0, v32;
	v1 =	vsel vm0, v1, v13;
	v41 =	vperm.xlane v14, v10  }
0x142: {  	v42 =	vperm.xlane v14, v11;
	v13 =	vimm.s32 $0xC;
	v31 =	vperm.xlane v23, v10  }
0x143: {  	v37 =	vld [tilespmem:s17+$0xFFFFFFF0];
	v26 =	vperm.xlane v23, v11;
	v47 =	vsub.f32 v29, v15;
	v51 =	vsub.f32 v34, v15  }
0x144: {  	v53 =	vsub.f32 v35, v15;
	v4 =	vnsel vm2, $0x2000, v4;
	v56 =	vperm.xlane v14, v13  }
0x145: {  	v30 =	vperm.xlane v23, v13;
	v6 =	vmin.f32 v8, v6;
	v55 =	vsub.f32 v41, v12  }
0x146: {  	v9 =	vld [tilespmem:s18+$0x10];
	[tilespmem:$0x1FBD0] =	vst v1;
	v1 =	vperm.xlane v4, v21;
	v25 =	vsub.f32 v42, v12;
	v58 =	vsub.f32 v26, v15  }
0x147: {  	vm0 =	vlt.s32 v0, v5;
	v45 =	vsub.f32 v54, v12;
	v50 =	vsub.f32 v61, v12  }
0x148: {  	v52 =	vsub.f32 v36, v12;
	v40 =	vsub.f32 v41, v37;
	v7 =	vperm.xlane v6, v33  }
0x149: {  	v0 =	vsel vm0, v0, v5;
	v5 =	vimm.s32 $0xA;
	v48 =	vsub.f32 v56, v12  }
0x14a: {  	v49 =	vsub.f32 v30, v15;
	v43 =	vperm.xlane v14, v5;
	vm0 =	vlt.s32 v4, v1  }
0x14b: {  	v27 =	vperm.xlane v23, v5;
	v10 =	vsub.f32 v26, v9;
	v16 =	vsub.f32 v29, v9  }
0x14c: {  	v8 =	vld [tilespmem:s17+$0x10];
	[tilespmem:$0x1FBF0] =	vst v0;
	v20 =	vsub.f32 v30, v9;
	v23 =	vsub.f32 v34, v9;
	v0 =	vsel vm0, v4, v1  }
0x14d: {  	v4 =	vsub.f32 v31, v9;
	v6 =	vmin.f32 v6, v7;
	v7 =	vsub.f32 v35, v9  }
0x14e: {  	v13 =	vsub.f32 v27, v9;
	vm0 =	veq.f32 v3, v6;
	v3 =	vsub.f32 v38, v9  }
0x14f: {  	v53 =	vmul.f32 v53, v53;
	v9 =	vsub.f32 v31, v15;
	v6 =	vsub.f32 v43, v12  }
0x150: {  	v44 =	vsub.f32 v27, v15;
	v18 =	vperm.xlane v0, v28;
	v12 =	vsub.f32 v39, v12  }
0x151: {  	v10 =	vmul.f32 v10, v10;
	v1 =	vsub.f32 v41, v8;
	v5 =	vsub.f32 v42, v8  }
0x152: {  	v11 =	vsub.f32 v43, v8;
	v14 =	vsub.f32 v54, v8;
	v2 =	vnsel vm0, $0x2000, v2  }
0x153: {  	v19 =	vsub.f32 v56, v8;
	v22 =	vsub.f32 v61, v8;
	v17 =	vperm.xlane v2, v21  }
0x154: {  	v46 =	vld [tilespmem:s18+$0xFFFFFFF0];
	v24 =	vsub.f32 v36, v8;
	v4 =	vmul.f32 v4, v4;
	v1 =	vmul.f32 v1, v1  }
0x155: {  	v8 =	vsub.f32 v39, v8;
	[tilespmem:$0x1FA50] =	vst v12;
	v12 =	vsub.f32 v38, v15;
	vm0 =	vlt.s32 v2, v17  }
0x156: {  	v9 =	vmul.f32 v9, v9;
	v2 =	vsel vm0, v2, v17;
	v1 =	vadd.f32 v4, v1  }
0x157: {  	v15 =	vsub.f32 v42, v37;
	v3 =	vmul.f32 v3, v3;
	[tilespmem:$0x1FA60] =	vst v12;
	v12 =	vperm.xlane v2, v28  }
0x158: {  	vm0 =	vlt.s32 v0, v18;
	[tilespmem:$0x1F9D0] =	vst v1;
	v1 =	vmul.f32 v11, v11;
	v11 =	vmul.f32 v13, v13  }
0x159: {  	[tilespmem:$0x1FA90] =	vst v15;
	v15 =	vsub.f32 v26, v46;
	v4 =	vsel vm0, v0, v18;
	v13 =	vmul.f32 v16, v16  }
0x15a: {  	vm0 =	vlt.s32 v2, v12;
	v0 =	vadd.f32 v11, v1;
	v11 =	vmul.f32 v14, v14  }
0x15b: {  	[tilespmem:$0x1FAA0] =	vst v15;
	v15 =	vmul.f32 v20, v20;
	v14 =	vmul.f32 v19, v19;
	v20 =	vsel vm0, v2, v12  }
0x15c: {  	v12 =	vmul.f32 v23, v23;
	[tilespmem:$0x1F9E0] =	vst v0;
	v0 =	vadd.f32 v13, v11;
	v11 =	vmul.f32 v22, v22  }
0x15d: {  	v62 =	vsub.f32 v56, v37;
	v8 =	vmul.f32 v8, v8;
	v22 =	vmul.f32 v47, v47  }
0x15e: {  	v2 =	vld [tilespmem:$0x1FA50];
	[tilespmem:$0x1F9F0] =	vst v0;
	v0 =	vadd.f32 v15, v14;
	v14 =	vmul.f32 v55, v55;
	v60 =	vadd.f32 v12, v11  }
0x15f: {  	v11 =	vperm.xlane v4, v32;
	v15 =	vmul.f32 v58, v58;
	v58 =	vadd.f32 v3, v8  }
0x160: {  	v8 =	vmul.f32 v45, v45;
	v21 =	vadd.f32 v9, v14;
	v14 =	vmul.f32 v25, v25  }
0x161: {  	v5 =	vmul.f32 v5, v5;
	vm0 =	vlt.s32 v4, v11;
	v25 =	vmul.f32 v52, v52  }
0x162: {  	v9 =	vadd.f32 v15, v14;
	v15 =	vadd.f32 v22, v8;
	v8 =	vperm.xlane v20, v32  }
0x163: {  	v32 =	vsel vm0, v4, v11;
	v11 =	vadd.f32 v53, v25;
	v25 =	vmul.f32 v2, v2;
	v2 =	vld [tilespmem:$0x1FA60]  }
0x164: {  	v59 =	vadd.f32 v10, v5;
	v5 =	vsub.f32 v36, v37  }
0x165: {  	v28 =	vsub.f32 v43, v37;
	v16 =	vmul.f32 v6, v6;
	v19 =	vmul.f32 v44, v44  }
0x166: {  	v18 =	vsub.f32 v54, v37;
	v23 =	vsub.f32 v61, v37  }
0x167: {  	v13 =	vmul.f32 v24, v24;
	v14 =	vadd.f32 v19, v16;
	v16 =	vmul.f32 v48, v48  }
0x168: {  	v45 =	vsub.f32 v39, v37;
	v19 =	vmul.f32 v49, v49;
	v37 =	vmul.f32 v2, v2;
	v2 =	vld [tilespmem:$0x1FA90]  }
0x169: {  	v57 =	vsub.f32 v31, v46;
	v24 =	vmul.f32 v51, v51;
	v22 =	vmul.f32 v50, v50  }
0x16a: {  	v63 =	vsub.f32 v30, v46;
	v7 =	vmul.f32 v7, v7;
	v16 =	vadd.f32 v19, v16  }
0x16b: {  	v19 =	vadd.f32 v24, v22;
	v22 =	vmul.f32 v40, v40;
	v24 =	vmul.f32 v57, v57  }
0x16c: {  	v17 =	vsub.f32 v27, v46;
	v10 =	vsub.f32 v29, v46;
	v3 =	vld [tilespmem:s17+$0xFFFFFFE0];
	vm0 =	vlt.s32 v20, v8  }
0x16d: {  	v20 =	vsel vm0, v20, v8;
	v8 =	vadd.f32 v24, v22;
	v24 =	vmul.f32 v2, v2;
	v2 =	vld [tilespmem:$0x1FAA0]  }
0x16e: {  	v10 =	vmul.f32 v10, v10;
	v55 =	vadd.f32 v7, v13;
	v7 =	vsub.f32 v34, v46;
	[tilespmem:$0x1FA00] =	vst v0;
	v0 =	vld [tilespmem:s18+$0xFFFFFFE0]  }
0x16f: {  	v5 =	vmul.f32 v5, v5;
	v1 =	vsub.f32 v35, v46;
	v23 =	vmul.f32 v23, v23  }
0x170: {  	v46 =	vsub.f32 v38, v46;
	v13 =	vmul.f32 v63, v63;
	v7 =	vmul.f32 v7, v7  }
0x171: {  	v45 =	vmul.f32 v45, v45;
	v6 =	vsub.f32 v41, v3;
	v47 =	vsub.f32 v42, v3  }
0x172: {  	v49 =	vsub.f32 v43, v3;
	v52 =	vsub.f32 v54, v3;
	v40 =	vmul.f32 v2, v2  }
0x173: {  	[tilespmem:$0x1FA10] =	vst v41;
	v41 =	vmul.f32 v17, v17;
	v57 =	vmul.f32 v18, v18;
	v4 =	vsub.f32 v31, v0  }
0x174: {  	v48 =	vsub.f32 v26, v0;
	v51 =	vadd.f32 v40, v24;
	v40 =	vmul.f32 v1, v1;
	v1 =	vld [tilespmem:$0x1FB00]  }
0x175: {  	[tilespmem:$0x1FA40] =	vst v26;
	v50 =	vsub.f32 v27, v0;
	v26 =	vadd.f32 v7, v23;
	v23 =	vmul.f32 v6, v6  }
0x176: {  	v7 =	vsub.f32 v30, v0;
	v47 =	vmul.f32 v47, v47;
	v4 =	vmul.f32 v4, v4  }
0x177: {  	[tilespmem:$0x1FA30] =	vst v42;
	v6 =	vimm.s32 $0x0;
	v48 =	vmul.f32 v48, v48;
	v42 =	vmul.f32 v50, v50  }
0x178: {  	v22 =	vadd.f32 v37, v25;
	v25 =	vmul.f32 v28, v28;
	v4 =	vadd.f32 v4, v23  }
0x179: {  	[tilespmem:$0x1FA70] =	vst v43;
	v23 =	vsub.f32 v34, v0;
	v43 =	vadd.f32 v48, v47;
	v2 =	vld [tilespmem:$0x1FAC0];
	v1 =	vperm.xlane v1, v33  }
0x17a: {  	v37 =	vmul.f32 v62, v62;
	v62 =	vsub.f32 v35, v0;
	v24 =	vadd.f32 v41, v25  }
0x17b: {  	v7 =	vmul.f32 v7, v7;
	v25 =	vadd.f32 v10, v57;
	v10 =	vsub.f32 v56, v3;
	[tilespmem:$0x1FB10] =	vst v1;
	v1 =	vld [tilespmem:$0x1FB40]  }
0x17c: {  	[tilespmem:$0x1FBA0] =	vst v38;
	v44 =	vadd.f32 v13, v37;
	v23 =	vmul.f32 v23, v23;
	v13 =	vimm.f32 $+Inf  }
0x17d: {  	[tilespmem:$0x1FA80] =	vst v27;
	v27 =	vadd.f32 v40, v5;
	v5 =	vsub.f32 v61, v3;
	v10 =	vmul.f32 v10, v10  }
0x17e: {  	[tilespmem:$0x1FAF0] =	vst v56;
	vm0 =	vlt.f32 v43, v13;
	v56 =	vsub.f32 v36, v3;
	v2 =	vperm.xlane v2, v33  }
0x17f: {  	[tilespmem:$0x1FB80] =	vst v35;
	v3 =	vsub.f32 v39, v3;
	v5 =	vmul.f32 v5, v5;
	v48 =	vadd.f32 v7, v10  }
0x180: {  	s19 =	simm.s32 $0x0;
	[tilespmem:$0x1FAD0] =	vst v2;
	v2 =	vsub.f32 v29, v0;
	v0 =	vsub.f32 v38, v0;
	v1 =	vperm.xlane v1, v33  }
0x181: {  	[tilespmem:$0x1FB60] =	vst v34;
	v7 =	vsel vm0, s19, v6;
	v50 =	vadd.f32 v23, v5;
	v5 =	vsel vm0, v43, v13  }
0x182: {  	vm0 =	vlt.f32 v4, v13;
	v23 =	vmul.f32 v3, v3;
	v0 =	vmul.f32 v0, v0;
	[tilespmem:$0x1FB50] =	vst v1;
	v1 =	vld [tilespmem:$0x1FBB0]  }
0x183: {  	[tilespmem:$0x1FB30] =	vst v61;
	v4 =	vsel vm0, v4, v13;
	v10 =	vsel vm0, s19, v6;
	vm0 =	vlt.f32 v51, v5  }
0x184: {  	[tilespmem:$0x1FB70] =	vst v36;
	v46 =	vmul.f32 v46, v46;
	v5 =	vsel vm0, v51, v5;
	v51 =	vadd.f32 v0, v23;
	v0 =	vld [tilespmem:$0x1FBF0]  }
0x185: {  	[tilespmem:$0x1FB90] =	vst v39  }
0x186: {  	[tilespmem:$0x1FA20] =	vst v31;
	v12 =	vimm.s32 $0x0;
	v45 =	vadd.f32 v46, v45;
	v31 =	vimm.f32 $+Inf  }
0x187: {  	[tilespmem:$0x1FB20] =	vst v30;
	v30 =	vimm.f32 $+Inf;
	v41 =	vmul.f32 v49, v49;
	v1 =	vperm.xlane v1, v33  }
0x188: {  	[tilespmem:$0x1FAB0] =	vst v54;
	v28 =	vimm.s32 $0x0;
	v57 =	vmul.f32 v52, v52;
	v63 =	vmul.f32 v56, v56  }
0x189: {  	s21 =	simm.s32 $0x1;
	v46 =	vadd.f32 v42, v41;
	v61 =	vmul.f32 v2, v2;
	v0 =	vperm.xlane v0, v33;
	[tilespmem:$0x1FBC0] =	vst v1;
	v1 =	vld [tilespmem:$0x1FBD0]  }
0x18a: {  	[tilespmem:$0x1FAE0] =	vst v29;
	v29 =	vimm.s32 $0x0;
	v2 =	vmul.f32 v62, v62;
	v7 =	vsel vm0, s21, v7  }
0x18b: {  	vm0 =	vlt.f32 v8, v4;
	v47 =	vadd.f32 v61, v57;
	[tilespmem:$0x1FC00] =	vst v0;
	v0 =	vperm.xlane v32, v33  }
0x18c: {  	[tilespmem:$0x1FC10] =	vst v32;
	v49 =	vadd.f32 v2, v63;
	v8 =	vsel vm0, v8, v4;
	v3 =	vsel vm0, s21, v10  }
0x18d: {  	vm0 =	vlt.f32 v9, v5;
	v10 =	vimm.f32 $+Inf;
	[tilespmem:$0x1FC20] =	vst v0;
	v0 =	vperm.xlane v20, v33  }
0x18e: {  	s22 =	simm.s32 $0x2;
	[tilespmem:$0x1FC30] =	vst v20;
	v4 =	vsel vm0, v9, v5;
	vm1 =	vlt.f32 v21, v8;
	v1 =	vperm.xlane v1, v33  }
0x18f: {  	v5 =	vsel vm0, s22, v7;
	v9 =	vimm.f32 $+Inf;
	v23 =	vsel vm1, v21, v8;
	[tilespmem:$0x1FC40] =	vst v0  }
0x190: {  	s20 =	simm.s32 $0x4;
	v21 =	vimm.s32 $0x0;
	v32 =	vimm.f32 $+Inf;
	v20 =	vimm.s32 $0x0;
	[tilespmem:$0x1FBE0] =	vst v1  }
.LBB2_5:
0x191: {  	v0 =	vld [tilespmem:$0x1F9D0];
	_ =	sdelay $0x4  }
0x192: {  	vm0 =	vlt.f32 v0, v23  }
0x193: {  	v7 =	vsel vm1, s22, v3;
	vm1 =	vlt.f32 v59, v4;
	v0 =	vsel vm0, v0, v23  }
0x194: {  	s23 =	sadd.s32 $0x3, s19;
	[tilespmem:$0x1F960] =	vst v0;
	v0 =	vsel vm1, v59, v4  }
0x195: {  	v1 =	vimm.s32 $0x0;
	[tilespmem:$0x1F970] =	vst v0;
	v0 =	vsel vm1, s23, v5  }
0x196: {  	v1 =	vsel vm0, $0xFFFFFFFF, v1;
	vm0 =	vlt.f32 v46, v13;
	[tilespmem:$0x1F980] =	vst v0;
	v0 =	vimm.s32 $0x0  }
0x197: {  	v0 =	vsel vm0, $0xFFFFFFFF, v0  }
0x198: {  	vm1 =	vlt.f32 v47, v9;
	[tilespmem:$0x1F7E0] =	vst v0;
	v0 =	vimm.s32 $0x0  }
0x199: {  	v0 =	vsel vm1, $0xFFFFFFFF, v0  }
0x19a: {  	vm2 =	vlt.f32 v48, v10;
	[tilespmem:$0x1F7F0] =	vst v0;
	v0 =	vimm.s32 $0x0  }
0x19b: {  	v8 =	vsel vm0, v46, v13;
	v0 =	vsel vm2, $0xFFFFFFFF, v0  }
0x19c: {  	vm0 =	vlt.f32 v24, v8;
	[tilespmem:$0x1F800] =	vst v0;
	v0 =	vimm.s32 $0x0  }
0x19d: {  	v9 =	vsel vm1, v47, v9;
	v0 =	vsel vm0, $0xFFFFFFFF, v0  }
0x19e: {  	vm1 =	vlt.f32 v25, v9;
	[tilespmem:$0x1F810] =	vst v0;
	v0 =	vimm.s32 $0x0  }
0x19f: {  	v10 =	vsel vm2, v48, v10;
	v0 =	vsel vm1, $0xFFFFFFFF, v0  }
0x1a0: {  	vm2 =	vlt.f32 v44, v10;
	[tilespmem:$0x1F820] =	vst v0;
	v0 =	vimm.s32 $0x0  }
0x1a1: {  	v8 =	vsel vm0, v24, v8;
	v0 =	vsel vm2, $0xFFFFFFFF, v0  }
0x1a2: {  	vm0 =	vlt.f32 v14, v8;
	[tilespmem:$0x1F830] =	vst v0;
	v0 =	vimm.s32 $0x0  }
0x1a3: {  	v9 =	vsel vm1, v25, v9;
	v0 =	vsel vm0, $0xFFFFFFFF, v0  }
0x1a4: {  	vm1 =	vlt.f32 v15, v9;
	[tilespmem:$0x1F840] =	vst v0;
	v0 =	vimm.s32 $0x0  }
0x1a5: {  	[tilespmem:$0x1F860] =	vst v1;
	v1 =	vld [tilespmem:$0x1F9E0];
	v0 =	vsel vm1, $0xFFFFFFFF, v0  }
0x1a6: {  	[tilespmem:$0x1F850] =	vst v0;
	v0 =	vld [tilespmem:$0x1FA00]  }
0x1a7: {  	v2 =	vld [tilespmem:$0x1F9F0]  }
0x1a8: {  	v10 =	vsel vm2, v44, v10  }
0x1a9: {  	vm9 =	vlt.f32 v16, v10;
	v8 =	vsel vm0, v14, v8  }
0x1aa: {  	v10 =	vsel vm9, v16, v10;
	vm10 =	vlt.f32 v1, v8  }
0x1ab: {  	v9 =	vsel vm1, v15, v9;
	v1 =	vsel vm10, v1, v8;
	vm12 =	vlt.f32 v0, v10  }
0x1ac: {  	vm13 =	vlt.f32 v50, v32;
	vm11 =	vlt.f32 v2, v9;
	[tilespmem:$0x1F950] =	vst v1;
	v0 =	vsel vm12, v0, v10  }
0x1ad: {  	vm14 =	vlt.f32 v49, v31;
	v1 =	vsel vm11, v2, v9;
	[tilespmem:$0x1F9B0] =	vst v0;
	v0 =	vsel vm13, v50, v32  }
0x1ae: {  	vm15 =	vlt.f32 v51, v30;
	[tilespmem:$0x1F9C0] =	vst v1;
	v1 =	vsel vm14, v49, v31;
	vm6 =	vlt.f32 v26, v0  }
0x1af: {  	v2 =	vsel vm15, v51, v30;
	vm7 =	vlt.f32 v27, v1;
	v0 =	vsel vm6, v26, v0  }
0x1b0: {  	vm8 =	vlt.f32 v45, v2;
	v1 =	vsel vm7, v27, v1;
	vm3 =	vlt.f32 v19, v0  }
0x1b1: {  	v2 =	vsel vm8, v45, v2;
	vm4 =	vlt.f32 v11, v1;
	v0 =	vsel vm3, v19, v0  }
0x1b2: {  	vm5 =	vlt.f32 v22, v2;
	v1 =	vsel vm4, v11, v1;
	vm0 =	vlt.f32 v60, v0  }
0x1b3: {  	v2 =	vsel vm5, v22, v2;
	vm1 =	vlt.f32 v55, v1;
	v0 =	vsel vm0, v60, v0  }
0x1b4: {  	vm2 =	vlt.f32 v58, v2;
	[tilespmem:$0x1F920] =	vst v0;
	v0 =	vsel vm1, v55, v1;
	v1 =	vsel vm13, s19, v6  }
0x1b5: {  	[tilespmem:$0x1F900] =	vst v0;
	v0 =	vsel vm2, v58, v2;
	v2 =	vsel vm14, s19, v29;
	v1 =	vsel vm6, s21, v1  }
0x1b6: {  	v6 =	vsel vm15, s19, v12;
	v2 =	vsel vm7, s21, v2;
	v1 =	vsel vm3, s22, v1  }
0x1b7: {  	v6 =	vsel vm8, s21, v6;
	[tilespmem:$0x1F910] =	vst v0;
	v2 =	vsel vm4, s22, v2;
	v0 =	vsel vm0, s23, v1  }
0x1b8: {  	v6 =	vsel vm5, s22, v6;
	[tilespmem:$0x1F940] =	vst v0;
	v0 =	vsel vm1, s23, v2  }
0x1b9: {  	[tilespmem:$0x1F8E0] =	vst v0;
	v0 =	vsel vm2, s23, v6  }
0x1ba: {  	[tilespmem:$0x1F8D0] =	vst v0;
	v0 =	vld [tilespmem:$0x1F7E0];
	_ =	sdelay $0x4  }
0x1bb: {  	vm0 =	vnez.u8 v0;
	v0 =	vld [tilespmem:$0x1F7F0];
	_ =	sdelay $0x4  }
0x1bc: {  	v1 =	vsel vm0, s19, v28;
	vm0 =	vnez.u8 v0;
	v0 =	vld [tilespmem:$0x1F800];
	_ =	sdelay $0x4  }
0x1bd: {  	v2 =	vsel vm0, s19, v21;
	vm0 =	vnez.u8 v0;
	v0 =	vld [tilespmem:$0x1F810];
	_ =	sdelay $0x4  }
0x1be: {  	v6 =	vsel vm0, s19, v20;
	vm0 =	vnez.u8 v0;
	v0 =	vld [tilespmem:$0x1F820];
	_ =	sdelay $0x1  }
0x1bf: {  	v52 =	vld [tilespmem:$0x1FA20]  }
0x1c0: {  	v3 =	vld [tilespmem:$0x1FA30]  }
0x1c1: {  	v57 =	vld [tilespmem:$0x1FA40]  }
0x1c2: {  	v1 =	vsel vm0, s21, v1;
	vm0 =	vnez.u8 v0;
	v0 =	vld [tilespmem:$0x1F830]  }
0x1c3: {  	v62 =	vld [tilespmem:$0x1FAB0]  }
0x1c4: {  	v63 =	vld [tilespmem:$0x1FAE0]  }
0x1c5: {  	s18 =	sadd.s32 $0x40, s18;
	v4 =	vld [tilespmem:$0x1FA70]  }
0x1c6: {  	v59 =	vld [tilespmem:s18+$0xFFFFFFF0]  }
0x1c7: {  	v2 =	vsel vm0, s21, v2;
	vm0 =	vnez.u8 v0;
	v0 =	vld [tilespmem:$0x1F840]  }
0x1c8: {  	s17 =	sadd.s32 $0x40, s17;
	v13 =	vld [tilespmem:s18+$0x0]  }
0x1c9: {  	v8 =	vld [tilespmem:s17+$0x10]  }
0x1ca: {  	v9 =	vld [tilespmem:s18+$0x10]  }
0x1cb: {  	v40 =	vld [tilespmem:$0x1FAF0]  }
0x1cc: {  	v33 =	vsub.f32 v57, v59;
	v6 =	vsel vm0, s21, v6;
	vm0 =	vnez.u8 v0;
	v0 =	vld [tilespmem:$0x1F850]  }
0x1cd: {  	v5 =	vld [tilespmem:$0x1FB70];
	v36 =	vsub.f32 v63, v59;
	v44 =	vsub.f32 v57, v13  }
0x1ce: {  	v33 =	vmul.f32 v33, v33;
	v31 =	vsub.f32 v52, v59;
	v45 =	vld [tilespmem:s17+$0xFFFFFFF0];
	v41 =	vsub.f32 v3, v8  }
0x1cf: {  	v36 =	vmul.f32 v36, v36;
	v43 =	vsub.f32 v4, v8;
	v23 =	vsub.f32 v52, v9  }
0x1d0: {  	v14 =	vsub.f32 v62, v8;
	v16 =	vsub.f32 v40, v8;
	v58 =	vld [tilespmem:$0x1FA80];
	v1 =	vsel vm0, s22, v1  }
0x1d1: {  	v23 =	vmul.f32 v23, v23;
	vm0 =	vnez.u8 v0;
	v0 =	vsel vm10, s23, v1;
	v1 =	vld [tilespmem:$0x1F860]  }
0x1d2: {  	v44 =	vmul.f32 v44, v44;
	v22 =	vsub.f32 v5, v8;
	v42 =	vsub.f32 v57, v9;
	v11 =	vld [tilespmem:$0x1FB90]  }
0x1d3: {  	v15 =	vsub.f32 v63, v9;
	v34 =	vsub.f32 v4, v45;
	[tilespmem:$0x1F880] =	vst v23;
	v23 =	vmul.f32 v41, v41;
	v41 =	vld [tilespmem:s17+$0xFFFFFFE0]  }
0x1d4: {  	v38 =	vsub.f32 v40, v45;
	v53 =	vsub.f32 v5, v45;
	v10 =	vld [tilespmem:s17+$0x0];
	v2 =	vsel vm0, s22, v2  }
0x1d5: {  	v60 =	vmul.f32 v43, v43;
	v43 =	vld [tilespmem:s18+$0xFFFFFFE0];
	v6 =	vsel vm9, s22, v6;
	[tilespmem:$0x1F8F0] =	vst v0;
	v0 =	vsel vm11, s23, v2  }
0x1d6: {  	v12 =	vsub.f32 v58, v9;
	v2 =	vld [tilespmem:$0x1FB60];
	[tilespmem:$0x1F930] =	vst v0;
	v0 =	vsel vm12, s23, v6;
	vm0 =	vnez.u8 v1  }
0x1d7: {  	v56 =	vsub.f32 v11, v8;
	v50 =	vsub.f32 v63, v13;
	[tilespmem:$0x1F9A0] =	vst v0;
	v0 =	vld [tilespmem:$0x1FA10];
	v1 =	vsel vm0, s23, v7  }
0x1d8: {  	v32 =	vsub.f32 v3, v45;
	v26 =	vsub.f32 v52, v13;
	v12 =	vmul.f32 v12, v12;
	[tilespmem:$0x1F990] =	vst v1;
	v1 =	vld [tilespmem:$0x1FB30]  }
0x1d9: {  	v31 =	vmul.f32 v31, v31;
	v27 =	vsub.f32 v3, v10;
	v46 =	vsub.f32 v4, v10;
	v6 =	vld [tilespmem:$0x1FB20]  }
0x1da: {  	v35 =	vsub.f32 v58, v59;
	[tilespmem:$0x1F8C0] =	vst v12;
	v12 =	vmul.f32 v56, v56;
	v56 =	vsub.f32 v52, v43  }
0x1db: {  	v14 =	vmul.f32 v14, v14;
	v52 =	vsub.f32 v4, v41;
	v28 =	vsub.f32 v5, v10;
	v7 =	vld [tilespmem:$0x1FB80]  }
0x1dc: {  	v16 =	vmul.f32 v16, v16;
	v21 =	vsub.f32 v62, v45;
	v19 =	vsub.f32 v2, v9  }
0x1dd: {  	v22 =	vmul.f32 v22, v22;
	v39 =	vsub.f32 v0, v8;
	v18 =	vsub.f32 v1, v8;
	v8 =	vld [tilespmem:$0x1FBA0]  }
0x1de: {  	[tilespmem:$0x1F890] =	vst v23;
	v23 =	vmul.f32 v42, v42;
	v37 =	vsub.f32 v2, v13;
	v17 =	vsub.f32 v6, v9  }
0x1df: {  	v42 =	vsub.f32 v2, v59;
	v4 =	vsub.f32 v2, v43;
	v39 =	vmul.f32 v39, v39  }
0x1e0: {  	[tilespmem:$0x1F8A0] =	vst v23;
	v30 =	vsub.f32 v0, v45;
	v54 =	vmul.f32 v17, v17;
	v17 =	vsub.f32 v7, v59  }
0x1e1: {  	v15 =	vmul.f32 v15, v15;
	v23 =	vsub.f32 v1, v45;
	[tilespmem:$0x1F870] =	vst v39;
	v39 =	vsub.f32 v6, v59  }
0x1e2: {  	v55 =	vmul.f32 v18, v18;
	v18 =	vsub.f32 v11, v45;
	v2 =	vld [tilespmem:$0x1F870];
	v45 =	vsub.f32 v8, v59  }
0x1e3: {  	v34 =	vmul.f32 v34, v34;
	v59 =	vsub.f32 v3, v41;
	v3 =	vsub.f32 v5, v41;
	v5 =	vld [tilespmem:$0x1F880]  }
0x1e4: {  	v38 =	vmul.f32 v38, v38;
	v49 =	vsub.f32 v62, v10;
	v61 =	vsub.f32 v6, v13  }
0x1e5: {  	v53 =	vmul.f32 v53, v53;
	[tilespmem:$0x1F8B0] =	vst v60;
	v60 =	vsub.f32 v57, v43;
	v47 =	vsub.f32 v58, v13  }
0x1e6: {  	v57 =	vmul.f32 v61, v61;
	v61 =	vsub.f32 v62, v41;
	v62 =	vsub.f32 v63, v43  }
0x1e7: {  	v50 =	vmul.f32 v50, v50;
	v29 =	vsub.f32 v7, v13;
	v13 =	vsub.f32 v8, v13  }
0x1e8: {  	v32 =	vmul.f32 v32, v32;
	v24 =	vsub.f32 v7, v9;
	v2 =	vadd.f32 v5, v2  }
0x1e9: {  	v63 =	vmul.f32 v13, v13;
	v13 =	vsub.f32 v6, v43;
	v6 =	vsub.f32 v7, v43;
	v7 =	vld [tilespmem:$0x1F8A0]  }
0x1ea: {  	v51 =	vsub.f32 v40, v10;
	v26 =	vmul.f32 v26, v26;
	v27 =	vmul.f32 v27, v27;
	[tilespmem:$0x1F9D0] =	vst v2;
	v2 =	vld [tilespmem:$0x1F890]  }
0x1eb: {  	v46 =	vmul.f32 v46, v46;
	v49 =	vmul.f32 v49, v49  }
0x1ec: {  	v51 =	vmul.f32 v51, v51;
	v47 =	vmul.f32 v47, v47  }
0x1ed: {  	v35 =	vmul.f32 v35, v35;
	v56 =	vmul.f32 v56, v56  }
0x1ee: {  	v28 =	vmul.f32 v28, v28;
	v21 =	vmul.f32 v21, v21;
	v25 =	vsub.f32 v0, v10  }
0x1ef: {  	v19 =	vmul.f32 v19, v19;
	v5 =	vmul.f32 v59, v59;
	v59 =	vadd.f32 v7, v2;
	v2 =	vld [tilespmem:$0x1F8B0]  }
0x1f0: {  	v48 =	vsub.f32 v0, v41;
	v37 =	vmul.f32 v37, v37;
	v0 =	vsub.f32 v40, v41;
	v7 =	vld [tilespmem:$0x1F8C0]  }
0x1f1: {  	v25 =	vmul.f32 v25, v25;
	v30 =	vmul.f32 v30, v30  }
0x1f2: {  	v48 =	vmul.f32 v48, v48;
	v0 =	vmul.f32 v0, v0;
	v20 =	vsub.f32 v1, v10  }
0x1f3: {  	v10 =	vsub.f32 v11, v10;
	v62 =	vmul.f32 v62, v62;
	v24 =	vmul.f32 v24, v24  }
0x1f4: {  	v58 =	vsub.f32 v58, v43;
	v29 =	vmul.f32 v29, v29;
	v17 =	vmul.f32 v17, v17  }
0x1f5: {  	v20 =	vmul.f32 v20, v20;
	v10 =	vmul.f32 v10, v10;
	v2 =	vadd.f32 v7, v2  }
0x1f6: {  	v1 =	vsub.f32 v1, v41;
	v40 =	vmul.f32 v23, v23;
	v23 =	vmul.f32 v52, v52  }
0x1f7: {  	v52 =	vmul.f32 v58, v58;
	v9 =	vsub.f32 v8, v9;
	[tilespmem:$0x1F9E0] =	vst v2;
	v2 =	vadd.f32 v15, v14  }
0x1f8: {  	v1 =	vmul.f32 v1, v1;
	v39 =	vmul.f32 v39, v39  }
0x1f9: {  	v41 =	vsub.f32 v11, v41;
	v9 =	vmul.f32 v9, v9;
	[tilespmem:$0x1F9F0] =	vst v2;
	v2 =	vadd.f32 v54, v16  }
0x1fa: {  	v18 =	vmul.f32 v18, v18;
	v11 =	vadd.f32 v29, v28;
	v43 =	vsub.f32 v8, v43  }
0x1fb: {  	v58 =	vadd.f32 v9, v12;
	v9 =	vadd.f32 v44, v27;
	[tilespmem:$0x1FA00] =	vst v2;
	v2 =	vmul.f32 v4, v4  }
0x1fc: {  	v45 =	vmul.f32 v45, v45;
	v44 =	vadd.f32 v39, v38;
	v27 =	vadd.f32 v17, v53  }
0x1fd: {  	v13 =	vmul.f32 v13, v13;
	v15 =	vadd.f32 v50, v49;
	v50 =	vadd.f32 v2, v1;
	v1 =	vld [tilespmem:$0x1F960]  }
0x1fe: {  	v3 =	vmul.f32 v3, v3;
	v17 =	vadd.f32 v56, v48;
	v45 =	vadd.f32 v45, v18;
	v2 =	vld [tilespmem:$0x1F970]  }
0x1ff: {  	v29 =	vld [tilespmem:$0x1F8E0];
	v48 =	vadd.f32 v13, v0;
	v7 =	vmul.f32 v60, v60;
	v60 =	vadd.f32 v19, v55  }
0x200: {  	v28 =	vld [tilespmem:$0x1F8F0];
	v0 =	vmul.f32 v43, v43;
	v55 =	vadd.f32 v24, v22;
	v19 =	vadd.f32 v37, v20  }
0x201: {  	v12 =	vld [tilespmem:$0x1F8D0];
	v20 =	vadd.f32 v31, v30;
	v5 =	vadd.f32 v7, v5;
	v4 =	vmul.f32 v6, v6  }
0x202: {  	v13 =	vld [tilespmem:$0x1F950];
	v22 =	vadd.f32 v63, v10;
	v7 =	vmul.f32 v41, v41;
	v16 =	vadd.f32 v57, v51  }
0x203: {  	v49 =	vadd.f32 v4, v3;
	v3 =	vld [tilespmem:$0x1F990];
	vm0 =	vlt.f32 v17, v1;
	vm1 =	vlt.f32 v5, v2  }
0x204: {  	v51 =	vadd.f32 v0, v7;
	v0 =	vsel vm0, v17, v1;
	v1 =	vsel vm1, v5, v2;
	v2 =	vld [tilespmem:$0x1F980]  }
0x205: {  	v8 =	vmul.f32 v61, v61;
	v31 =	vld [tilespmem:$0x1F900];
	v10 =	vadd.f32 v33, v32;
	v24 =	vadd.f32 v35, v34  }
0x206: {  	v42 =	vmul.f32 v42, v42;
	v30 =	vld [tilespmem:$0x1F910];
	v14 =	vadd.f32 v47, v46;
	v46 =	vadd.f32 v52, v23  }
0x207: {  	p0 =	slt.u32 s20, $0x1FC;
	v32 =	vld [tilespmem:$0x1F920];
	v47 =	vadd.f32 v62, v8;
	v54 =	vadd.f32 v26, v25  }
.Ltmp1:
0x208: {  	v25 =	vadd.f32 v36, v21;
	v21 =	vld [tilespmem:$0x1F930];
	v26 =	vadd.f32 v42, v40;
	v3 =	vsel vm0, s20, v3;
	(pc) =	sbr.rel @p0 .LBB2_5-.Ltmp1, $4  }
0x209: {  	s21 =	sadd.s32 $0x1, s20;
	v6 =	vld [tilespmem:$0x1F940];
	vm0 =	vlt.f32 v20, v0;
	v2 =	vsel vm1, s20, v2;
	vm1 =	vlt.f32 v10, v1  }
0x20a: {  	v0 =	vsel vm0, v20, v0;
	v20 =	vld [tilespmem:$0x1F9A0];
	v3 =	vsel vm0, s21, v3;
	v1 =	vsel vm1, v10, v1  }
0x20b: {  	s22 =	sadd.s32 $0x2, s20;
	v10 =	vld [tilespmem:$0x1F9B0];
	v2 =	vsel vm1, s21, v2;
	vm1 =	vlt.f32 v54, v0;
	vm0 =	vlt.f32 v9, v1  }
0x20c: {  	s19 =	smov.u32 s20;
	s20 =	sadd.s32 $0x4, s20;
	v23 =	vsel vm1, v54, v0;
	v4 =	vsel vm0, v9, v1;
	v9 =	vld [tilespmem:$0x1F9C0];
	v5 =	vsel vm0, s22, v2  }
0x20d: {  	vm2 =	vlt.f32 v59, v4;
	v1 =	vsel vm1, s22, v3  }
0x20e: {  	s17 =	sadd.s32 $0x3, s19;
	vm1 =	vlt.f32 v46, v13;
	vm14 =	vlt.f32 v50, v32;
	vm15 =	vlt.f32 v49, v31  }
0x20f: {  	vm4 =	vlt.f32 v51, v30;
	v17 =	vsel vm2, v59, v4;
	v18 =	vsel vm2, s17, v5  }
0x210: {  	v39 =	vsel vm14, v50, v32;
	v40 =	vsel vm14, s19, v6;
	v41 =	vsel vm15, v49, v31  }
0x211: {  	v42 =	vsel vm15, s19, v29;
	v43 =	vsel vm4, v51, v30;
	v7 =	vsel vm4, s19, v12  }
0x212: {  	v0 =	vld [tilespmem:$0x1F9D0];
	vm5 =	vlt.f32 v26, v39;
	vm6 =	vlt.f32 v27, v41;
	vm7 =	vlt.f32 v45, v43  }
0x213: {  	v3 =	vsel vm5, s21, v40;
	v4 =	vsel vm6, v27, v41;
	v5 =	vsel vm6, s21, v42  }
0x214: {  	v6 =	vsel vm7, v45, v43;
	v7 =	vsel vm7, s21, v7;
	v45 =	vsel vm1, v46, v13  }
0x215: {  	v46 =	vsel vm1, s19, v28;
	vm15 =	vlt.f32 v48, v10;
	vm9 =	vlt.f32 v11, v4  }
0x216: {  	vm10 =	vlt.f32 v22, v6;
	vm14 =	vlt.f32 v47, v9;
	v48 =	vsel vm15, v48, v10  }
0x217: {  	v62 =	vld [tilespmem:$0x1FBB0];
	vm4 =	vlt.f32 v24, v45;
	v50 =	vsel vm15, s19, v20;
	vm0 =	vlt.f32 v0, v23  }
0x218: {  	v63 =	vld [tilespmem:$0x1FBC0];
	v4 =	vsel vm9, v11, v4;
	v5 =	vsel vm9, s22, v5;
	v6 =	vsel vm10, v22, v6  }
0x219: {  	v7 =	vsel vm10, s22, v7;
	v8 =	vsel vm14, v47, v9;
	v49 =	vsel vm14, s19, v21  }
0x21a: {  	vm6 =	vlt.f32 v44, v48;
	vm14 =	vmmov $0x1;
	v2 =	vsel vm0, v0, v23  }
0x21b: {  	v52 =	vld [tilespmem:$0x1F9F0];
	v0 =	vsel vm5, v26, v39;
	vm12 =	vlt.f32 v55, v4;
	vm13 =	vlt.f32 v58, v6  }
0x21c: {  	v59 =	vld [tilespmem:$0x1FA00];
	vm5 =	vlt.f32 v25, v8;
	v9 =	vsel vm6, v44, v48;
	v13 =	vsel vm6, s21, v50  }
0x21d: {  	v27 =	vld [tilespmem:$0x1FBD0];
	vm6 =	vlt.s32 v62, v63;
	v1 =	vsel vm0, s17, v1;
	vm8 =	vlt.f32 v19, v0  }
0x21e: {  	v28 =	vld [tilespmem:$0x1FBE0];
	v8 =	vsel vm5, v25, v8;
	v10 =	vsel vm5, s21, v49;
	vm9 =	vlt.f32 v16, v9  }
0x21f: {  	v54 =	vld [tilespmem:$0x1FAC0];
	vm5 =	vmmov $0x3;
	v1 =	vshll.u32 v1, $0x4;
	v49 =	vshll.u32 v18, $0x4  }
0x220: {  	v56 =	vld [tilespmem:$0x1FB00];
	v0 =	vsel vm8, v19, v0;
	v3 =	vsel vm8, s22, v3;
	vm8 =	vlt.f32 v15, v8  }
0x221: {  	v57 =	vld [tilespmem:$0x1FB10];
	v9 =	vsel vm9, v16, v9;
	v13 =	vsel vm9, s22, v13;
	v19 =	vsel vm6, v62, v63  }
0x222: {  	v22 =	vld [tilespmem:$0x1FFC0];
	vm9 =	vmmov $0xf;
	vm11 =	vlt.f32 v60, v0;
	v8 =	vsel vm8, v15, v8  }
0x223: {  	v61 =	vld [tilespmem:$0x1FB50];
	v10 =	vsel vm8, s22, v10;
	vm15 =	vlt.f32 v59, v9;
	vm8 =	vlt.s32 v27, v28  }
0x224: {  	v36 =	vld [tilespmem:$0x1FC10];
	v11 =	vsel vm11, v60, v0;
	v12 =	vsel vm11, s17, v3;
	v3 =	vsel vm12, v55, v4  }
0x225: {  	v37 =	vld [tilespmem:$0x1FC20];
	v4 =	vsel vm12, s17, v5;
	v0 =	vsel vm13, v58, v6;
	v5 =	vsel vm13, s17, v7  }
0x226: {  	v51 =	vld [tilespmem:$0x1F9E0];
	v6 =	vsel vm4, v24, v45;
	v7 =	vsel vm4, s21, v46;
	vm11 =	vlt.f32 v52, v8  }
0x227: {  	v31 =	vld [tilespmem:$0x1FBF0];
	v53 =	vperm.xlane v2, v22;
	vm13 =	vlt.s32 v56, v57;
	v9 =	vsel vm15, v59, v9  }
0x228: {  	v32 =	vld [tilespmem:$0x1FC00];
	v29 =	vsel vm8, v27, v28;
	v33 =	vperm.xlane v17, v22;
	v13 =	vsel vm15, s17, v13  }
0x229: {  	v23 =	vld [tilespmem:$0x1FFD0];
	vm15 =	vmmov $0x3f;
	vm7 =	vlt.f32 v14, v6;
	v8 =	vsel vm11, v52, v8  }
0x22a: {  	v55 =	vld [tilespmem:$0x1FAD0];
	v10 =	vsel vm11, s17, v10;
	v16 =	vsel vm13, v56, v57;
	vm13 =	vlt.s32 v36, v37  }
0x22b: {  	v60 =	vld [tilespmem:$0x1FB40];
	v5 =	vshll.u32 v5, $0x4;
	v6 =	vsel vm7, v14, v6;
	v7 =	vsel vm7, s22, v7  }
0x22c: {  	v14 =	vmin.f32 v2, v53;
	vm7 =	vmmov $0x7;
	v35 =	vmin.f32 v17, v33  }
0x22d: {  	v43 =	vld [tilespmem:$0x1FC30];
	v39 =	vsel vm13, v36, v37;
	v47 =	vperm.xlane v8, v22;
	v10 =	vshll.u32 v10, $0x4  }
0x22e: {  	v24 =	vld [tilespmem:$0x1FFE0];
	v37 =	vperm.xlane v3, v22;
	vm10 =	vlt.f32 v51, v6;
	v58 =	vperm.xlane v14, v23  }
0x22f: {  	v44 =	vld [tilespmem:$0x1FC40];
	v6 =	vsel vm10, v51, v6;
	v7 =	vsel vm10, s17, v7;
	vm10 =	vlt.s32 v31, v32  }
0x230: {  	vm12 =	vlt.s32 v54, v55;
	vm4 =	vlt.s32 v60, v61;
	v14 =	vmin.f32 v14, v58  }
0x231: {  	v34 =	vsel vm10, v31, v32;
	v40 =	vperm.xlane v6, v22;
	v7 =	vshll.u32 v7, $0x4  }
0x232: {  	v25 =	vld [tilespmem:$0x1FFF0];
	v32 =	vshll.u32 v13, $0x4;
	v13 =	vmin.f32 v3, v37;
	v15 =	vsel vm12, v54, v55  }
0x233: {  	v26 =	vperm.xlane v14, v24;
	vm12 =	vmmov $0x1f;
	v15 =	vsel vm14, v15, v16  }
0x234: {  	v16 =	vsel vm4, v60, v61;
	vm4 =	vlt.s32 v43, v44;
	v61 =	vperm.xlane v9, v22  }
0x235: {  	v15 =	vsel vm5, v15, v16;
	v14 =	vmin.f32 v14, v26;
	v26 =	vlaneseq.u32  }
0x236: {  	v16 =	vperm.xlane v35, v23;
	v20 =	vsel vm4, v43, v44;
	v15 =	vsel vm7, v15, v19  }
0x237: {  	v30 =	vperm.xlane v14, v25;
	v1 =	vor.u32 v26, v1;
	vm7 =	vmmov $0x7f  }
0x238: {  	v53 =	vor.u32 v26, v7;
	v58 =	vor.u32 v26, v10;
	v15 =	vsel vm9, v15, v29  }
0x239: {  	v63 =	vmin.f32 v9, v61;
	v14 =	vmin.f32 v14, v30;
	v15 =	vsel vm12, v15, v34  }
0x23a: {  	v34 =	vperm.xlane v11, v22;
	vm11 =	veq.f32 v2, v14;
	v2 =	vmin.f32 v35, v16  }
0x23b: {  	v15 =	vsel vm15, v15, v39;
	v16 =	vmin.f32 v6, v40;
	v39 =	vperm.xlane v0, v22  }
0x23c: {  	v1 =	vnsel vm11, $0x2000, v1;
	v41 =	vperm.xlane v2, v24;
	v45 =	vperm.xlane v16, v23  }
0x23d: {  	v33 =	vor.u32 v26, v32;
	v40 =	vperm.xlane v13, v23;
	v38 =	vperm.xlane v1, v22  }
0x23e: {  	v2 =	vmin.f32 v2, v41;
	v14 =	vmin.f32 v16, v45;
	v16 =	vmin.f32 v8, v47  }
0x23f: {  	vm14 =	vlt.s32 v1, v38;
	v46 =	vperm.xlane v2, v25;
	v48 =	vperm.xlane v14, v24  }
0x240: {  	v15 =	vsel vm7, v15, v20;
	v50 =	vperm.xlane v16, v23;
	v1 =	vsel vm14, v1, v38  }
0x241: {  	v42 =	vperm.xlane v1, v23;
	v2 =	vmin.f32 v2, v46;
	v14 =	vmin.f32 v14, v48  }
0x242: {  	v16 =	vmin.f32 v16, v50;
	v46 =	vshll.u32 v12, $0x4;
	vm6 =	veq.f32 v17, v2  }
0x243: {  	v2 =	vor.u32 v26, v49;
	v51 =	vperm.xlane v14, v25;
	v17 =	vperm.xlane v16, v24  }
0x244: {  	v48 =	vor.u32 v26, v46;
	vm5 =	vlt.s32 v1, v42;
	v2 =	vnsel vm6, $0x2000, v2  }
0x245: {  	v1 =	vsel vm5, v1, v42;
	v52 =	vperm.xlane v2, v22;
	v14 =	vmin.f32 v14, v51  }
0x246: {  	v54 =	vmin.f32 v16, v17;
	vm5 =	vmmov $0xff;
	v51 =	vshll.u32 v4, $0x4  }
0x247: {  	v19 =	vperm.xlane v1, v24;
	vm9 =	veq.f32 v6, v14;
	v16 =	vperm.xlane v54, v25  }
0x248: {  	v14 =	vperm.xlane v63, v23;
	v6 =	vnsel vm9, $0x2000, v53;
	vm10 =	vlt.s32 v2, v52  }
0x249: {  	v53 =	vor.u32 v26, v5;
	vm8 =	vlt.s32 v1, v19;
	v2 =	vsel vm10, v2, v52  }
0x24a: {  	v55 =	vperm.xlane v6, v22;
	v7 =	vmin.f32 v54, v16;
	vm10 =	vmmov $0x1ff  }
0x24b: {  	v1 =	vsel vm8, v1, v19;
	v57 =	vperm.xlane v2, v23;
	vm12 =	veq.f32 v8, v7  }
0x24c: {  	v8 =	vmin.f32 v63, v14;
	v14 =	vmin.f32 v0, v39;
	v56 =	vperm.xlane v1, v25  }
0x24d: {  	vm11 =	vlt.s32 v6, v55;
	v7 =	vnsel vm12, $0x2000, v58;
	v27 =	vperm.xlane v8, v24  }
0x24e: {  	v42 =	vperm.xlane v14, v23;
	v6 =	vsel vm11, v6, v55;
	vm14 =	vlt.s32 v2, v57  }
0x24f: {  	v60 =	vperm.xlane v7, v22;
	vm13 =	vlt.s32 v1, v56;
	v59 =	vperm.xlane v6, v23  }
0x250: {  	v2 =	vsel vm14, v2, v57;
	v8 =	vmin.f32 v8, v27;
	vm14 =	vmmov $0x3ff  }
0x251: {  	v1 =	vsel vm13, v1, v56;
	v62 =	vperm.xlane v2, v24;
	vm4 =	vlt.s32 v7, v60  }
0x252: {  	v10 =	vperm.xlane v8, v25;
	vm15 =	vlt.s32 v6, v59;
	v7 =	vsel vm4, v7, v60  }
0x253: {  	v1 =	vsel vm5, v15, v1;
	v6 =	vsel vm15, v6, v59;
	vm6 =	vlt.s32 v2, v62  }
0x254: {  	v21 =	vperm.xlane v7, v23;
	v31 =	vmin.f32 v8, v10;
	v8 =	vmin.f32 v11, v34  }
0x255: {  	v20 =	vperm.xlane v6, v24;
	v2 =	vsel vm6, v2, v62;
	vm13 =	veq.f32 v9, v31  }
0x256: {  	v38 =	vperm.xlane v8, v23;
	v9 =	vmin.f32 v14, v42;
	v16 =	vperm.xlane v2, v25  }
0x257: {  	vm8 =	vlt.s32 v7, v21;
	v45 =	vperm.xlane v9, v24;
	vm7 =	vlt.s32 v6, v20  }
0x258: {  	v7 =	vsel vm8, v7, v21;
	v6 =	vsel vm7, v6, v20;
	vm9 =	vlt.s32 v2, v16  }
0x259: {  	v15 =	vperm.xlane v7, v24;
	v9 =	vmin.f32 v9, v45;
	v2 =	vsel vm9, v2, v16  }
0x25a: {  	v28 =	vperm.xlane v6, v25;
	v49 =	vperm.xlane v9, v25;
	v1 =	vsel vm10, v1, v2  }
0x25b: {  	vm12 =	vlt.s32 v7, v15;
	v2 =	vmin.f32 v8, v38;
	v8 =	vmin.f32 v13, v40  }
0x25c: {  	vm11 =	vlt.s32 v6, v28;
	v30 =	vsel vm12, v7, v15;
	v7 =	vnsel vm13, $0x2000, v33  }
0x25d: {  	v41 =	vperm.xlane v2, v24;
	v13 =	vperm.xlane v8, v24;
	v52 =	vmin.f32 v9, v49  }
0x25e: {  	vm12 =	vmmov $0x7ff;
	v29 =	vsel vm11, v6, v28;
	v35 =	vperm.xlane v30, v25  }
0x25f: {  	v36 =	vperm.xlane v7, v22;
	vm8 =	veq.f32 v0, v52;
	v2 =	vmin.f32 v2, v41  }
0x260: {  	v1 =	vsel vm14, v1, v29;
	v8 =	vmin.f32 v8, v13;
	v43 =	vperm.xlane v2, v25  }
0x261: {  	v0 =	vnsel vm8, $0x2000, v53;
	vm15 =	vlt.s32 v30, v35;
	v47 =	vperm.xlane v8, v25  }
0x262: {  	vm4 =	vlt.s32 v7, v36;
	v55 =	vperm.xlane v0, v22;
	v2 =	vmin.f32 v2, v43  }
0x263: {  	v7 =	vsel vm4, v7, v36;
	v8 =	vmin.f32 v8, v47;
	vm6 =	veq.f32 v11, v2  }
0x264: {  	vm7 =	veq.f32 v3, v8;
	v3 =	vor.u32 v26, v51;
	v2 =	vnsel vm6, $0x2000, v48  }
0x265: {  	v6 =	vsel vm15, v30, v35;
	v3 =	vnsel vm7, $0x2000, v3;
	v50 =	vperm.xlane v2, v22  }
0x266: {  	v10 =	vperm.xlane v7, v23;
	vm13 =	vlt.s32 v0, v55;
	v54 =	vperm.xlane v3, v22  }
0x267: {  	v1 =	vsel vm12, v1, v6;
	v0 =	vsel vm13, v0, v55;
	vm9 =	vlt.s32 v2, v50  }
0x268: {  	vm13 =	vmmov $0x3fff;
	vm11 =	vlt.s32 v3, v54;
	v2 =	vsel vm9, v2, v50  }
0x269: {  	vm5 =	vlt.s32 v7, v10;
	v3 =	vsel vm11, v3, v54;
	v56 =	vperm.xlane v2, v23  }
0x26a: {  	v58 =	vperm.xlane v0, v23;
	v7 =	vsel vm5, v7, v10;
	v4 =	vperm.xlane v3, v23  }
0x26b: {  	vm7 =	vmmov $0xfff;
	v44 =	vperm.xlane v7, v24;
	vm14 =	vlt.s32 v2, v56  }
0x26c: {  	vm5 =	vlt.s32 v0, v58;
	vm15 =	vlt.s32 v3, v4;
	v2 =	vsel vm14, v2, v56  }
0x26d: {  	v0 =	vsel vm5, v0, v58;
	v3 =	vsel vm15, v3, v4;
	v59 =	vperm.xlane v2, v24  }
0x26e: {  	vm10 =	vlt.s32 v7, v44;
	v60 =	vperm.xlane v0, v24;
	v4 =	vperm.xlane v3, v24  }
0x26f: {  	vm11 =	vmmov $0x1fff;
	v7 =	vsel vm10, v7, v44;
	vm6 =	vlt.s32 v2, v59  }
0x270: {  	v57 =	vperm.xlane v7, v25;
	vm8 =	vlt.s32 v3, v4;
	v2 =	vsel vm6, v2, v59  }
0x271: {  	vm9 =	vlt.s32 v0, v60;
	v3 =	vsel vm8, v3, v4;
	v61 =	vperm.xlane v2, v25  }
0x272: {  	s15 =	sadd.s32 $0x1, s15;
	v0 =	vsel vm9, v0, v60;
	vm4 =	vlt.s32 v7, v57;
	v4 =	vperm.xlane v3, v25  }
0x273: {  	p0 =	sne.s32 s15, $0x8;
	v62 =	vperm.xlane v0, v25;
	v5 =	vsel vm4, v7, v57;
	vm10 =	vlt.s32 v2, v61  }
.Ltmp2:
0x274: {  	v1 =	vsel vm7, v1, v5;
	vm12 =	vlt.s32 v3, v4;
	v2 =	vsel vm10, v2, v61;
	(pc) =	sbr.rel @p0 .LBB2_2-.Ltmp2, $4  }
0x275: {  	vm14 =	vlt.s32 v0, v62;
	v63 =	vsel vm12, v3, v4;
	v1 =	vsel vm11, v1, v2  }
0x276: {  	vm15 =	vmmov $0x7fff;
	v0 =	vsel vm14, v0, v62;
	v1 =	vsel vm13, v1, v63  }
0x277: {  	v0 =	vsel vm15, v1, v0  }
0x278: {  	[tilespmem:s16+$0x4100] =	vst v0  }
0x279: {  	s14 =	sadd.s32 $0x1, s14  }
0x27a: {  	p0 =	sne.s32 s14, s8  }
.Ltmp3:
0x27b: {  	_ = 	snop;
	(pc) =	sbr.rel @p0 .LBB2_1-.Ltmp3, $4  }
0x27c: {  	[hbm4b:s7+s2] =	stream.linear.scatter [tilespmem:s13], [sflag:$0x1], $0x80, $0x38;
	[tilespmem:$0x4180] =	vst v63  }
0x27d: {  	_ =	swait.ge [sflag:s9], $0x80  }
0x27e: {  	[sflag:s9] =	ssyncset.done $0x0  }
0x27f: {  	[sflag:s9] =	ssyncadd.s32 $0xFFFFFF80  }
0x280: {  	_ =	sfence.sel $0x180000  }
0x281: {  	[bflag:$0x0] =	sbarrier.arrive $0xFFFF  }
0x282: {  	p0 =	sne.s32 s1, $0x0;
	_ =	strace $0x90000047  }
0x283: {  	s0 =	sadd.s32 @!p0 $0x100000, s0;
	[bflag:$0x2] =	sbarrier.arrive $0xFFFF  }
0x284: {  	[sflag:s0] =	ssyncadd.tile.s32 @!p0 $0x1;
	_ =	shalt  }
.Lfunc_end2:
_tile_overlayer_lowered:
.L_overlay_start_2:
0x285: {  	(tag) =	ssettag $0x2  }
0x286: {  	s0 =	rddreg [dreg:$0x0];
	s2 =	stileid.u32  }
0x287: {  	s1 =	rddreg [dreg:$0x1];
	p0 =	sne.s32 s2, $0x0  }
0x288: {  	s3 =	rddreg [dreg:$0x2];
	[bflag:$0x3] =	sbarrier.arrive $0xFFFF;
	s2 =	simm.s32 @!p0 $0x1C01  }
0x289: {  	[timem:s3], [sflag:s2] =	dma.local @!p0 [hbm:s0], s1  }
0x28a: {  	s0 =	simm.s32 @!p0 $0x1  }
0x28b: {  	_ =	swait.ge @!p0 [sflag:s0], s1  }
0x28c: {  	s1 =	ssub.s32 @!p0 $0x0, s1;
	[sflag:s0] =	ssyncset.done @!p0 $0x0  }
0x28d: {  	[sflag:s0] =	ssyncadd.s32 @!p0 s1  }
0x28e: {  	[bflag:$0x3] =	sbarrier.arrive $0xFFFF  }
0x28f: {  	_ =	shalt  }

</sc_bundles>
